<compile_context>
chip_gen: v7x
topology: tpu7x:2x2x1
jax: 0.10.2.dev20260603
libtpu: 0.0.44.dev20260713+nightly
codegen_flags: <defaults>
</compile_context>

<pallas_src>
import functools

import jax
import jax.numpy as jnp
from jax import lax
from jax.experimental import pallas as pl
from jax.experimental.pallas import tpu as pltpu, tpu_sc as plsc

NC = 2
NS = 16
L = 16
D = 128
VOCAB = 100000
CHR = 10000
CPC = 5
NREG = CPC + 1
SPC_ROWS = 10240
FZ = SPC_ROWS // NS
ZB = 64
WR = 624
REMO = NS * WR
REM = CHR - REMO
B = 128
G = 8
SEGN = 1600
PSHIFT = 18
PMASK = (1 << PSHIFT) - 1


def _sc_scatter_add(grad2d, idx, bvec):
    n = idx.shape[0]
    npw = n // NS
    nseg = npw // SEGN
    nvs = SEGN // L
    maxb = npw // B
    ngrp = (maxb + G - 1) // G
    regsz = npw + NREG * 8 + B

    mesh = plsc.VectorSubcoreMesh(core_axis_name="c", subcore_axis_name="s",
                                  num_cores=NC, num_subcores=NS)

    @functools.partial(
        pl.kernel,
        out_type=jax.ShapeDtypeStruct((VOCAB, D), jnp.float32),
        mesh=mesh,
        scratch_types=[
            pltpu.VMEM((SEGN,), jnp.int32),
            pltpu.VMEM((SEGN,), jnp.int32),
            pltpu.VMEM((SEGN,), jnp.int32),
            pltpu.VMEM((SEGN,), jnp.int32),
            pltpu.VMEM((SEGN,), jnp.int32),
            pltpu.VMEM((B,), jnp.int32),
            pltpu.VMEM((NREG * L,), jnp.int32),
            pltpu.VMEM((NREG * L,), jnp.int32),
            pltpu.VMEM((G, B), jnp.int32),
            pltpu.VMEM((G, B), jnp.int32),
            pltpu.VMEM((B, D), jnp.float32),
            pltpu.VMEM((ZB, D), jnp.float32),
            pltpu.VMEM((L,), jnp.float32),
            pltpu.VMEM_SHARED((SPC_ROWS, D), jnp.float32),
            pltpu.VMEM_SHARED((NS * regsz,), jnp.int32),
            pltpu.SMEM((L,), jnp.int32),
            pltpu.SMEM((L,), jnp.int32),
            pltpu.SemaphoreType.DMA,
        ],
    )
    def k(grad_hbm, idx_hbm, bvec_hbm, out_hbm,
          idx_seg, tgt_a, val_a, tgt_b, val_b, regb, cbuf, obuf, loc2, pos2,
          rows, zbuf, bvec_v, spc, regs_sh, smem_b, smem_l, sem):
        c = lax.axis_index("c")
        s = lax.axis_index("s")

        pltpu.sync_copy(bvec_hbm, bvec_v)

        zv = jnp.zeros((L,), jnp.int32)
        for r in range(NREG):
            cbuf[pl.ds(r * L, L)] = zv

        def count_seg(g, carry):
            pltpu.sync_copy(
                idx_hbm.at[pl.ds(pl.multiple_of(s * npw + g * SEGN, 8), SEGN)],
                idx_seg)

            def count_body(i, carry2):
                v = idx_seg[pl.ds(pl.multiple_of(i * L, L), L)]
                rel = lax.div(v, jnp.int32(CHR)) - c * CPC
                for r in range(CPC):
                    cbuf[pl.ds(r * L, L)] = cbuf[pl.ds(r * L, L)] + jnp.where(
                        rel == r, jnp.int32(1), jnp.int32(0))
                cbuf[pl.ds(CPC * L, L)] = cbuf[pl.ds(CPC * L, L)] + jnp.where(
                    (rel < 0) | (rel >= CPC), jnp.int32(1), jnp.int32(0))
                return carry2
            lax.fori_loop(0, nvs, count_body, 0)
            return carry
        lax.fori_loop(0, nseg, count_seg, 0)

        iota = lax.iota(jnp.int32, L)
        run = jnp.int32(0)
        for r in range(NREG):
            cv = cbuf[pl.ds(r * L, L)]
            if r < CPC:
                smem_b[r] = run
            acc = run
            lov = jnp.zeros((L,), jnp.int32)
            for lane in range(L):
                lov = jnp.where(iota == lane, zv + acc, lov)
                acc = acc + cv[lane]
            obuf[pl.ds(r * L, L)] = lov
            if r < CPC:
                smem_l[r] = acc - run
            run = lax.div(acc + 7, jnp.int32(8)) * 8

        def fill_body(r2, carry):
            bv = bvec_v[...]
            for t in range(D // L):
                zbuf[r2, pl.ds(t * L, L)] = bv
            return carry
        lax.fori_loop(0, ZB, fill_body, 0)

        def place_one(g, tgt_o, val_o):
            pltpu.sync_copy(
                idx_hbm.at[pl.ds(
                    pl.multiple_of(s * npw + g * SEGN, 8), SEGN)],
                idx_seg)

            def place_body(i, carry2):
                iota2 = lax.iota(jnp.int32, L)
                v = idx_seg[pl.ds(pl.multiple_of(i * L, L), L)]
                ch = lax.div(v, jnp.int32(CHR))
                rel = ch - c * CPC
                trash = (rel < 0) | (rel >= CPC)
                relc = jnp.where(trash, jnp.int32(CPC), rel)
                loc = v - ch * CHR
                pos = s * npw + g * SEGN + i * L + iota2
                packed = lax.bitcast_convert_type(
                    (loc.astype(jnp.uint32) << PSHIFT)
                    | pos.astype(jnp.uint32), jnp.int32)
                tgt = jnp.zeros((L,), jnp.int32)
                for r in range(NREG):
                    cur = obuf[pl.ds(r * L, L)]
                    hit = relc == r
                    tgt = jnp.where(hit, cur, tgt)
                    obuf[pl.ds(r * L, L)] = cur + jnp.where(
                        hit, jnp.int32(1), jnp.int32(0))
                off = pl.multiple_of(i * L, L)
                tgt_o[pl.ds(off, L)] = s * regsz + tgt
                val_o[pl.ds(off, L)] = packed
                return carry2
            lax.fori_loop(0, nvs, place_body, 0)

        def place_seg(g, carry):
            even = (g & 1) == 0

            @pl.when((g < nseg) & even)
            def _():
                place_one(g, tgt_a, val_a)

            @pl.when((g < nseg) & jnp.logical_not(even))
            def _():
                place_one(g, tgt_b, val_b)

            @pl.when((g >= 1) & jnp.logical_not(even))
            def _():
                pltpu.sync_copy(val_a, regs_sh.at[tgt_a])

            @pl.when((g >= 1) & even)
            def _():
                pltpu.sync_copy(val_b, regs_sh.at[tgt_b])
            return carry
        lax.fori_loop(0, nseg + 1, place_seg, 0)

        plsc.subcore_barrier()

        def chunk_body(kk, carry):
            base = smem_b[kk]
            ln = smem_l[kk]
            lo = (c * CPC + kk) * CHR
            nb = lax.div(ln + (B - 1), jnp.int32(B))

            for q in range(FZ // ZB):
                pltpu.async_copy(zbuf, spc.at[pl.ds(s * FZ + q * ZB, ZB)],
                                 sem)
            for q in range(FZ // ZB):
                pltpu.make_async_copy(zbuf,
                                      spc.at[pl.ds(s * FZ + q * ZB, ZB)],
                                      sem).wait()

            plsc.subcore_barrier()

            def group_body(gg, carry2):
                def unpack_body(jj, carry3):
                    j = gg * G + jj

                    @pl.when(j < nb)
                    def _():
                        iota3 = lax.iota(jnp.int32, L)
                        pltpu.sync_copy(
                            regs_sh.at[pl.ds(
                                pl.multiple_of(s * regsz + base + j * B, 8),
                                B)],
                            regb)
                        for t in range(B // L):
                            e = j * B + t * L
                            u = lax.bitcast_convert_type(
                                regb[pl.ds(t * L, L)], jnp.uint32)
                            valid = e + iota3 < ln
                            locv = jnp.where(
                                valid, (u >> PSHIFT).astype(jnp.int32),
                                CHR + 8 + s)
                            posv = jnp.where(
                                valid, (u & PMASK).astype(jnp.int32),
                                s * npw + t * L + iota3)
                            loc2[jj, pl.ds(t * L, L)] = locv
                            pos2[jj, pl.ds(t * L, L)] = posv
                    return carry3
                lax.fori_loop(0, G, unpack_body, 0)

                def batch_body(jj, carry3):
                    j = gg * G + jj

                    @pl.when(j < nb)
                    def _():
                        pltpu.async_copy(
                            grad_hbm.at[pos2.at[jj]], rows, sem).wait()
                        pltpu.sync_copy(rows, spc.at[loc2.at[jj]], add=True)
                    return carry3
                lax.fori_loop(0, G, batch_body, 0)
                return carry2
            lax.fori_loop(0, ngrp, group_body, 0)

            plsc.subcore_barrier()

            pltpu.sync_copy(spc.at[pl.ds(s * WR, WR)],
                            out_hbm.at[pl.ds(lo + s * WR, WR)])

            @pl.when(s == 0)
            def _():
                pltpu.sync_copy(spc.at[pl.ds(REMO, REM)],
                                out_hbm.at[pl.ds(lo + REMO, REM)])
            return carry
        lax.fori_loop(0, CPC, chunk_body, 0)

    return k(grad2d, idx, bvec)


def kernel(grad_output, indices, num_weights):
    d = grad_output.shape[-1]
    grad2d = grad_output.reshape(-1, d).astype(jnp.float32)
    idx = indices.reshape(-1).astype(jnp.int32)
    base = jnp.asarray(num_weights, jnp.float32) - jnp.float32(VOCAB)
    bvec = jnp.full((L,), base, jnp.float32)
    return _sc_scatter_add(grad2d, idx, bvec)

# --- scband reference (transcript-rebuilt; emitter-appended) ---
"""Pipeline reference for scband-model-51453708206393 (READ-ONLY COPY).

The authoritative reference and input builder live on the scoring server;
editing this copy changes nothing except your own understanding.
"""

import jax, jax.numpy as jnp
import numpy as np

def setup_inputs(seed: int = 0) -> dict:
    key = jax.random.key(seed)
    k1, k2 = jax.random.split(key)
    grad_output = jax.random.normal(k1, (4096, 50, 128), dtype=jnp.float32)
    indices = jax.random.randint(k2, (4096, 50), 0, 100000, dtype=jnp.int64)
    return {"grad_output": grad_output, "indices": indices, "num_weights": 100000}

def reference(grad_output, indices, num_weights):
    # Faithful translation of aten.embedding_dense_backward with
    # padding_idx=-1 (no padding row) and scale_grad_by_freq=False.
    d = grad_output.shape[-1]
    flat_idx = indices.reshape(-1)
    flat_grad = grad_output.reshape(-1, d)
    static_num_weights = 100000
    grad_weight = jnp.zeros((static_num_weights, d), dtype=grad_output.dtype)
    grad_weight = grad_weight + (jnp.asarray(num_weights) - static_num_weights).astype(grad_output.dtype)
    grad_weight = grad_weight.at[flat_idx].add(flat_grad)
    return grad_weight

if __name__ == "__main__":
    import jax
    _d = setup_inputs()
    print(jax.jit(kernel)(*tuple(_d.values())))

</pallas_src>

<mosaic_0001>
#map = affine_map<(d0, d1) -> (0, 0)>
#map1 = affine_map<(d0, d1) -> (0)>
module attributes {stable_mosaic.version = 14 : i64} {
  func.func @k(%arg0: i32, %arg1: i32, %arg2: memref<204800x128xf32, #tpu.memory_space<hbm>>, %arg3: memref<204800xi32, #tpu.memory_space<hbm>>, %arg4: memref<16xf32, #tpu.memory_space<hbm>>, %arg5: memref<100000x128xf32, #tpu.memory_space<hbm>>, %arg6: memref<1600xi32, #tpu.memory_space<vmem>>, %arg7: memref<1600xi32, #tpu.memory_space<vmem>>, %arg8: memref<1600xi32, #tpu.memory_space<vmem>>, %arg9: memref<1600xi32, #tpu.memory_space<vmem>>, %arg10: memref<1600xi32, #tpu.memory_space<vmem>>, %arg11: memref<128xi32, #tpu.memory_space<vmem>>, %arg12: memref<96xi32, #tpu.memory_space<vmem>>, %arg13: memref<96xi32, #tpu.memory_space<vmem>>, %arg14: memref<8x128xi32, #tpu.memory_space<vmem>>, %arg15: memref<8x128xi32, #tpu.memory_space<vmem>>, %arg16: memref<128x128xf32, #tpu.memory_space<vmem>>, %arg17: memref<64x128xf32, #tpu.memory_space<vmem>>, %arg18: memref<16xf32, #tpu.memory_space<vmem>>, %arg19: memref<10240x128xf32, #tpu.memory_space<vmem_shared>>, %arg20: memref<207616xi32, #tpu.memory_space<vmem_shared>>, %arg21: memref<16xi32, #tpu.memory_space<smem>>, %arg22: memref<16xi32, #tpu.memory_space<smem>>, %arg23: memref<!tpu.dma_semaphore, #tpu.memory_space<semaphore_mem>>) attributes {dimension_semantics = [#tpu.dimension_semantics<core_parallel>, #tpu.dimension_semantics<subcore_parallel>], iteration_bounds = array<i64: 2, 16>, scalar_prefetch = 0 : i64, scratch_operands = 18 : i64, tpu.core_type = #tpu.core_type<sc_vector_subcore>, window_params = [{transform_indices = #map}, {transform_indices = #map1}, {transform_indices = #map1}, {transform_indices = #map}]} {
    "tpu.region"() ({
      %run_scoped3A = tpu.sem_alloc : memref<!tpu.dma_semaphore, #tpu.memory_space<semaphore_mem>>
      tpu.enqueue_dma source(%arg4 : memref<16xf32, #tpu.memory_space<hbm>>) target(%arg18 : memref<16xf32, #tpu.memory_space<vmem>>) target_semaphore(%run_scoped3A : memref<!tpu.dma_semaphore, #tpu.memory_space<semaphore_mem>>)
      tpu.wait_dma2 semaphore(%run_scoped3A : memref<!tpu.dma_semaphore, #tpu.memory_space<semaphore_mem>>) src(%arg4 : memref<16xf32, #tpu.memory_space<hbm>>) dst(%arg18 : memref<16xf32, #tpu.memory_space<vmem>>)
      tpu.yield
    }) : () -> ()
    %broadcast_in_dim3A = arith.constant 0 : i32
    %broadcast_in_dim3A_0 = vector.broadcast %broadcast_in_dim3A : i32 to vector<16xi32>
    %swap3A = arith.constant 0 : index
    %swap3A_1 = tpu.vector_load %arg12[%swap3A] {strides = array<i32>} : memref<96xi32, #tpu.memory_space<vmem>>, vector<16xi32>,
    %swap3A_2 = vector.shape_cast %swap3A_1 : vector<16xi32> to vector<16xi32>
    %swap3A_3 = vector.shape_cast %broadcast_in_dim3A_0 : vector<16xi32> to vector<16xi32>
    tpu.vector_store %arg12[%swap3A], %swap3A_3 {strides = array<i32>} : memref<96xi32, #tpu.memory_space<vmem>>, vector<16xi32>,
    %swap3A_4 = arith.constant 16 : index
    %swap3A_5 = tpu.vector_load %arg12[%swap3A_4] {strides = array<i32>} : memref<96xi32, #tpu.memory_space<vmem>>, vector<16xi32>,
    %swap3A_6 = vector.shape_cast %swap3A_5 : vector<16xi32> to vector<16xi32>
    %swap3A_7 = vector.shape_cast %broadcast_in_dim3A_0 : vector<16xi32> to vector<16xi32>
    tpu.vector_store %arg12[%swap3A_4], %swap3A_7 {strides = array<i32>} : memref<96xi32, #tpu.memory_space<vmem>>, vector<16xi32>,
    %swap3A_8 = arith.constant 32 : index
    %swap3A_9 = tpu.vector_load %arg12[%swap3A_8] {strides = array<i32>} : memref<96xi32, #tpu.memory_space<vmem>>, vector<16xi32>,
    %swap3A_10 = vector.shape_cast %swap3A_9 : vector<16xi32> to vector<16xi32>
    %swap3A_11 = vector.shape_cast %broadcast_in_dim3A_0 : vector<16xi32> to vector<16xi32>
    tpu.vector_store %arg12[%swap3A_8], %swap3A_11 {strides = array<i32>} : memref<96xi32, #tpu.memory_space<vmem>>, vector<16xi32>,
    %swap3A_12 = arith.constant 48 : index
    %swap3A_13 = tpu.vector_load %arg12[%swap3A_12] {strides = array<i32>} : memref<96xi32, #tpu.memory_space<vmem>>, vector<16xi32>,
    %swap3A_14 = vector.shape_cast %swap3A_13 : vector<16xi32> to vector<16xi32>
    %swap3A_15 = vector.shape_cast %broadcast_in_dim3A_0 : vector<16xi32> to vector<16xi32>
    tpu.vector_store %arg12[%swap3A_12], %swap3A_15 {strides = array<i32>} : memref<96xi32, #tpu.memory_space<vmem>>, vector<16xi32>,
    %swap3A_16 = arith.constant 64 : index
    %swap3A_17 = tpu.vector_load %arg12[%swap3A_16] {strides = array<i32>} : memref<96xi32, #tpu.memory_space<vmem>>, vector<16xi32>,
    %swap3A_18 = vector.shape_cast %swap3A_17 : vector<16xi32> to vector<16xi32>
    %swap3A_19 = vector.shape_cast %broadcast_in_dim3A_0 : vector<16xi32> to vector<16xi32>
    tpu.vector_store %arg12[%swap3A_16], %swap3A_19 {strides = array<i32>} : memref<96xi32, #tpu.memory_space<vmem>>, vector<16xi32>,
    %swap3A_20 = arith.constant 80 : index
    %swap3A_21 = tpu.vector_load %arg12[%swap3A_20] {strides = array<i32>} : memref<96xi32, #tpu.memory_space<vmem>>, vector<16xi32>,
    %swap3A_22 = vector.shape_cast %swap3A_21 : vector<16xi32> to vector<16xi32>
    %swap3A_23 = vector.shape_cast %broadcast_in_dim3A_0 : vector<16xi32> to vector<16xi32>
    tpu.vector_store %arg12[%swap3A_20], %swap3A_23 {strides = array<i32>} : memref<96xi32, #tpu.memory_space<vmem>>, vector<16xi32>,
    %scan3A = arith.constant 0 : i32
    %scan3A_24 = arith.constant 0 : i32
    %scan3A_25 = arith.constant 8 : i32
    %scan3A_26 = arith.addi %scan3A_24, %scan3A_25 : i32
    %scan3A_27 = arith.constant 1 : i32
    scf.for %scan3A_1031 = %scan3A_24 to %scan3A_26 step %scan3A_27  : i32 {
      %mul3A_1032 = arith.constant 12800 : i32
      %mul3A_1033 = arith.muli %arg1, %mul3A_1032 : i32
      %mul3A_1034 = arith.constant 1600 : i32
      %mul3A_1035 = arith.muli %scan3A_1031, %mul3A_1034 : i32
      %add3A_1036 = arith.addi %mul3A_1033, %mul3A_1035 : i32
      %multiple_of3A = tpu.assume_multiple %add3A_1036, 8 : i32
      "tpu.region"() ({
        %run_scoped3A = tpu.sem_alloc : memref<!tpu.dma_semaphore, #tpu.memory_space<semaphore_mem>>
        %dma_start3A = tpu.memref_slice %arg3[%multiple_of3A] : memref<204800xi32, #tpu.memory_space<hbm>> -> memref<1600xi32, #tpu.memory_space<hbm>>
        %dma_start3A_1043 = tpu.memref_slice %arg3[%multiple_of3A] : memref<204800xi32, #tpu.memory_space<hbm>> -> memref<1600xi32, #tpu.memory_space<hbm>>
        tpu.enqueue_dma source(%dma_start3A_1043 : memref<1600xi32, #tpu.memory_space<hbm>>) target(%arg6 : memref<1600xi32, #tpu.memory_space<vmem>>) target_semaphore(%run_scoped3A : memref<!tpu.dma_semaphore, #tpu.memory_space<semaphore_mem>>)
        %dma_wait3A = tpu.memref_slice %arg3[%multiple_of3A] : memref<204800xi32, #tpu.memory_space<hbm>> -> memref<1600xi32, #tpu.memory_space<hbm>>
        %dma_wait3A_1044 = tpu.memref_slice %arg3[%multiple_of3A] : memref<204800xi32, #tpu.memory_space<hbm>> -> memref<1600xi32, #tpu.memory_space<hbm>>
        tpu.wait_dma2 semaphore(%run_scoped3A : memref<!tpu.dma_semaphore, #tpu.memory_space<semaphore_mem>>) src(%dma_wait3A_1044 : memref<1600xi32, #tpu.memory_space<hbm>>) dst(%arg6 : memref<1600xi32, #tpu.memory_space<vmem>>)
        tpu.yield
      }) : () -> ()
      %scan3A_1037 = arith.constant 0 : i32
      %scan3A_1038 = arith.constant 0 : i32
      %scan3A_1039 = arith.constant 100 : i32
      %scan3A_1040 = arith.addi %scan3A_1038, %scan3A_1039 : i32
      %scan3A_1041 = arith.constant 1 : i32
      scf.for %scan3A_1043 = %scan3A_1038 to %scan3A_1040 step %scan3A_1041  : i32 {
        %mul3A_1044 = arith.constant 16 : i32
        %mul3A_1045 = arith.muli %scan3A_1043, %mul3A_1044 : i32
        %multiple_of3A_1046 = tpu.assume_multiple %mul3A_1045, 16 : i32
        %get3A_1047 = arith.index_cast %multiple_of3A_1046 : i32 to index
        %get3A_1048 = tpu.vector_load %arg6[%get3A_1047] {strides = array<i32>} : memref<1600xi32, #tpu.memory_space<vmem>>, vector<16xi32>,
        %get3A_1049 = vector.shape_cast %get3A_1048 : vector<16xi32> to vector<16xi32>
        %div3A_1050 = arith.constant 10000 : i32
        %div3A_1051 = vector.broadcast %div3A_1050 : i32 to vector<16xi32>
        %div3A_1052 = arith.divsi %get3A_1049, %div3A_1051 : vector<16xi32>
        %mul3A_1053 = arith.constant 5 : i32
        %mul3A_1054 = arith.muli %arg0, %mul3A_1053 : i32
        %sub3A_1055 = vector.broadcast %mul3A_1054 : i32 to vector<16xi32>
        %sub3A_1056 = arith.subi %div3A_1052, %sub3A_1055 : vector<16xi32>
        %get3A_1057 = arith.constant 0 : index
        %get3A_1058 = tpu.vector_load %arg12[%get3A_1057] {strides = array<i32>} : memref<96xi32, #tpu.memory_space<vmem>>, vector<16xi32>,
        %get3A_1059 = vector.shape_cast %get3A_1058 : vector<16xi32> to vector<16xi32>
        %eq3A_1060 = arith.constant 0 : i32
        %eq3A_1061 = vector.broadcast %eq3A_1060 : i32 to vector<16xi32>
        %eq3A_1062 = arith.cmpi eq, %sub3A_1056, %eq3A_1061 : vector<16xi32>
        %jit3A = arith.constant 1 : i32
        %jit3A_1063 = arith.constant 0 : i32
        %broadcast_in_dim3A_1064 = vector.broadcast %jit3A : i32 to vector<16xi32>
        %broadcast_in_dim3A_1065 = vector.broadcast %jit3A_1063 : i32 to vector<16xi32>
        %select_n3A_1066 = arith.select %eq3A_1062, %broadcast_in_dim3A_1064, %broadcast_in_dim3A_1065 : vector<16xi1>, vector<16xi32>
        %add3A_1067 = arith.addi %get3A_1059, %select_n3A_1066 : vector<16xi32>
        %swap3A_1068 = arith.constant 0 : index
        %swap3A_1069 = tpu.vector_load %arg12[%swap3A_1068] {strides = array<i32>} : memref<96xi32, #tpu.memory_space<vmem>>, vector<16xi32>,
        %swap3A_1070 = vector.shape_cast %swap3A_1069 : vector<16xi32> to vector<16xi32>
        %swap3A_1071 = vector.shape_cast %add3A_1067 : vector<16xi32> to vector<16xi32>
        tpu.vector_store %arg12[%swap3A_1068], %swap3A_1071 {strides = array<i32>} : memref<96xi32, #tpu.memory_space<vmem>>, vector<16xi32>,
        %get3A_1072 = arith.constant 16 : index
        %get3A_1073 = tpu.vector_load %arg12[%get3A_1072] {strides = array<i32>} : memref<96xi32, #tpu.memory_space<vmem>>, vector<16xi32>,
        %get3A_1074 = vector.shape_cast %get3A_1073 : vector<16xi32> to vector<16xi32>
        %eq3A_1075 = arith.constant 1 : i32
        %eq3A_1076 = vector.broadcast %eq3A_1075 : i32 to vector<16xi32>
        %eq3A_1077 = arith.cmpi eq, %sub3A_1056, %eq3A_1076 : vector<16xi32>
        %jit3A_1078 = arith.constant 1 : i32
        %jit3A_1079 = arith.constant 0 : i32
        %broadcast_in_dim3A_1080 = vector.broadcast %jit3A_1078 : i32 to vector<16xi32>
        %broadcast_in_dim3A_1081 = vector.broadcast %jit3A_1079 : i32 to vector<16xi32>
        %select_n3A_1082 = arith.select %eq3A_1077, %broadcast_in_dim3A_1080, %broadcast_in_dim3A_1081 : vector<16xi1>, vector<16xi32>
        %add3A_1083 = arith.addi %get3A_1074, %select_n3A_1082 : vector<16xi32>
        %swap3A_1084 = arith.constant 16 : index
        %swap3A_1085 = tpu.vector_load %arg12[%swap3A_1084] {strides = array<i32>} : memref<96xi32, #tpu.memory_space<vmem>>, vector<16xi32>,
        %swap3A_1086 = vector.shape_cast %swap3A_1085 : vector<16xi32> to vector<16xi32>
        %swap3A_1087 = vector.shape_cast %add3A_1083 : vector<16xi32> to vector<16xi32>
        tpu.vector_store %arg12[%swap3A_1084], %swap3A_1087 {strides = array<i32>} : memref<96xi32, #tpu.memory_space<vmem>>, vector<16xi32>,
        %get3A_1088 = arith.constant 32 : index
        %get3A_1089 = tpu.vector_load %arg12[%get3A_1088] {strides = array<i32>} : memref<96xi32, #tpu.memory_space<vmem>>, vector<16xi32>,
        %get3A_1090 = vector.shape_cast %get3A_1089 : vector<16xi32> to vector<16xi32>
        %eq3A_1091 = arith.constant 2 : i32
        %eq3A_1092 = vector.broadcast %eq3A_1091 : i32 to vector<16xi32>
        %eq3A_1093 = arith.cmpi eq, %sub3A_1056, %eq3A_1092 : vector<16xi32>
        %jit3A_1094 = arith.constant 1 : i32
        %jit3A_1095 = arith.constant 0 : i32
        %broadcast_in_dim3A_1096 = vector.broadcast %jit3A_1094 : i32 to vector<16xi32>
        %broadcast_in_dim3A_1097 = vector.broadcast %jit3A_1095 : i32 to vector<16xi32>
        %select_n3A_1098 = arith.select %eq3A_1093, %broadcast_in_dim3A_1096, %broadcast_in_dim3A_1097 : vector<16xi1>, vector<16xi32>
        %add3A_1099 = arith.addi %get3A_1090, %select_n3A_1098 : vector<16xi32>
        %swap3A_1100 = arith.constant 32 : index
        %swap3A_1101 = tpu.vector_load %arg12[%swap3A_1100] {strides = array<i32>} : memref<96xi32, #tpu.memory_space<vmem>>, vector<16xi32>,
        %swap3A_1102 = vector.shape_cast %swap3A_1101 : vector<16xi32> to vector<16xi32>
        %swap3A_1103 = vector.shape_cast %add3A_1099 : vector<16xi32> to vector<16xi32>
        tpu.vector_store %arg12[%swap3A_1100], %swap3A_1103 {strides = array<i32>} : memref<96xi32, #tpu.memory_space<vmem>>, vector<16xi32>,
        %get3A_1104 = arith.constant 48 : index
        %get3A_1105 = tpu.vector_load %arg12[%get3A_1104] {strides = array<i32>} : memref<96xi32, #tpu.memory_space<vmem>>, vector<16xi32>,
        %get3A_1106 = vector.shape_cast %get3A_1105 : vector<16xi32> to vector<16xi32>
        %eq3A_1107 = arith.constant 3 : i32
        %eq3A_1108 = vector.broadcast %eq3A_1107 : i32 to vector<16xi32>
        %eq3A_1109 = arith.cmpi eq, %sub3A_1056, %eq3A_1108 : vector<16xi32>
        %jit3A_1110 = arith.constant 1 : i32
        %jit3A_1111 = arith.constant 0 : i32
        %broadcast_in_dim3A_1112 = vector.broadcast %jit3A_1110 : i32 to vector<16xi32>
        %broadcast_in_dim3A_1113 = vector.broadcast %jit3A_1111 : i32 to vector<16xi32>
        %select_n3A_1114 = arith.select %eq3A_1109, %broadcast_in_dim3A_1112, %broadcast_in_dim3A_1113 : vector<16xi1>, vector<16xi32>
        %add3A_1115 = arith.addi %get3A_1106, %select_n3A_1114 : vector<16xi32>
        %swap3A_1116 = arith.constant 48 : index
        %swap3A_1117 = tpu.vector_load %arg12[%swap3A_1116] {strides = array<i32>} : memref<96xi32, #tpu.memory_space<vmem>>, vector<16xi32>,
        %swap3A_1118 = vector.shape_cast %swap3A_1117 : vector<16xi32> to vector<16xi32>
        %swap3A_1119 = vector.shape_cast %add3A_1115 : vector<16xi32> to vector<16xi32>
        tpu.vector_store %arg12[%swap3A_1116], %swap3A_1119 {strides = array<i32>} : memref<96xi32, #tpu.memory_space<vmem>>, vector<16xi32>,
        %get3A_1120 = arith.constant 64 : index
        %get3A_1121 = tpu.vector_load %arg12[%get3A_1120] {strides = array<i32>} : memref<96xi32, #tpu.memory_space<vmem>>, vector<16xi32>,
        %get3A_1122 = vector.shape_cast %get3A_1121 : vector<16xi32> to vector<16xi32>
        %eq3A_1123 = arith.constant 4 : i32
        %eq3A_1124 = vector.broadcast %eq3A_1123 : i32 to vector<16xi32>
        %eq3A_1125 = arith.cmpi eq, %sub3A_1056, %eq3A_1124 : vector<16xi32>
        %jit3A_1126 = arith.constant 1 : i32
        %jit3A_1127 = arith.constant 0 : i32
        %broadcast_in_dim3A_1128 = vector.broadcast %jit3A_1126 : i32 to vector<16xi32>
        %broadcast_in_dim3A_1129 = vector.broadcast %jit3A_1127 : i32 to vector<16xi32>
        %select_n3A_1130 = arith.select %eq3A_1125, %broadcast_in_dim3A_1128, %broadcast_in_dim3A_1129 : vector<16xi1>, vector<16xi32>
        %add3A_1131 = arith.addi %get3A_1122, %select_n3A_1130 : vector<16xi32>
        %swap3A_1132 = arith.constant 64 : index
        %swap3A_1133 = tpu.vector_load %arg12[%swap3A_1132] {strides = array<i32>} : memref<96xi32, #tpu.memory_space<vmem>>, vector<16xi32>,
        %swap3A_1134 = vector.shape_cast %swap3A_1133 : vector<16xi32> to vector<16xi32>
        %swap3A_1135 = vector.shape_cast %add3A_1131 : vector<16xi32> to vector<16xi32>
        tpu.vector_store %arg12[%swap3A_1132], %swap3A_1135 {strides = array<i32>} : memref<96xi32, #tpu.memory_space<vmem>>, vector<16xi32>,
        %get3A_1136 = arith.constant 80 : index
        %get3A_1137 = tpu.vector_load %arg12[%get3A_1136] {strides = array<i32>} : memref<96xi32, #tpu.memory_space<vmem>>, vector<16xi32>,
        %get3A_1138 = vector.shape_cast %get3A_1137 : vector<16xi32> to vector<16xi32>
        %lt3A = arith.constant 0 : i32
        %lt3A_1139 = vector.broadcast %lt3A : i32 to vector<16xi32>
        %lt3A_1140 = arith.cmpi slt, %sub3A_1056, %lt3A_1139 : vector<16xi32>
        %ge3A = arith.constant 5 : i32
        %ge3A_1141 = vector.broadcast %ge3A : i32 to vector<16xi32>
        %ge3A_1142 = arith.cmpi sge, %sub3A_1056, %ge3A_1141 : vector<16xi32>
        %or3A = arith.ori %lt3A_1140, %ge3A_1142 : vector<16xi1>
        %jit3A_1143 = arith.constant 1 : i32
        %jit3A_1144 = arith.constant 0 : i32
        %broadcast_in_dim3A_1145 = vector.broadcast %jit3A_1143 : i32 to vector<16xi32>
        %broadcast_in_dim3A_1146 = vector.broadcast %jit3A_1144 : i32 to vector<16xi32>
        %select_n3A_1147 = arith.select %or3A, %broadcast_in_dim3A_1145, %broadcast_in_dim3A_1146 : vector<16xi1>, vector<16xi32>
        %add3A_1148 = arith.addi %get3A_1138, %select_n3A_1147 : vector<16xi32>
        %swap3A_1149 = arith.constant 80 : index
        %swap3A_1150 = tpu.vector_load %arg12[%swap3A_1149] {strides = array<i32>} : memref<96xi32, #tpu.memory_space<vmem>>, vector<16xi32>,
        %swap3A_1151 = vector.shape_cast %swap3A_1150 : vector<16xi32> to vector<16xi32>
        %swap3A_1152 = vector.shape_cast %add3A_1148 : vector<16xi32> to vector<16xi32>
        tpu.vector_store %arg12[%swap3A_1149], %swap3A_1152 {strides = array<i32>} : memref<96xi32, #tpu.memory_space<vmem>>, vector<16xi32>,
      }
      %scan3A_1042 = arith.constant 100 : i32
    }
    %scan3A_28 = arith.constant 8 : i32
    %iota3A = tpu.iota {dimensions = array<i32: 0>} : vector<16xi32>
    %get3A = arith.constant 0 : index
    %get3A_29 = tpu.vector_load %arg12[%get3A] {strides = array<i32>} : memref<96xi32, #tpu.memory_space<vmem>>, vector<16xi32>,
    %get3A_30 = vector.shape_cast %get3A_29 : vector<16xi32> to vector<16xi32>
    %swap3A_31 = arith.constant 0 : i32
    %swap3A_32 = arith.constant 0 : i32
    %swap3A_33 = arith.index_cast %swap3A_32 : i32 to index
    %swap3A_34 = memref.load %arg21[%swap3A_33] : memref<16xi32, #tpu.memory_space<smem>>
    memref.store %swap3A_31, %arg21[%swap3A_33] : memref<16xi32, #tpu.memory_space<smem>>
    %broadcast_in_dim3A_35 = arith.constant 0 : i32
    %broadcast_in_dim3A_36 = vector.broadcast %broadcast_in_dim3A_35 : i32 to vector<16xi32>
    %eq3A = arith.constant 0 : i32
    %eq3A_37 = vector.broadcast %eq3A : i32 to vector<16xi32>
    %eq3A_38 = arith.cmpi eq, %iota3A, %eq3A_37 : vector<16xi32>
    %add3A = arith.constant 0 : i32
    %add3A_39 = vector.broadcast %add3A : i32 to vector<16xi32>
    %add3A_40 = arith.addi %broadcast_in_dim3A_0, %add3A_39 : vector<16xi32>
    %select_n3A = arith.select %eq3A_38, %add3A_40, %broadcast_in_dim3A_36 : vector<16xi1>, vector<16xi32>
    %slice3A = vector.extract_strided_slice %get3A_30 {offsets = [0], sizes = [1], strides = [1]} : vector<16xi32> to vector<1xi32>
    %squeeze3A = vector.extract %slice3A[0] : i32 from vector<1xi32>
    %add3A_41 = arith.constant 0 : i32
    %add3A_42 = arith.addi %add3A_41, %squeeze3A : i32
    %eq3A_43 = arith.constant 1 : i32
    %eq3A_44 = vector.broadcast %eq3A_43 : i32 to vector<16xi32>
    %eq3A_45 = arith.cmpi eq, %iota3A, %eq3A_44 : vector<16xi32>
    %add3A_46 = vector.broadcast %add3A_42 : i32 to vector<16xi32>
    %add3A_47 = arith.addi %broadcast_in_dim3A_0, %add3A_46 : vector<16xi32>
    %select_n3A_48 = arith.select %eq3A_45, %add3A_47, %select_n3A : vector<16xi1>, vector<16xi32>
    %slice3A_49 = vector.extract_strided_slice %get3A_30 {offsets = [1], sizes = [1], strides = [1]} : vector<16xi32> to vector<1xi32>
    %squeeze3A_50 = vector.extract %slice3A_49[0] : i32 from vector<1xi32>
    %add3A_51 = arith.addi %add3A_42, %squeeze3A_50 : i32
    %eq3A_52 = arith.constant 2 : i32
    %eq3A_53 = vector.broadcast %eq3A_52 : i32 to vector<16xi32>
    %eq3A_54 = arith.cmpi eq, %iota3A, %eq3A_53 : vector<16xi32>
    %add3A_55 = vector.broadcast %add3A_51 : i32 to vector<16xi32>
    %add3A_56 = arith.addi %broadcast_in_dim3A_0, %add3A_55 : vector<16xi32>
    %select_n3A_57 = arith.select %eq3A_54, %add3A_56, %select_n3A_48 : vector<16xi1>, vector<16xi32>
    %slice3A_58 = vector.extract_strided_slice %get3A_30 {offsets = [2], sizes = [1], strides = [1]} : vector<16xi32> to vector<1xi32>
    %squeeze3A_59 = vector.extract %slice3A_58[0] : i32 from vector<1xi32>
    %add3A_60 = arith.addi %add3A_51, %squeeze3A_59 : i32
    %eq3A_61 = arith.constant 3 : i32
    %eq3A_62 = vector.broadcast %eq3A_61 : i32 to vector<16xi32>
    %eq3A_63 = arith.cmpi eq, %iota3A, %eq3A_62 : vector<16xi32>
    %add3A_64 = vector.broadcast %add3A_60 : i32 to vector<16xi32>
    %add3A_65 = arith.addi %broadcast_in_dim3A_0, %add3A_64 : vector<16xi32>
    %select_n3A_66 = arith.select %eq3A_63, %add3A_65, %select_n3A_57 : vector<16xi1>, vector<16xi32>
    %slice3A_67 = vector.extract_strided_slice %get3A_30 {offsets = [3], sizes = [1], strides = [1]} : vector<16xi32> to vector<1xi32>
    %squeeze3A_68 = vector.extract %slice3A_67[0] : i32 from vector<1xi32>
    %add3A_69 = arith.addi %add3A_60, %squeeze3A_68 : i32
    %eq3A_70 = arith.constant 4 : i32
    %eq3A_71 = vector.broadcast %eq3A_70 : i32 to vector<16xi32>
    %eq3A_72 = arith.cmpi eq, %iota3A, %eq3A_71 : vector<16xi32>
    %add3A_73 = vector.broadcast %add3A_69 : i32 to vector<16xi32>
    %add3A_74 = arith.addi %broadcast_in_dim3A_0, %add3A_73 : vector<16xi32>
    %select_n3A_75 = arith.select %eq3A_72, %add3A_74, %select_n3A_66 : vector<16xi1>, vector<16xi32>
    %slice3A_76 = vector.extract_strided_slice %get3A_30 {offsets = [4], sizes = [1], strides = [1]} : vector<16xi32> to vector<1xi32>
    %squeeze3A_77 = vector.extract %slice3A_76[0] : i32 from vector<1xi32>
    %add3A_78 = arith.addi %add3A_69, %squeeze3A_77 : i32
    %eq3A_79 = arith.constant 5 : i32
    %eq3A_80 = vector.broadcast %eq3A_79 : i32 to vector<16xi32>
    %eq3A_81 = arith.cmpi eq, %iota3A, %eq3A_80 : vector<16xi32>
    %add3A_82 = vector.broadcast %add3A_78 : i32 to vector<16xi32>
    %add3A_83 = arith.addi %broadcast_in_dim3A_0, %add3A_82 : vector<16xi32>
    %select_n3A_84 = arith.select %eq3A_81, %add3A_83, %select_n3A_75 : vector<16xi1>, vector<16xi32>
    %slice3A_85 = vector.extract_strided_slice %get3A_30 {offsets = [5], sizes = [1], strides = [1]} : vector<16xi32> to vector<1xi32>
    %squeeze3A_86 = vector.extract %slice3A_85[0] : i32 from vector<1xi32>
    %add3A_87 = arith.addi %add3A_78, %squeeze3A_86 : i32
    %eq3A_88 = arith.constant 6 : i32
    %eq3A_89 = vector.broadcast %eq3A_88 : i32 to vector<16xi32>
    %eq3A_90 = arith.cmpi eq, %iota3A, %eq3A_89 : vector<16xi32>
    %add3A_91 = vector.broadcast %add3A_87 : i32 to vector<16xi32>
    %add3A_92 = arith.addi %broadcast_in_dim3A_0, %add3A_91 : vector<16xi32>
    %select_n3A_93 = arith.select %eq3A_90, %add3A_92, %select_n3A_84 : vector<16xi1>, vector<16xi32>
    %slice3A_94 = vector.extract_strided_slice %get3A_30 {offsets = [6], sizes = [1], strides = [1]} : vector<16xi32> to vector<1xi32>
    %squeeze3A_95 = vector.extract %slice3A_94[0] : i32 from vector<1xi32>
    %add3A_96 = arith.addi %add3A_87, %squeeze3A_95 : i32
    %eq3A_97 = arith.constant 7 : i32
    %eq3A_98 = vector.broadcast %eq3A_97 : i32 to vector<16xi32>
    %eq3A_99 = arith.cmpi eq, %iota3A, %eq3A_98 : vector<16xi32>
    %add3A_100 = vector.broadcast %add3A_96 : i32 to vector<16xi32>
    %add3A_101 = arith.addi %broadcast_in_dim3A_0, %add3A_100 : vector<16xi32>
    %select_n3A_102 = arith.select %eq3A_99, %add3A_101, %select_n3A_93 : vector<16xi1>, vector<16xi32>
    %slice3A_103 = vector.extract_strided_slice %get3A_30 {offsets = [7], sizes = [1], strides = [1]} : vector<16xi32> to vector<1xi32>
    %squeeze3A_104 = vector.extract %slice3A_103[0] : i32 from vector<1xi32>
    %add3A_105 = arith.addi %add3A_96, %squeeze3A_104 : i32
    %eq3A_106 = arith.constant 8 : i32
    %eq3A_107 = vector.broadcast %eq3A_106 : i32 to vector<16xi32>
    %eq3A_108 = arith.cmpi eq, %iota3A, %eq3A_107 : vector<16xi32>
    %add3A_109 = vector.broadcast %add3A_105 : i32 to vector<16xi32>
    %add3A_110 = arith.addi %broadcast_in_dim3A_0, %add3A_109 : vector<16xi32>
    %select_n3A_111 = arith.select %eq3A_108, %add3A_110, %select_n3A_102 : vector<16xi1>, vector<16xi32>
    %slice3A_112 = vector.extract_strided_slice %get3A_30 {offsets = [8], sizes = [1], strides = [1]} : vector<16xi32> to vector<1xi32>
    %squeeze3A_113 = vector.extract %slice3A_112[0] : i32 from vector<1xi32>
    %add3A_114 = arith.addi %add3A_105, %squeeze3A_113 : i32
    %eq3A_115 = arith.constant 9 : i32
    %eq3A_116 = vector.broadcast %eq3A_115 : i32 to vector<16xi32>
    %eq3A_117 = arith.cmpi eq, %iota3A, %eq3A_116 : vector<16xi32>
    %add3A_118 = vector.broadcast %add3A_114 : i32 to vector<16xi32>
    %add3A_119 = arith.addi %broadcast_in_dim3A_0, %add3A_118 : vector<16xi32>
    %select_n3A_120 = arith.select %eq3A_117, %add3A_119, %select_n3A_111 : vector<16xi1>, vector<16xi32>
    %slice3A_121 = vector.extract_strided_slice %get3A_30 {offsets = [9], sizes = [1], strides = [1]} : vector<16xi32> to vector<1xi32>
    %squeeze3A_122 = vector.extract %slice3A_121[0] : i32 from vector<1xi32>
    %add3A_123 = arith.addi %add3A_114, %squeeze3A_122 : i32
    %eq3A_124 = arith.constant 10 : i32
    %eq3A_125 = vector.broadcast %eq3A_124 : i32 to vector<16xi32>
    %eq3A_126 = arith.cmpi eq, %iota3A, %eq3A_125 : vector<16xi32>
    %add3A_127 = vector.broadcast %add3A_123 : i32 to vector<16xi32>
    %add3A_128 = arith.addi %broadcast_in_dim3A_0, %add3A_127 : vector<16xi32>
    %select_n3A_129 = arith.select %eq3A_126, %add3A_128, %select_n3A_120 : vector<16xi1>, vector<16xi32>
    %slice3A_130 = vector.extract_strided_slice %get3A_30 {offsets = [10], sizes = [1], strides = [1]} : vector<16xi32> to vector<1xi32>
    %squeeze3A_131 = vector.extract %slice3A_130[0] : i32 from vector<1xi32>
    %add3A_132 = arith.addi %add3A_123, %squeeze3A_131 : i32
    %eq3A_133 = arith.constant 11 : i32
    %eq3A_134 = vector.broadcast %eq3A_133 : i32 to vector<16xi32>
    %eq3A_135 = arith.cmpi eq, %iota3A, %eq3A_134 : vector<16xi32>
    %add3A_136 = vector.broadcast %add3A_132 : i32 to vector<16xi32>
    %add3A_137 = arith.addi %broadcast_in_dim3A_0, %add3A_136 : vector<16xi32>
    %select_n3A_138 = arith.select %eq3A_135, %add3A_137, %select_n3A_129 : vector<16xi1>, vector<16xi32>
    %slice3A_139 = vector.extract_strided_slice %get3A_30 {offsets = [11], sizes = [1], strides = [1]} : vector<16xi32> to vector<1xi32>
    %squeeze3A_140 = vector.extract %slice3A_139[0] : i32 from vector<1xi32>
    %add3A_141 = arith.addi %add3A_132, %squeeze3A_140 : i32
    %eq3A_142 = arith.constant 12 : i32
    %eq3A_143 = vector.broadcast %eq3A_142 : i32 to vector<16xi32>
    %eq3A_144 = arith.cmpi eq, %iota3A, %eq3A_143 : vector<16xi32>
    %add3A_145 = vector.broadcast %add3A_141 : i32 to vector<16xi32>
    %add3A_146 = arith.addi %broadcast_in_dim3A_0, %add3A_145 : vector<16xi32>
    %select_n3A_147 = arith.select %eq3A_144, %add3A_146, %select_n3A_138 : vector<16xi1>, vector<16xi32>
    %slice3A_148 = vector.extract_strided_slice %get3A_30 {offsets = [12], sizes = [1], strides = [1]} : vector<16xi32> to vector<1xi32>
    %squeeze3A_149 = vector.extract %slice3A_148[0] : i32 from vector<1xi32>
    %add3A_150 = arith.addi %add3A_141, %squeeze3A_149 : i32
    %eq3A_151 = arith.constant 13 : i32
    %eq3A_152 = vector.broadcast %eq3A_151 : i32 to vector<16xi32>
    %eq3A_153 = arith.cmpi eq, %iota3A, %eq3A_152 : vector<16xi32>
    %add3A_154 = vector.broadcast %add3A_150 : i32 to vector<16xi32>
    %add3A_155 = arith.addi %broadcast_in_dim3A_0, %add3A_154 : vector<16xi32>
    %select_n3A_156 = arith.select %eq3A_153, %add3A_155, %select_n3A_147 : vector<16xi1>, vector<16xi32>
    %slice3A_157 = vector.extract_strided_slice %get3A_30 {offsets = [13], sizes = [1], strides = [1]} : vector<16xi32> to vector<1xi32>
    %squeeze3A_158 = vector.extract %slice3A_157[0] : i32 from vector<1xi32>
    %add3A_159 = arith.addi %add3A_150, %squeeze3A_158 : i32
    %eq3A_160 = arith.constant 14 : i32
    %eq3A_161 = vector.broadcast %eq3A_160 : i32 to vector<16xi32>
    %eq3A_162 = arith.cmpi eq, %iota3A, %eq3A_161 : vector<16xi32>
    %add3A_163 = vector.broadcast %add3A_159 : i32 to vector<16xi32>
    %add3A_164 = arith.addi %broadcast_in_dim3A_0, %add3A_163 : vector<16xi32>
    %select_n3A_165 = arith.select %eq3A_162, %add3A_164, %select_n3A_156 : vector<16xi1>, vector<16xi32>
    %slice3A_166 = vector.extract_strided_slice %get3A_30 {offsets = [14], sizes = [1], strides = [1]} : vector<16xi32> to vector<1xi32>
    %squeeze3A_167 = vector.extract %slice3A_166[0] : i32 from vector<1xi32>
    %add3A_168 = arith.addi %add3A_159, %squeeze3A_167 : i32
    %eq3A_169 = arith.constant 15 : i32
    %eq3A_170 = vector.broadcast %eq3A_169 : i32 to vector<16xi32>
    %eq3A_171 = arith.cmpi eq, %iota3A, %eq3A_170 : vector<16xi32>
    %add3A_172 = vector.broadcast %add3A_168 : i32 to vector<16xi32>
    %add3A_173 = arith.addi %broadcast_in_dim3A_0, %add3A_172 : vector<16xi32>
    %select_n3A_174 = arith.select %eq3A_171, %add3A_173, %select_n3A_165 : vector<16xi1>, vector<16xi32>
    %slice3A_175 = vector.extract_strided_slice %get3A_30 {offsets = [15], sizes = [1], strides = [1]} : vector<16xi32> to vector<1xi32>
    %squeeze3A_176 = vector.extract %slice3A_175[0] : i32 from vector<1xi32>
    %add3A_177 = arith.addi %add3A_168, %squeeze3A_176 : i32
    %swap3A_178 = arith.constant 0 : index
    %swap3A_179 = tpu.vector_load %arg13[%swap3A_178] {strides = array<i32>} : memref<96xi32, #tpu.memory_space<vmem>>, vector<16xi32>,
    %swap3A_180 = vector.shape_cast %swap3A_179 : vector<16xi32> to vector<16xi32>
    %swap3A_181 = vector.shape_cast %select_n3A_174 : vector<16xi32> to vector<16xi32>
    tpu.vector_store %arg13[%swap3A_178], %swap3A_181 {strides = array<i32>} : memref<96xi32, #tpu.memory_space<vmem>>, vector<16xi32>,
    %sub3A = arith.constant 0 : i32
    %sub3A_182 = arith.subi %add3A_177, %sub3A : i32
    %swap3A_183 = arith.constant 0 : i32
    %swap3A_184 = arith.index_cast %swap3A_183 : i32 to index
    %swap3A_185 = memref.load %arg22[%swap3A_184] : memref<16xi32, #tpu.memory_space<smem>>
    memref.store %sub3A_182, %arg22[%swap3A_184] : memref<16xi32, #tpu.memory_space<smem>>
    %add3A_186 = arith.constant 7 : i32
    %add3A_187 = arith.addi %add3A_177, %add3A_186 : i32
    %div3A = arith.constant 8 : i32
    %div3A_188 = arith.divsi %add3A_187, %div3A : i32
    %mul3A = arith.constant 8 : i32
    %mul3A_189 = arith.muli %div3A_188, %mul3A : i32
    %get3A_190 = arith.constant 16 : index
    %get3A_191 = tpu.vector_load %arg12[%get3A_190] {strides = array<i32>} : memref<96xi32, #tpu.memory_space<vmem>>, vector<16xi32>,
    %get3A_192 = vector.shape_cast %get3A_191 : vector<16xi32> to vector<16xi32>
    %swap3A_193 = arith.constant 1 : i32
    %swap3A_194 = arith.index_cast %swap3A_193 : i32 to index
    %swap3A_195 = memref.load %arg21[%swap3A_194] : memref<16xi32, #tpu.memory_space<smem>>
    memref.store %mul3A_189, %arg21[%swap3A_194] : memref<16xi32, #tpu.memory_space<smem>>
    %broadcast_in_dim3A_196 = arith.constant 0 : i32
    %broadcast_in_dim3A_197 = vector.broadcast %broadcast_in_dim3A_196 : i32 to vector<16xi32>
    %eq3A_198 = arith.constant 0 : i32
    %eq3A_199 = vector.broadcast %eq3A_198 : i32 to vector<16xi32>
    %eq3A_200 = arith.cmpi eq, %iota3A, %eq3A_199 : vector<16xi32>
    %add3A_201 = vector.broadcast %mul3A_189 : i32 to vector<16xi32>
    %add3A_202 = arith.addi %broadcast_in_dim3A_0, %add3A_201 : vector<16xi32>
    %select_n3A_203 = arith.select %eq3A_200, %add3A_202, %broadcast_in_dim3A_197 : vector<16xi1>, vector<16xi32>
    %slice3A_204 = vector.extract_strided_slice %get3A_192 {offsets = [0], sizes = [1], strides = [1]} : vector<16xi32> to vector<1xi32>
    %squeeze3A_205 = vector.extract %slice3A_204[0] : i32 from vector<1xi32>
    %add3A_206 = arith.addi %mul3A_189, %squeeze3A_205 : i32
    %eq3A_207 = arith.constant 1 : i32
    %eq3A_208 = vector.broadcast %eq3A_207 : i32 to vector<16xi32>
    %eq3A_209 = arith.cmpi eq, %iota3A, %eq3A_208 : vector<16xi32>
    %add3A_210 = vector.broadcast %add3A_206 : i32 to vector<16xi32>
    %add3A_211 = arith.addi %broadcast_in_dim3A_0, %add3A_210 : vector<16xi32>
    %select_n3A_212 = arith.select %eq3A_209, %add3A_211, %select_n3A_203 : vector<16xi1>, vector<16xi32>
    %slice3A_213 = vector.extract_strided_slice %get3A_192 {offsets = [1], sizes = [1], strides = [1]} : vector<16xi32> to vector<1xi32>
    %squeeze3A_214 = vector.extract %slice3A_213[0] : i32 from vector<1xi32>
    %add3A_215 = arith.addi %add3A_206, %squeeze3A_214 : i32
    %eq3A_216 = arith.constant 2 : i32
    %eq3A_217 = vector.broadcast %eq3A_216 : i32 to vector<16xi32>
    %eq3A_218 = arith.cmpi eq, %iota3A, %eq3A_217 : vector<16xi32>
    %add3A_219 = vector.broadcast %add3A_215 : i32 to vector<16xi32>
    %add3A_220 = arith.addi %broadcast_in_dim3A_0, %add3A_219 : vector<16xi32>
    %select_n3A_221 = arith.select %eq3A_218, %add3A_220, %select_n3A_212 : vector<16xi1>, vector<16xi32>
    %slice3A_222 = vector.extract_strided_slice %get3A_192 {offsets = [2], sizes = [1], strides = [1]} : vector<16xi32> to vector<1xi32>
    %squeeze3A_223 = vector.extract %slice3A_222[0] : i32 from vector<1xi32>
    %add3A_224 = arith.addi %add3A_215, %squeeze3A_223 : i32
    %eq3A_225 = arith.constant 3 : i32
    %eq3A_226 = vector.broadcast %eq3A_225 : i32 to vector<16xi32>
    %eq3A_227 = arith.cmpi eq, %iota3A, %eq3A_226 : vector<16xi32>
    %add3A_228 = vector.broadcast %add3A_224 : i32 to vector<16xi32>
    %add3A_229 = arith.addi %broadcast_in_dim3A_0, %add3A_228 : vector<16xi32>
    %select_n3A_230 = arith.select %eq3A_227, %add3A_229, %select_n3A_221 : vector<16xi1>, vector<16xi32>
    %slice3A_231 = vector.extract_strided_slice %get3A_192 {offsets = [3], sizes = [1], strides = [1]} : vector<16xi32> to vector<1xi32>
    %squeeze3A_232 = vector.extract %slice3A_231[0] : i32 from vector<1xi32>
    %add3A_233 = arith.addi %add3A_224, %squeeze3A_232 : i32
    %eq3A_234 = arith.constant 4 : i32
    %eq3A_235 = vector.broadcast %eq3A_234 : i32 to vector<16xi32>
    %eq3A_236 = arith.cmpi eq, %iota3A, %eq3A_235 : vector<16xi32>
    %add3A_237 = vector.broadcast %add3A_233 : i32 to vector<16xi32>
    %add3A_238 = arith.addi %broadcast_in_dim3A_0, %add3A_237 : vector<16xi32>
    %select_n3A_239 = arith.select %eq3A_236, %add3A_238, %select_n3A_230 : vector<16xi1>, vector<16xi32>
    %slice3A_240 = vector.extract_strided_slice %get3A_192 {offsets = [4], sizes = [1], strides = [1]} : vector<16xi32> to vector<1xi32>
    %squeeze3A_241 = vector.extract %slice3A_240[0] : i32 from vector<1xi32>
    %add3A_242 = arith.addi %add3A_233, %squeeze3A_241 : i32
    %eq3A_243 = arith.constant 5 : i32
    %eq3A_244 = vector.broadcast %eq3A_243 : i32 to vector<16xi32>
    %eq3A_245 = arith.cmpi eq, %iota3A, %eq3A_244 : vector<16xi32>
    %add3A_246 = vector.broadcast %add3A_242 : i32 to vector<16xi32>
    %add3A_247 = arith.addi %broadcast_in_dim3A_0, %add3A_246 : vector<16xi32>
    %select_n3A_248 = arith.select %eq3A_245, %add3A_247, %select_n3A_239 : vector<16xi1>, vector<16xi32>
    %slice3A_249 = vector.extract_strided_slice %get3A_192 {offsets = [5], sizes = [1], strides = [1]} : vector<16xi32> to vector<1xi32>
    %squeeze3A_250 = vector.extract %slice3A_249[0] : i32 from vector<1xi32>
    %add3A_251 = arith.addi %add3A_242, %squeeze3A_250 : i32
    %eq3A_252 = arith.constant 6 : i32
    %eq3A_253 = vector.broadcast %eq3A_252 : i32 to vector<16xi32>
    %eq3A_254 = arith.cmpi eq, %iota3A, %eq3A_253 : vector<16xi32>
    %add3A_255 = vector.broadcast %add3A_251 : i32 to vector<16xi32>
    %add3A_256 = arith.addi %broadcast_in_dim3A_0, %add3A_255 : vector<16xi32>
    %select_n3A_257 = arith.select %eq3A_254, %add3A_256, %select_n3A_248 : vector<16xi1>, vector<16xi32>
    %slice3A_258 = vector.extract_strided_slice %get3A_192 {offsets = [6], sizes = [1], strides = [1]} : vector<16xi32> to vector<1xi32>
    %squeeze3A_259 = vector.extract %slice3A_258[0] : i32 from vector<1xi32>
    %add3A_260 = arith.addi %add3A_251, %squeeze3A_259 : i32
    %eq3A_261 = arith.constant 7 : i32
    %eq3A_262 = vector.broadcast %eq3A_261 : i32 to vector<16xi32>
    %eq3A_263 = arith.cmpi eq, %iota3A, %eq3A_262 : vector<16xi32>
    %add3A_264 = vector.broadcast %add3A_260 : i32 to vector<16xi32>
    %add3A_265 = arith.addi %broadcast_in_dim3A_0, %add3A_264 : vector<16xi32>
    %select_n3A_266 = arith.select %eq3A_263, %add3A_265, %select_n3A_257 : vector<16xi1>, vector<16xi32>
    %slice3A_267 = vector.extract_strided_slice %get3A_192 {offsets = [7], sizes = [1], strides = [1]} : vector<16xi32> to vector<1xi32>
    %squeeze3A_268 = vector.extract %slice3A_267[0] : i32 from vector<1xi32>
    %add3A_269 = arith.addi %add3A_260, %squeeze3A_268 : i32
    %eq3A_270 = arith.constant 8 : i32
    %eq3A_271 = vector.broadcast %eq3A_270 : i32 to vector<16xi32>
    %eq3A_272 = arith.cmpi eq, %iota3A, %eq3A_271 : vector<16xi32>
    %add3A_273 = vector.broadcast %add3A_269 : i32 to vector<16xi32>
    %add3A_274 = arith.addi %broadcast_in_dim3A_0, %add3A_273 : vector<16xi32>
    %select_n3A_275 = arith.select %eq3A_272, %add3A_274, %select_n3A_266 : vector<16xi1>, vector<16xi32>
    %slice3A_276 = vector.extract_strided_slice %get3A_192 {offsets = [8], sizes = [1], strides = [1]} : vector<16xi32> to vector<1xi32>
    %squeeze3A_277 = vector.extract %slice3A_276[0] : i32 from vector<1xi32>
    %add3A_278 = arith.addi %add3A_269, %squeeze3A_277 : i32
    %eq3A_279 = arith.constant 9 : i32
    %eq3A_280 = vector.broadcast %eq3A_279 : i32 to vector<16xi32>
    %eq3A_281 = arith.cmpi eq, %iota3A, %eq3A_280 : vector<16xi32>
    %add3A_282 = vector.broadcast %add3A_278 : i32 to vector<16xi32>
    %add3A_283 = arith.addi %broadcast_in_dim3A_0, %add3A_282 : vector<16xi32>
    %select_n3A_284 = arith.select %eq3A_281, %add3A_283, %select_n3A_275 : vector<16xi1>, vector<16xi32>
    %slice3A_285 = vector.extract_strided_slice %get3A_192 {offsets = [9], sizes = [1], strides = [1]} : vector<16xi32> to vector<1xi32>
    %squeeze3A_286 = vector.extract %slice3A_285[0] : i32 from vector<1xi32>
    %add3A_287 = arith.addi %add3A_278, %squeeze3A_286 : i32
    %eq3A_288 = arith.constant 10 : i32
    %eq3A_289 = vector.broadcast %eq3A_288 : i32 to vector<16xi32>
    %eq3A_290 = arith.cmpi eq, %iota3A, %eq3A_289 : vector<16xi32>
    %add3A_291 = vector.broadcast %add3A_287 : i32 to vector<16xi32>
    %add3A_292 = arith.addi %broadcast_in_dim3A_0, %add3A_291 : vector<16xi32>
    %select_n3A_293 = arith.select %eq3A_290, %add3A_292, %select_n3A_284 : vector<16xi1>, vector<16xi32>
    %slice3A_294 = vector.extract_strided_slice %get3A_192 {offsets = [10], sizes = [1], strides = [1]} : vector<16xi32> to vector<1xi32>
    %squeeze3A_295 = vector.extract %slice3A_294[0] : i32 from vector<1xi32>
    %add3A_296 = arith.addi %add3A_287, %squeeze3A_295 : i32
    %eq3A_297 = arith.constant 11 : i32
    %eq3A_298 = vector.broadcast %eq3A_297 : i32 to vector<16xi32>
    %eq3A_299 = arith.cmpi eq, %iota3A, %eq3A_298 : vector<16xi32>
    %add3A_300 = vector.broadcast %add3A_296 : i32 to vector<16xi32>
    %add3A_301 = arith.addi %broadcast_in_dim3A_0, %add3A_300 : vector<16xi32>
    %select_n3A_302 = arith.select %eq3A_299, %add3A_301, %select_n3A_293 : vector<16xi1>, vector<16xi32>
    %slice3A_303 = vector.extract_strided_slice %get3A_192 {offsets = [11], sizes = [1], strides = [1]} : vector<16xi32> to vector<1xi32>
    %squeeze3A_304 = vector.extract %slice3A_303[0] : i32 from vector<1xi32>
    %add3A_305 = arith.addi %add3A_296, %squeeze3A_304 : i32
    %eq3A_306 = arith.constant 12 : i32
    %eq3A_307 = vector.broadcast %eq3A_306 : i32 to vector<16xi32>
    %eq3A_308 = arith.cmpi eq, %iota3A, %eq3A_307 : vector<16xi32>
    %add3A_309 = vector.broadcast %add3A_305 : i32 to vector<16xi32>
    %add3A_310 = arith.addi %broadcast_in_dim3A_0, %add3A_309 : vector<16xi32>
    %select_n3A_311 = arith.select %eq3A_308, %add3A_310, %select_n3A_302 : vector<16xi1>, vector<16xi32>
    %slice3A_312 = vector.extract_strided_slice %get3A_192 {offsets = [12], sizes = [1], strides = [1]} : vector<16xi32> to vector<1xi32>
    %squeeze3A_313 = vector.extract %slice3A_312[0] : i32 from vector<1xi32>
    %add3A_314 = arith.addi %add3A_305, %squeeze3A_313 : i32
    %eq3A_315 = arith.constant 13 : i32
    %eq3A_316 = vector.broadcast %eq3A_315 : i32 to vector<16xi32>
    %eq3A_317 = arith.cmpi eq, %iota3A, %eq3A_316 : vector<16xi32>
    %add3A_318 = vector.broadcast %add3A_314 : i32 to vector<16xi32>
    %add3A_319 = arith.addi %broadcast_in_dim3A_0, %add3A_318 : vector<16xi32>
    %select_n3A_320 = arith.select %eq3A_317, %add3A_319, %select_n3A_311 : vector<16xi1>, vector<16xi32>
    %slice3A_321 = vector.extract_strided_slice %get3A_192 {offsets = [13], sizes = [1], strides = [1]} : vector<16xi32> to vector<1xi32>
    %squeeze3A_322 = vector.extract %slice3A_321[0] : i32 from vector<1xi32>
    %add3A_323 = arith.addi %add3A_314, %squeeze3A_322 : i32
    %eq3A_324 = arith.constant 14 : i32
    %eq3A_325 = vector.broadcast %eq3A_324 : i32 to vector<16xi32>
    %eq3A_326 = arith.cmpi eq, %iota3A, %eq3A_325 : vector<16xi32>
    %add3A_327 = vector.broadcast %add3A_323 : i32 to vector<16xi32>
    %add3A_328 = arith.addi %broadcast_in_dim3A_0, %add3A_327 : vector<16xi32>
    %select_n3A_329 = arith.select %eq3A_326, %add3A_328, %select_n3A_320 : vector<16xi1>, vector<16xi32>
    %slice3A_330 = vector.extract_strided_slice %get3A_192 {offsets = [14], sizes = [1], strides = [1]} : vector<16xi32> to vector<1xi32>
    %squeeze3A_331 = vector.extract %slice3A_330[0] : i32 from vector<1xi32>
    %add3A_332 = arith.addi %add3A_323, %squeeze3A_331 : i32
    %eq3A_333 = arith.constant 15 : i32
    %eq3A_334 = vector.broadcast %eq3A_333 : i32 to vector<16xi32>
    %eq3A_335 = arith.cmpi eq, %iota3A, %eq3A_334 : vector<16xi32>
    %add3A_336 = vector.broadcast %add3A_332 : i32 to vector<16xi32>
    %add3A_337 = arith.addi %broadcast_in_dim3A_0, %add3A_336 : vector<16xi32>
    %select_n3A_338 = arith.select %eq3A_335, %add3A_337, %select_n3A_329 : vector<16xi1>, vector<16xi32>
    %slice3A_339 = vector.extract_strided_slice %get3A_192 {offsets = [15], sizes = [1], strides = [1]} : vector<16xi32> to vector<1xi32>
    %squeeze3A_340 = vector.extract %slice3A_339[0] : i32 from vector<1xi32>
    %add3A_341 = arith.addi %add3A_332, %squeeze3A_340 : i32
    %swap3A_342 = arith.constant 16 : index
    %swap3A_343 = tpu.vector_load %arg13[%swap3A_342] {strides = array<i32>} : memref<96xi32, #tpu.memory_space<vmem>>, vector<16xi32>,
    %swap3A_344 = vector.shape_cast %swap3A_343 : vector<16xi32> to vector<16xi32>
    %swap3A_345 = vector.shape_cast %select_n3A_338 : vector<16xi32> to vector<16xi32>
    tpu.vector_store %arg13[%swap3A_342], %swap3A_345 {strides = array<i32>} : memref<96xi32, #tpu.memory_space<vmem>>, vector<16xi32>,
    %sub3A_346 = arith.subi %add3A_341, %mul3A_189 : i32
    %swap3A_347 = arith.constant 1 : i32
    %swap3A_348 = arith.index_cast %swap3A_347 : i32 to index
    %swap3A_349 = memref.load %arg22[%swap3A_348] : memref<16xi32, #tpu.memory_space<smem>>
    memref.store %sub3A_346, %arg22[%swap3A_348] : memref<16xi32, #tpu.memory_space<smem>>
    %add3A_350 = arith.constant 7 : i32
    %add3A_351 = arith.addi %add3A_341, %add3A_350 : i32
    %div3A_352 = arith.constant 8 : i32
    %div3A_353 = arith.divsi %add3A_351, %div3A_352 : i32
    %mul3A_354 = arith.constant 8 : i32
    %mul3A_355 = arith.muli %div3A_353, %mul3A_354 : i32
    %get3A_356 = arith.constant 32 : index
    %get3A_357 = tpu.vector_load %arg12[%get3A_356] {strides = array<i32>} : memref<96xi32, #tpu.memory_space<vmem>>, vector<16xi32>,
    %get3A_358 = vector.shape_cast %get3A_357 : vector<16xi32> to vector<16xi32>
    %swap3A_359 = arith.constant 2 : i32
    %swap3A_360 = arith.index_cast %swap3A_359 : i32 to index
    %swap3A_361 = memref.load %arg21[%swap3A_360] : memref<16xi32, #tpu.memory_space<smem>>
    memref.store %mul3A_355, %arg21[%swap3A_360] : memref<16xi32, #tpu.memory_space<smem>>
    %broadcast_in_dim3A_362 = arith.constant 0 : i32
    %broadcast_in_dim3A_363 = vector.broadcast %broadcast_in_dim3A_362 : i32 to vector<16xi32>
    %eq3A_364 = arith.constant 0 : i32
    %eq3A_365 = vector.broadcast %eq3A_364 : i32 to vector<16xi32>
    %eq3A_366 = arith.cmpi eq, %iota3A, %eq3A_365 : vector<16xi32>
    %add3A_367 = vector.broadcast %mul3A_355 : i32 to vector<16xi32>
    %add3A_368 = arith.addi %broadcast_in_dim3A_0, %add3A_367 : vector<16xi32>
    %select_n3A_369 = arith.select %eq3A_366, %add3A_368, %broadcast_in_dim3A_363 : vector<16xi1>, vector<16xi32>
    %slice3A_370 = vector.extract_strided_slice %get3A_358 {offsets = [0], sizes = [1], strides = [1]} : vector<16xi32> to vector<1xi32>
    %squeeze3A_371 = vector.extract %slice3A_370[0] : i32 from vector<1xi32>
    %add3A_372 = arith.addi %mul3A_355, %squeeze3A_371 : i32
    %eq3A_373 = arith.constant 1 : i32
    %eq3A_374 = vector.broadcast %eq3A_373 : i32 to vector<16xi32>
    %eq3A_375 = arith.cmpi eq, %iota3A, %eq3A_374 : vector<16xi32>
    %add3A_376 = vector.broadcast %add3A_372 : i32 to vector<16xi32>
    %add3A_377 = arith.addi %broadcast_in_dim3A_0, %add3A_376 : vector<16xi32>
    %select_n3A_378 = arith.select %eq3A_375, %add3A_377, %select_n3A_369 : vector<16xi1>, vector<16xi32>
    %slice3A_379 = vector.extract_strided_slice %get3A_358 {offsets = [1], sizes = [1], strides = [1]} : vector<16xi32> to vector<1xi32>
    %squeeze3A_380 = vector.extract %slice3A_379[0] : i32 from vector<1xi32>
    %add3A_381 = arith.addi %add3A_372, %squeeze3A_380 : i32
    %eq3A_382 = arith.constant 2 : i32
    %eq3A_383 = vector.broadcast %eq3A_382 : i32 to vector<16xi32>
    %eq3A_384 = arith.cmpi eq, %iota3A, %eq3A_383 : vector<16xi32>
    %add3A_385 = vector.broadcast %add3A_381 : i32 to vector<16xi32>
    %add3A_386 = arith.addi %broadcast_in_dim3A_0, %add3A_385 : vector<16xi32>
    %select_n3A_387 = arith.select %eq3A_384, %add3A_386, %select_n3A_378 : vector<16xi1>, vector<16xi32>
    %slice3A_388 = vector.extract_strided_slice %get3A_358 {offsets = [2], sizes = [1], strides = [1]} : vector<16xi32> to vector<1xi32>
    %squeeze3A_389 = vector.extract %slice3A_388[0] : i32 from vector<1xi32>
    %add3A_390 = arith.addi %add3A_381, %squeeze3A_389 : i32
    %eq3A_391 = arith.constant 3 : i32
    %eq3A_392 = vector.broadcast %eq3A_391 : i32 to vector<16xi32>
    %eq3A_393 = arith.cmpi eq, %iota3A, %eq3A_392 : vector<16xi32>
    %add3A_394 = vector.broadcast %add3A_390 : i32 to vector<16xi32>
    %add3A_395 = arith.addi %broadcast_in_dim3A_0, %add3A_394 : vector<16xi32>
    %select_n3A_396 = arith.select %eq3A_393, %add3A_395, %select_n3A_387 : vector<16xi1>, vector<16xi32>
    %slice3A_397 = vector.extract_strided_slice %get3A_358 {offsets = [3], sizes = [1], strides = [1]} : vector<16xi32> to vector<1xi32>
    %squeeze3A_398 = vector.extract %slice3A_397[0] : i32 from vector<1xi32>
    %add3A_399 = arith.addi %add3A_390, %squeeze3A_398 : i32
    %eq3A_400 = arith.constant 4 : i32
    %eq3A_401 = vector.broadcast %eq3A_400 : i32 to vector<16xi32>
    %eq3A_402 = arith.cmpi eq, %iota3A, %eq3A_401 : vector<16xi32>
    %add3A_403 = vector.broadcast %add3A_399 : i32 to vector<16xi32>
    %add3A_404 = arith.addi %broadcast_in_dim3A_0, %add3A_403 : vector<16xi32>
    %select_n3A_405 = arith.select %eq3A_402, %add3A_404, %select_n3A_396 : vector<16xi1>, vector<16xi32>
    %slice3A_406 = vector.extract_strided_slice %get3A_358 {offsets = [4], sizes = [1], strides = [1]} : vector<16xi32> to vector<1xi32>
    %squeeze3A_407 = vector.extract %slice3A_406[0] : i32 from vector<1xi32>
    %add3A_408 = arith.addi %add3A_399, %squeeze3A_407 : i32
    %eq3A_409 = arith.constant 5 : i32
    %eq3A_410 = vector.broadcast %eq3A_409 : i32 to vector<16xi32>
    %eq3A_411 = arith.cmpi eq, %iota3A, %eq3A_410 : vector<16xi32>
    %add3A_412 = vector.broadcast %add3A_408 : i32 to vector<16xi32>
    %add3A_413 = arith.addi %broadcast_in_dim3A_0, %add3A_412 : vector<16xi32>
    %select_n3A_414 = arith.select %eq3A_411, %add3A_413, %select_n3A_405 : vector<16xi1>, vector<16xi32>
    %slice3A_415 = vector.extract_strided_slice %get3A_358 {offsets = [5], sizes = [1], strides = [1]} : vector<16xi32> to vector<1xi32>
    %squeeze3A_416 = vector.extract %slice3A_415[0] : i32 from vector<1xi32>
    %add3A_417 = arith.addi %add3A_408, %squeeze3A_416 : i32
    %eq3A_418 = arith.constant 6 : i32
    %eq3A_419 = vector.broadcast %eq3A_418 : i32 to vector<16xi32>
    %eq3A_420 = arith.cmpi eq, %iota3A, %eq3A_419 : vector<16xi32>
    %add3A_421 = vector.broadcast %add3A_417 : i32 to vector<16xi32>
    %add3A_422 = arith.addi %broadcast_in_dim3A_0, %add3A_421 : vector<16xi32>
    %select_n3A_423 = arith.select %eq3A_420, %add3A_422, %select_n3A_414 : vector<16xi1>, vector<16xi32>
    %slice3A_424 = vector.extract_strided_slice %get3A_358 {offsets = [6], sizes = [1], strides = [1]} : vector<16xi32> to vector<1xi32>
    %squeeze3A_425 = vector.extract %slice3A_424[0] : i32 from vector<1xi32>
    %add3A_426 = arith.addi %add3A_417, %squeeze3A_425 : i32
    %eq3A_427 = arith.constant 7 : i32
    %eq3A_428 = vector.broadcast %eq3A_427 : i32 to vector<16xi32>
    %eq3A_429 = arith.cmpi eq, %iota3A, %eq3A_428 : vector<16xi32>
    %add3A_430 = vector.broadcast %add3A_426 : i32 to vector<16xi32>
    %add3A_431 = arith.addi %broadcast_in_dim3A_0, %add3A_430 : vector<16xi32>
    %select_n3A_432 = arith.select %eq3A_429, %add3A_431, %select_n3A_423 : vector<16xi1>, vector<16xi32>
    %slice3A_433 = vector.extract_strided_slice %get3A_358 {offsets = [7], sizes = [1], strides = [1]} : vector<16xi32> to vector<1xi32>
    %squeeze3A_434 = vector.extract %slice3A_433[0] : i32 from vector<1xi32>
    %add3A_435 = arith.addi %add3A_426, %squeeze3A_434 : i32
    %eq3A_436 = arith.constant 8 : i32
    %eq3A_437 = vector.broadcast %eq3A_436 : i32 to vector<16xi32>
    %eq3A_438 = arith.cmpi eq, %iota3A, %eq3A_437 : vector<16xi32>
    %add3A_439 = vector.broadcast %add3A_435 : i32 to vector<16xi32>
    %add3A_440 = arith.addi %broadcast_in_dim3A_0, %add3A_439 : vector<16xi32>
    %select_n3A_441 = arith.select %eq3A_438, %add3A_440, %select_n3A_432 : vector<16xi1>, vector<16xi32>
    %slice3A_442 = vector.extract_strided_slice %get3A_358 {offsets = [8], sizes = [1], strides = [1]} : vector<16xi32> to vector<1xi32>
    %squeeze3A_443 = vector.extract %slice3A_442[0] : i32 from vector<1xi32>
    %add3A_444 = arith.addi %add3A_435, %squeeze3A_443 : i32
    %eq3A_445 = arith.constant 9 : i32
    %eq3A_446 = vector.broadcast %eq3A_445 : i32 to vector<16xi32>
    %eq3A_447 = arith.cmpi eq, %iota3A, %eq3A_446 : vector<16xi32>
    %add3A_448 = vector.broadcast %add3A_444 : i32 to vector<16xi32>
    %add3A_449 = arith.addi %broadcast_in_dim3A_0, %add3A_448 : vector<16xi32>
    %select_n3A_450 = arith.select %eq3A_447, %add3A_449, %select_n3A_441 : vector<16xi1>, vector<16xi32>
    %slice3A_451 = vector.extract_strided_slice %get3A_358 {offsets = [9], sizes = [1], strides = [1]} : vector<16xi32> to vector<1xi32>
    %squeeze3A_452 = vector.extract %slice3A_451[0] : i32 from vector<1xi32>
    %add3A_453 = arith.addi %add3A_444, %squeeze3A_452 : i32
    %eq3A_454 = arith.constant 10 : i32
    %eq3A_455 = vector.broadcast %eq3A_454 : i32 to vector<16xi32>
    %eq3A_456 = arith.cmpi eq, %iota3A, %eq3A_455 : vector<16xi32>
    %add3A_457 = vector.broadcast %add3A_453 : i32 to vector<16xi32>
    %add3A_458 = arith.addi %broadcast_in_dim3A_0, %add3A_457 : vector<16xi32>
    %select_n3A_459 = arith.select %eq3A_456, %add3A_458, %select_n3A_450 : vector<16xi1>, vector<16xi32>
    %slice3A_460 = vector.extract_strided_slice %get3A_358 {offsets = [10], sizes = [1], strides = [1]} : vector<16xi32> to vector<1xi32>
    %squeeze3A_461 = vector.extract %slice3A_460[0] : i32 from vector<1xi32>
    %add3A_462 = arith.addi %add3A_453, %squeeze3A_461 : i32
    %eq3A_463 = arith.constant 11 : i32
    %eq3A_464 = vector.broadcast %eq3A_463 : i32 to vector<16xi32>
    %eq3A_465 = arith.cmpi eq, %iota3A, %eq3A_464 : vector<16xi32>
    %add3A_466 = vector.broadcast %add3A_462 : i32 to vector<16xi32>
    %add3A_467 = arith.addi %broadcast_in_dim3A_0, %add3A_466 : vector<16xi32>
    %select_n3A_468 = arith.select %eq3A_465, %add3A_467, %select_n3A_459 : vector<16xi1>, vector<16xi32>
    %slice3A_469 = vector.extract_strided_slice %get3A_358 {offsets = [11], sizes = [1], strides = [1]} : vector<16xi32> to vector<1xi32>
    %squeeze3A_470 = vector.extract %slice3A_469[0] : i32 from vector<1xi32>
    %add3A_471 = arith.addi %add3A_462, %squeeze3A_470 : i32
    %eq3A_472 = arith.constant 12 : i32
    %eq3A_473 = vector.broadcast %eq3A_472 : i32 to vector<16xi32>
    %eq3A_474 = arith.cmpi eq, %iota3A, %eq3A_473 : vector<16xi32>
    %add3A_475 = vector.broadcast %add3A_471 : i32 to vector<16xi32>
    %add3A_476 = arith.addi %broadcast_in_dim3A_0, %add3A_475 : vector<16xi32>
    %select_n3A_477 = arith.select %eq3A_474, %add3A_476, %select_n3A_468 : vector<16xi1>, vector<16xi32>
    %slice3A_478 = vector.extract_strided_slice %get3A_358 {offsets = [12], sizes = [1], strides = [1]} : vector<16xi32> to vector<1xi32>
    %squeeze3A_479 = vector.extract %slice3A_478[0] : i32 from vector<1xi32>
    %add3A_480 = arith.addi %add3A_471, %squeeze3A_479 : i32
    %eq3A_481 = arith.constant 13 : i32
    %eq3A_482 = vector.broadcast %eq3A_481 : i32 to vector<16xi32>
    %eq3A_483 = arith.cmpi eq, %iota3A, %eq3A_482 : vector<16xi32>
    %add3A_484 = vector.broadcast %add3A_480 : i32 to vector<16xi32>
    %add3A_485 = arith.addi %broadcast_in_dim3A_0, %add3A_484 : vector<16xi32>
    %select_n3A_486 = arith.select %eq3A_483, %add3A_485, %select_n3A_477 : vector<16xi1>, vector<16xi32>
    %slice3A_487 = vector.extract_strided_slice %get3A_358 {offsets = [13], sizes = [1], strides = [1]} : vector<16xi32> to vector<1xi32>
    %squeeze3A_488 = vector.extract %slice3A_487[0] : i32 from vector<1xi32>
    %add3A_489 = arith.addi %add3A_480, %squeeze3A_488 : i32
    %eq3A_490 = arith.constant 14 : i32
    %eq3A_491 = vector.broadcast %eq3A_490 : i32 to vector<16xi32>
    %eq3A_492 = arith.cmpi eq, %iota3A, %eq3A_491 : vector<16xi32>
    %add3A_493 = vector.broadcast %add3A_489 : i32 to vector<16xi32>
    %add3A_494 = arith.addi %broadcast_in_dim3A_0, %add3A_493 : vector<16xi32>
    %select_n3A_495 = arith.select %eq3A_492, %add3A_494, %select_n3A_486 : vector<16xi1>, vector<16xi32>
    %slice3A_496 = vector.extract_strided_slice %get3A_358 {offsets = [14], sizes = [1], strides = [1]} : vector<16xi32> to vector<1xi32>
    %squeeze3A_497 = vector.extract %slice3A_496[0] : i32 from vector<1xi32>
    %add3A_498 = arith.addi %add3A_489, %squeeze3A_497 : i32
    %eq3A_499 = arith.constant 15 : i32
    %eq3A_500 = vector.broadcast %eq3A_499 : i32 to vector<16xi32>
    %eq3A_501 = arith.cmpi eq, %iota3A, %eq3A_500 : vector<16xi32>
    %add3A_502 = vector.broadcast %add3A_498 : i32 to vector<16xi32>
    %add3A_503 = arith.addi %broadcast_in_dim3A_0, %add3A_502 : vector<16xi32>
    %select_n3A_504 = arith.select %eq3A_501, %add3A_503, %select_n3A_495 : vector<16xi1>, vector<16xi32>
    %slice3A_505 = vector.extract_strided_slice %get3A_358 {offsets = [15], sizes = [1], strides = [1]} : vector<16xi32> to vector<1xi32>
    %squeeze3A_506 = vector.extract %slice3A_505[0] : i32 from vector<1xi32>
    %add3A_507 = arith.addi %add3A_498, %squeeze3A_506 : i32
    %swap3A_508 = arith.constant 32 : index
    %swap3A_509 = tpu.vector_load %arg13[%swap3A_508] {strides = array<i32>} : memref<96xi32, #tpu.memory_space<vmem>>, vector<16xi32>,
    %swap3A_510 = vector.shape_cast %swap3A_509 : vector<16xi32> to vector<16xi32>
    %swap3A_511 = vector.shape_cast %select_n3A_504 : vector<16xi32> to vector<16xi32>
    tpu.vector_store %arg13[%swap3A_508], %swap3A_511 {strides = array<i32>} : memref<96xi32, #tpu.memory_space<vmem>>, vector<16xi32>,
    %sub3A_512 = arith.subi %add3A_507, %mul3A_355 : i32
    %swap3A_513 = arith.constant 2 : i32
    %swap3A_514 = arith.index_cast %swap3A_513 : i32 to index
    %swap3A_515 = memref.load %arg22[%swap3A_514] : memref<16xi32, #tpu.memory_space<smem>>
    memref.store %sub3A_512, %arg22[%swap3A_514] : memref<16xi32, #tpu.memory_space<smem>>
    %add3A_516 = arith.constant 7 : i32
    %add3A_517 = arith.addi %add3A_507, %add3A_516 : i32
    %div3A_518 = arith.constant 8 : i32
    %div3A_519 = arith.divsi %add3A_517, %div3A_518 : i32
    %mul3A_520 = arith.constant 8 : i32
    %mul3A_521 = arith.muli %div3A_519, %mul3A_520 : i32
    %get3A_522 = arith.constant 48 : index
    %get3A_523 = tpu.vector_load %arg12[%get3A_522] {strides = array<i32>} : memref<96xi32, #tpu.memory_space<vmem>>, vector<16xi32>,
    %get3A_524 = vector.shape_cast %get3A_523 : vector<16xi32> to vector<16xi32>
    %swap3A_525 = arith.constant 3 : i32
    %swap3A_526 = arith.index_cast %swap3A_525 : i32 to index
    %swap3A_527 = memref.load %arg21[%swap3A_526] : memref<16xi32, #tpu.memory_space<smem>>
    memref.store %mul3A_521, %arg21[%swap3A_526] : memref<16xi32, #tpu.memory_space<smem>>
    %broadcast_in_dim3A_528 = arith.constant 0 : i32
    %broadcast_in_dim3A_529 = vector.broadcast %broadcast_in_dim3A_528 : i32 to vector<16xi32>
    %eq3A_530 = arith.constant 0 : i32
    %eq3A_531 = vector.broadcast %eq3A_530 : i32 to vector<16xi32>
    %eq3A_532 = arith.cmpi eq, %iota3A, %eq3A_531 : vector<16xi32>
    %add3A_533 = vector.broadcast %mul3A_521 : i32 to vector<16xi32>
    %add3A_534 = arith.addi %broadcast_in_dim3A_0, %add3A_533 : vector<16xi32>
    %select_n3A_535 = arith.select %eq3A_532, %add3A_534, %broadcast_in_dim3A_529 : vector<16xi1>, vector<16xi32>
    %slice3A_536 = vector.extract_strided_slice %get3A_524 {offsets = [0], sizes = [1], strides = [1]} : vector<16xi32> to vector<1xi32>
    %squeeze3A_537 = vector.extract %slice3A_536[0] : i32 from vector<1xi32>
    %add3A_538 = arith.addi %mul3A_521, %squeeze3A_537 : i32
    %eq3A_539 = arith.constant 1 : i32
    %eq3A_540 = vector.broadcast %eq3A_539 : i32 to vector<16xi32>
    %eq3A_541 = arith.cmpi eq, %iota3A, %eq3A_540 : vector<16xi32>
    %add3A_542 = vector.broadcast %add3A_538 : i32 to vector<16xi32>
    %add3A_543 = arith.addi %broadcast_in_dim3A_0, %add3A_542 : vector<16xi32>
    %select_n3A_544 = arith.select %eq3A_541, %add3A_543, %select_n3A_535 : vector<16xi1>, vector<16xi32>
    %slice3A_545 = vector.extract_strided_slice %get3A_524 {offsets = [1], sizes = [1], strides = [1]} : vector<16xi32> to vector<1xi32>
    %squeeze3A_546 = vector.extract %slice3A_545[0] : i32 from vector<1xi32>
    %add3A_547 = arith.addi %add3A_538, %squeeze3A_546 : i32
    %eq3A_548 = arith.constant 2 : i32
    %eq3A_549 = vector.broadcast %eq3A_548 : i32 to vector<16xi32>
    %eq3A_550 = arith.cmpi eq, %iota3A, %eq3A_549 : vector<16xi32>
    %add3A_551 = vector.broadcast %add3A_547 : i32 to vector<16xi32>
    %add3A_552 = arith.addi %broadcast_in_dim3A_0, %add3A_551 : vector<16xi32>
    %select_n3A_553 = arith.select %eq3A_550, %add3A_552, %select_n3A_544 : vector<16xi1>, vector<16xi32>
    %slice3A_554 = vector.extract_strided_slice %get3A_524 {offsets = [2], sizes = [1], strides = [1]} : vector<16xi32> to vector<1xi32>
    %squeeze3A_555 = vector.extract %slice3A_554[0] : i32 from vector<1xi32>
    %add3A_556 = arith.addi %add3A_547, %squeeze3A_555 : i32
    %eq3A_557 = arith.constant 3 : i32
    %eq3A_558 = vector.broadcast %eq3A_557 : i32 to vector<16xi32>
    %eq3A_559 = arith.cmpi eq, %iota3A, %eq3A_558 : vector<16xi32>
    %add3A_560 = vector.broadcast %add3A_556 : i32 to vector<16xi32>
    %add3A_561 = arith.addi %broadcast_in_dim3A_0, %add3A_560 : vector<16xi32>
    %select_n3A_562 = arith.select %eq3A_559, %add3A_561, %select_n3A_553 : vector<16xi1>, vector<16xi32>
    %slice3A_563 = vector.extract_strided_slice %get3A_524 {offsets = [3], sizes = [1], strides = [1]} : vector<16xi32> to vector<1xi32>
    %squeeze3A_564 = vector.extract %slice3A_563[0] : i32 from vector<1xi32>
    %add3A_565 = arith.addi %add3A_556, %squeeze3A_564 : i32
    %eq3A_566 = arith.constant 4 : i32
    %eq3A_567 = vector.broadcast %eq3A_566 : i32 to vector<16xi32>
    %eq3A_568 = arith.cmpi eq, %iota3A, %eq3A_567 : vector<16xi32>
    %add3A_569 = vector.broadcast %add3A_565 : i32 to vector<16xi32>
    %add3A_570 = arith.addi %broadcast_in_dim3A_0, %add3A_569 : vector<16xi32>
    %select_n3A_571 = arith.select %eq3A_568, %add3A_570, %select_n3A_562 : vector<16xi1>, vector<16xi32>
    %slice3A_572 = vector.extract_strided_slice %get3A_524 {offsets = [4], sizes = [1], strides = [1]} : vector<16xi32> to vector<1xi32>
    %squeeze3A_573 = vector.extract %slice3A_572[0] : i32 from vector<1xi32>
    %add3A_574 = arith.addi %add3A_565, %squeeze3A_573 : i32
    %eq3A_575 = arith.constant 5 : i32
    %eq3A_576 = vector.broadcast %eq3A_575 : i32 to vector<16xi32>
    %eq3A_577 = arith.cmpi eq, %iota3A, %eq3A_576 : vector<16xi32>
    %add3A_578 = vector.broadcast %add3A_574 : i32 to vector<16xi32>
    %add3A_579 = arith.addi %broadcast_in_dim3A_0, %add3A_578 : vector<16xi32>
    %select_n3A_580 = arith.select %eq3A_577, %add3A_579, %select_n3A_571 : vector<16xi1>, vector<16xi32>
    %slice3A_581 = vector.extract_strided_slice %get3A_524 {offsets = [5], sizes = [1], strides = [1]} : vector<16xi32> to vector<1xi32>
    %squeeze3A_582 = vector.extract %slice3A_581[0] : i32 from vector<1xi32>
    %add3A_583 = arith.addi %add3A_574, %squeeze3A_582 : i32
    %eq3A_584 = arith.constant 6 : i32
    %eq3A_585 = vector.broadcast %eq3A_584 : i32 to vector<16xi32>
    %eq3A_586 = arith.cmpi eq, %iota3A, %eq3A_585 : vector<16xi32>
    %add3A_587 = vector.broadcast %add3A_583 : i32 to vector<16xi32>
    %add3A_588 = arith.addi %broadcast_in_dim3A_0, %add3A_587 : vector<16xi32>
    %select_n3A_589 = arith.select %eq3A_586, %add3A_588, %select_n3A_580 : vector<16xi1>, vector<16xi32>
    %slice3A_590 = vector.extract_strided_slice %get3A_524 {offsets = [6], sizes = [1], strides = [1]} : vector<16xi32> to vector<1xi32>
    %squeeze3A_591 = vector.extract %slice3A_590[0] : i32 from vector<1xi32>
    %add3A_592 = arith.addi %add3A_583, %squeeze3A_591 : i32
    %eq3A_593 = arith.constant 7 : i32
    %eq3A_594 = vector.broadcast %eq3A_593 : i32 to vector<16xi32>
    %eq3A_595 = arith.cmpi eq, %iota3A, %eq3A_594 : vector<16xi32>
    %add3A_596 = vector.broadcast %add3A_592 : i32 to vector<16xi32>
    %add3A_597 = arith.addi %broadcast_in_dim3A_0, %add3A_596 : vector<16xi32>
    %select_n3A_598 = arith.select %eq3A_595, %add3A_597, %select_n3A_589 : vector<16xi1>, vector<16xi32>
    %slice3A_599 = vector.extract_strided_slice %get3A_524 {offsets = [7], sizes = [1], strides = [1]} : vector<16xi32> to vector<1xi32>
    %squeeze3A_600 = vector.extract %slice3A_599[0] : i32 from vector<1xi32>
    %add3A_601 = arith.addi %add3A_592, %squeeze3A_600 : i32
    %eq3A_602 = arith.constant 8 : i32
    %eq3A_603 = vector.broadcast %eq3A_602 : i32 to vector<16xi32>
    %eq3A_604 = arith.cmpi eq, %iota3A, %eq3A_603 : vector<16xi32>
    %add3A_605 = vector.broadcast %add3A_601 : i32 to vector<16xi32>
    %add3A_606 = arith.addi %broadcast_in_dim3A_0, %add3A_605 : vector<16xi32>
    %select_n3A_607 = arith.select %eq3A_604, %add3A_606, %select_n3A_598 : vector<16xi1>, vector<16xi32>
    %slice3A_608 = vector.extract_strided_slice %get3A_524 {offsets = [8], sizes = [1], strides = [1]} : vector<16xi32> to vector<1xi32>
    %squeeze3A_609 = vector.extract %slice3A_608[0] : i32 from vector<1xi32>
    %add3A_610 = arith.addi %add3A_601, %squeeze3A_609 : i32
    %eq3A_611 = arith.constant 9 : i32
    %eq3A_612 = vector.broadcast %eq3A_611 : i32 to vector<16xi32>
    %eq3A_613 = arith.cmpi eq, %iota3A, %eq3A_612 : vector<16xi32>
    %add3A_614 = vector.broadcast %add3A_610 : i32 to vector<16xi32>
    %add3A_615 = arith.addi %broadcast_in_dim3A_0, %add3A_614 : vector<16xi32>
    %select_n3A_616 = arith.select %eq3A_613, %add3A_615, %select_n3A_607 : vector<16xi1>, vector<16xi32>
    %slice3A_617 = vector.extract_strided_slice %get3A_524 {offsets = [9], sizes = [1], strides = [1]} : vector<16xi32> to vector<1xi32>
    %squeeze3A_618 = vector.extract %slice3A_617[0] : i32 from vector<1xi32>
    %add3A_619 = arith.addi %add3A_610, %squeeze3A_618 : i32
    %eq3A_620 = arith.constant 10 : i32
    %eq3A_621 = vector.broadcast %eq3A_620 : i32 to vector<16xi32>
    %eq3A_622 = arith.cmpi eq, %iota3A, %eq3A_621 : vector<16xi32>
    %add3A_623 = vector.broadcast %add3A_619 : i32 to vector<16xi32>
    %add3A_624 = arith.addi %broadcast_in_dim3A_0, %add3A_623 : vector<16xi32>
    %select_n3A_625 = arith.select %eq3A_622, %add3A_624, %select_n3A_616 : vector<16xi1>, vector<16xi32>
    %slice3A_626 = vector.extract_strided_slice %get3A_524 {offsets = [10], sizes = [1], strides = [1]} : vector<16xi32> to vector<1xi32>
    %squeeze3A_627 = vector.extract %slice3A_626[0] : i32 from vector<1xi32>
    %add3A_628 = arith.addi %add3A_619, %squeeze3A_627 : i32
    %eq3A_629 = arith.constant 11 : i32
    %eq3A_630 = vector.broadcast %eq3A_629 : i32 to vector<16xi32>
    %eq3A_631 = arith.cmpi eq, %iota3A, %eq3A_630 : vector<16xi32>
    %add3A_632 = vector.broadcast %add3A_628 : i32 to vector<16xi32>
    %add3A_633 = arith.addi %broadcast_in_dim3A_0, %add3A_632 : vector<16xi32>
    %select_n3A_634 = arith.select %eq3A_631, %add3A_633, %select_n3A_625 : vector<16xi1>, vector<16xi32>
    %slice3A_635 = vector.extract_strided_slice %get3A_524 {offsets = [11], sizes = [1], strides = [1]} : vector<16xi32> to vector<1xi32>
    %squeeze3A_636 = vector.extract %slice3A_635[0] : i32 from vector<1xi32>
    %add3A_637 = arith.addi %add3A_628, %squeeze3A_636 : i32
    %eq3A_638 = arith.constant 12 : i32
    %eq3A_639 = vector.broadcast %eq3A_638 : i32 to vector<16xi32>
    %eq3A_640 = arith.cmpi eq, %iota3A, %eq3A_639 : vector<16xi32>
    %add3A_641 = vector.broadcast %add3A_637 : i32 to vector<16xi32>
    %add3A_642 = arith.addi %broadcast_in_dim3A_0, %add3A_641 : vector<16xi32>
    %select_n3A_643 = arith.select %eq3A_640, %add3A_642, %select_n3A_634 : vector<16xi1>, vector<16xi32>
    %slice3A_644 = vector.extract_strided_slice %get3A_524 {offsets = [12], sizes = [1], strides = [1]} : vector<16xi32> to vector<1xi32>
    %squeeze3A_645 = vector.extract %slice3A_644[0] : i32 from vector<1xi32>
    %add3A_646 = arith.addi %add3A_637, %squeeze3A_645 : i32
    %eq3A_647 = arith.constant 13 : i32
    %eq3A_648 = vector.broadcast %eq3A_647 : i32 to vector<16xi32>
    %eq3A_649 = arith.cmpi eq, %iota3A, %eq3A_648 : vector<16xi32>
    %add3A_650 = vector.broadcast %add3A_646 : i32 to vector<16xi32>
    %add3A_651 = arith.addi %broadcast_in_dim3A_0, %add3A_650 : vector<16xi32>
    %select_n3A_652 = arith.select %eq3A_649, %add3A_651, %select_n3A_643 : vector<16xi1>, vector<16xi32>
    %slice3A_653 = vector.extract_strided_slice %get3A_524 {offsets = [13], sizes = [1], strides = [1]} : vector<16xi32> to vector<1xi32>
    %squeeze3A_654 = vector.extract %slice3A_653[0] : i32 from vector<1xi32>
    %add3A_655 = arith.addi %add3A_646, %squeeze3A_654 : i32
    %eq3A_656 = arith.constant 14 : i32
    %eq3A_657 = vector.broadcast %eq3A_656 : i32 to vector<16xi32>
    %eq3A_658 = arith.cmpi eq, %iota3A, %eq3A_657 : vector<16xi32>
    %add3A_659 = vector.broadcast %add3A_655 : i32 to vector<16xi32>
    %add3A_660 = arith.addi %broadcast_in_dim3A_0, %add3A_659 : vector<16xi32>
    %select_n3A_661 = arith.select %eq3A_658, %add3A_660, %select_n3A_652 : vector<16xi1>, vector<16xi32>
    %slice3A_662 = vector.extract_strided_slice %get3A_524 {offsets = [14], sizes = [1], strides = [1]} : vector<16xi32> to vector<1xi32>
    %squeeze3A_663 = vector.extract %slice3A_662[0] : i32 from vector<1xi32>
    %add3A_664 = arith.addi %add3A_655, %squeeze3A_663 : i32
    %eq3A_665 = arith.constant 15 : i32
    %eq3A_666 = vector.broadcast %eq3A_665 : i32 to vector<16xi32>
    %eq3A_667 = arith.cmpi eq, %iota3A, %eq3A_666 : vector<16xi32>
    %add3A_668 = vector.broadcast %add3A_664 : i32 to vector<16xi32>
    %add3A_669 = arith.addi %broadcast_in_dim3A_0, %add3A_668 : vector<16xi32>
    %select_n3A_670 = arith.select %eq3A_667, %add3A_669, %select_n3A_661 : vector<16xi1>, vector<16xi32>
    %slice3A_671 = vector.extract_strided_slice %get3A_524 {offsets = [15], sizes = [1], strides = [1]} : vector<16xi32> to vector<1xi32>
    %squeeze3A_672 = vector.extract %slice3A_671[0] : i32 from vector<1xi32>
    %add3A_673 = arith.addi %add3A_664, %squeeze3A_672 : i32
    %swap3A_674 = arith.constant 48 : index
    %swap3A_675 = tpu.vector_load %arg13[%swap3A_674] {strides = array<i32>} : memref<96xi32, #tpu.memory_space<vmem>>, vector<16xi32>,
    %swap3A_676 = vector.shape_cast %swap3A_675 : vector<16xi32> to vector<16xi32>
    %swap3A_677 = vector.shape_cast %select_n3A_670 : vector<16xi32> to vector<16xi32>
    tpu.vector_store %arg13[%swap3A_674], %swap3A_677 {strides = array<i32>} : memref<96xi32, #tpu.memory_space<vmem>>, vector<16xi32>,
    %sub3A_678 = arith.subi %add3A_673, %mul3A_521 : i32
    %swap3A_679 = arith.constant 3 : i32
    %swap3A_680 = arith.index_cast %swap3A_679 : i32 to index
    %swap3A_681 = memref.load %arg22[%swap3A_680] : memref<16xi32, #tpu.memory_space<smem>>
    memref.store %sub3A_678, %arg22[%swap3A_680] : memref<16xi32, #tpu.memory_space<smem>>
    %add3A_682 = arith.constant 7 : i32
    %add3A_683 = arith.addi %add3A_673, %add3A_682 : i32
    %div3A_684 = arith.constant 8 : i32
    %div3A_685 = arith.divsi %add3A_683, %div3A_684 : i32
    %mul3A_686 = arith.constant 8 : i32
    %mul3A_687 = arith.muli %div3A_685, %mul3A_686 : i32
    %get3A_688 = arith.constant 64 : index
    %get3A_689 = tpu.vector_load %arg12[%get3A_688] {strides = array<i32>} : memref<96xi32, #tpu.memory_space<vmem>>, vector<16xi32>,
    %get3A_690 = vector.shape_cast %get3A_689 : vector<16xi32> to vector<16xi32>
    %swap3A_691 = arith.constant 4 : i32
    %swap3A_692 = arith.index_cast %swap3A_691 : i32 to index
    %swap3A_693 = memref.load %arg21[%swap3A_692] : memref<16xi32, #tpu.memory_space<smem>>
    memref.store %mul3A_687, %arg21[%swap3A_692] : memref<16xi32, #tpu.memory_space<smem>>
    %broadcast_in_dim3A_694 = arith.constant 0 : i32
    %broadcast_in_dim3A_695 = vector.broadcast %broadcast_in_dim3A_694 : i32 to vector<16xi32>
    %eq3A_696 = arith.constant 0 : i32
    %eq3A_697 = vector.broadcast %eq3A_696 : i32 to vector<16xi32>
    %eq3A_698 = arith.cmpi eq, %iota3A, %eq3A_697 : vector<16xi32>
    %add3A_699 = vector.broadcast %mul3A_687 : i32 to vector<16xi32>
    %add3A_700 = arith.addi %broadcast_in_dim3A_0, %add3A_699 : vector<16xi32>
    %select_n3A_701 = arith.select %eq3A_698, %add3A_700, %broadcast_in_dim3A_695 : vector<16xi1>, vector<16xi32>
    %slice3A_702 = vector.extract_strided_slice %get3A_690 {offsets = [0], sizes = [1], strides = [1]} : vector<16xi32> to vector<1xi32>
    %squeeze3A_703 = vector.extract %slice3A_702[0] : i32 from vector<1xi32>
    %add3A_704 = arith.addi %mul3A_687, %squeeze3A_703 : i32
    %eq3A_705 = arith.constant 1 : i32
    %eq3A_706 = vector.broadcast %eq3A_705 : i32 to vector<16xi32>
    %eq3A_707 = arith.cmpi eq, %iota3A, %eq3A_706 : vector<16xi32>
    %add3A_708 = vector.broadcast %add3A_704 : i32 to vector<16xi32>
    %add3A_709 = arith.addi %broadcast_in_dim3A_0, %add3A_708 : vector<16xi32>
    %select_n3A_710 = arith.select %eq3A_707, %add3A_709, %select_n3A_701 : vector<16xi1>, vector<16xi32>
    %slice3A_711 = vector.extract_strided_slice %get3A_690 {offsets = [1], sizes = [1], strides = [1]} : vector<16xi32> to vector<1xi32>
    %squeeze3A_712 = vector.extract %slice3A_711[0] : i32 from vector<1xi32>
    %add3A_713 = arith.addi %add3A_704, %squeeze3A_712 : i32
    %eq3A_714 = arith.constant 2 : i32
    %eq3A_715 = vector.broadcast %eq3A_714 : i32 to vector<16xi32>
    %eq3A_716 = arith.cmpi eq, %iota3A, %eq3A_715 : vector<16xi32>
    %add3A_717 = vector.broadcast %add3A_713 : i32 to vector<16xi32>
    %add3A_718 = arith.addi %broadcast_in_dim3A_0, %add3A_717 : vector<16xi32>
    %select_n3A_719 = arith.select %eq3A_716, %add3A_718, %select_n3A_710 : vector<16xi1>, vector<16xi32>
    %slice3A_720 = vector.extract_strided_slice %get3A_690 {offsets = [2], sizes = [1], strides = [1]} : vector<16xi32> to vector<1xi32>
    %squeeze3A_721 = vector.extract %slice3A_720[0] : i32 from vector<1xi32>
    %add3A_722 = arith.addi %add3A_713, %squeeze3A_721 : i32
    %eq3A_723 = arith.constant 3 : i32
    %eq3A_724 = vector.broadcast %eq3A_723 : i32 to vector<16xi32>
    %eq3A_725 = arith.cmpi eq, %iota3A, %eq3A_724 : vector<16xi32>
    %add3A_726 = vector.broadcast %add3A_722 : i32 to vector<16xi32>
    %add3A_727 = arith.addi %broadcast_in_dim3A_0, %add3A_726 : vector<16xi32>
    %select_n3A_728 = arith.select %eq3A_725, %add3A_727, %select_n3A_719 : vector<16xi1>, vector<16xi32>
    %slice3A_729 = vector.extract_strided_slice %get3A_690 {offsets = [3], sizes = [1], strides = [1]} : vector<16xi32> to vector<1xi32>
    %squeeze3A_730 = vector.extract %slice3A_729[0] : i32 from vector<1xi32>
    %add3A_731 = arith.addi %add3A_722, %squeeze3A_730 : i32
    %eq3A_732 = arith.constant 4 : i32
    %eq3A_733 = vector.broadcast %eq3A_732 : i32 to vector<16xi32>
    %eq3A_734 = arith.cmpi eq, %iota3A, %eq3A_733 : vector<16xi32>
    %add3A_735 = vector.broadcast %add3A_731 : i32 to vector<16xi32>
    %add3A_736 = arith.addi %broadcast_in_dim3A_0, %add3A_735 : vector<16xi32>
    %select_n3A_737 = arith.select %eq3A_734, %add3A_736, %select_n3A_728 : vector<16xi1>, vector<16xi32>
    %slice3A_738 = vector.extract_strided_slice %get3A_690 {offsets = [4], sizes = [1], strides = [1]} : vector<16xi32> to vector<1xi32>
    %squeeze3A_739 = vector.extract %slice3A_738[0] : i32 from vector<1xi32>
    %add3A_740 = arith.addi %add3A_731, %squeeze3A_739 : i32
    %eq3A_741 = arith.constant 5 : i32
    %eq3A_742 = vector.broadcast %eq3A_741 : i32 to vector<16xi32>
    %eq3A_743 = arith.cmpi eq, %iota3A, %eq3A_742 : vector<16xi32>
    %add3A_744 = vector.broadcast %add3A_740 : i32 to vector<16xi32>
    %add3A_745 = arith.addi %broadcast_in_dim3A_0, %add3A_744 : vector<16xi32>
    %select_n3A_746 = arith.select %eq3A_743, %add3A_745, %select_n3A_737 : vector<16xi1>, vector<16xi32>
    %slice3A_747 = vector.extract_strided_slice %get3A_690 {offsets = [5], sizes = [1], strides = [1]} : vector<16xi32> to vector<1xi32>
    %squeeze3A_748 = vector.extract %slice3A_747[0] : i32 from vector<1xi32>
    %add3A_749 = arith.addi %add3A_740, %squeeze3A_748 : i32
    %eq3A_750 = arith.constant 6 : i32
    %eq3A_751 = vector.broadcast %eq3A_750 : i32 to vector<16xi32>
    %eq3A_752 = arith.cmpi eq, %iota3A, %eq3A_751 : vector<16xi32>
    %add3A_753 = vector.broadcast %add3A_749 : i32 to vector<16xi32>
    %add3A_754 = arith.addi %broadcast_in_dim3A_0, %add3A_753 : vector<16xi32>
    %select_n3A_755 = arith.select %eq3A_752, %add3A_754, %select_n3A_746 : vector<16xi1>, vector<16xi32>
    %slice3A_756 = vector.extract_strided_slice %get3A_690 {offsets = [6], sizes = [1], strides = [1]} : vector<16xi32> to vector<1xi32>
    %squeeze3A_757 = vector.extract %slice3A_756[0] : i32 from vector<1xi32>
    %add3A_758 = arith.addi %add3A_749, %squeeze3A_757 : i32
    %eq3A_759 = arith.constant 7 : i32
    %eq3A_760 = vector.broadcast %eq3A_759 : i32 to vector<16xi32>
    %eq3A_761 = arith.cmpi eq, %iota3A, %eq3A_760 : vector<16xi32>
    %add3A_762 = vector.broadcast %add3A_758 : i32 to vector<16xi32>
    %add3A_763 = arith.addi %broadcast_in_dim3A_0, %add3A_762 : vector<16xi32>
    %select_n3A_764 = arith.select %eq3A_761, %add3A_763, %select_n3A_755 : vector<16xi1>, vector<16xi32>
    %slice3A_765 = vector.extract_strided_slice %get3A_690 {offsets = [7], sizes = [1], strides = [1]} : vector<16xi32> to vector<1xi32>
    %squeeze3A_766 = vector.extract %slice3A_765[0] : i32 from vector<1xi32>
    %add3A_767 = arith.addi %add3A_758, %squeeze3A_766 : i32
    %eq3A_768 = arith.constant 8 : i32
    %eq3A_769 = vector.broadcast %eq3A_768 : i32 to vector<16xi32>
    %eq3A_770 = arith.cmpi eq, %iota3A, %eq3A_769 : vector<16xi32>
    %add3A_771 = vector.broadcast %add3A_767 : i32 to vector<16xi32>
    %add3A_772 = arith.addi %broadcast_in_dim3A_0, %add3A_771 : vector<16xi32>
    %select_n3A_773 = arith.select %eq3A_770, %add3A_772, %select_n3A_764 : vector<16xi1>, vector<16xi32>
    %slice3A_774 = vector.extract_strided_slice %get3A_690 {offsets = [8], sizes = [1], strides = [1]} : vector<16xi32> to vector<1xi32>
    %squeeze3A_775 = vector.extract %slice3A_774[0] : i32 from vector<1xi32>
    %add3A_776 = arith.addi %add3A_767, %squeeze3A_775 : i32
    %eq3A_777 = arith.constant 9 : i32
    %eq3A_778 = vector.broadcast %eq3A_777 : i32 to vector<16xi32>
    %eq3A_779 = arith.cmpi eq, %iota3A, %eq3A_778 : vector<16xi32>
    %add3A_780 = vector.broadcast %add3A_776 : i32 to vector<16xi32>
    %add3A_781 = arith.addi %broadcast_in_dim3A_0, %add3A_780 : vector<16xi32>
    %select_n3A_782 = arith.select %eq3A_779, %add3A_781, %select_n3A_773 : vector<16xi1>, vector<16xi32>
    %slice3A_783 = vector.extract_strided_slice %get3A_690 {offsets = [9], sizes = [1], strides = [1]} : vector<16xi32> to vector<1xi32>
    %squeeze3A_784 = vector.extract %slice3A_783[0] : i32 from vector<1xi32>
    %add3A_785 = arith.addi %add3A_776, %squeeze3A_784 : i32
    %eq3A_786 = arith.constant 10 : i32
    %eq3A_787 = vector.broadcast %eq3A_786 : i32 to vector<16xi32>
    %eq3A_788 = arith.cmpi eq, %iota3A, %eq3A_787 : vector<16xi32>
    %add3A_789 = vector.broadcast %add3A_785 : i32 to vector<16xi32>
    %add3A_790 = arith.addi %broadcast_in_dim3A_0, %add3A_789 : vector<16xi32>
    %select_n3A_791 = arith.select %eq3A_788, %add3A_790, %select_n3A_782 : vector<16xi1>, vector<16xi32>
    %slice3A_792 = vector.extract_strided_slice %get3A_690 {offsets = [10], sizes = [1], strides = [1]} : vector<16xi32> to vector<1xi32>
    %squeeze3A_793 = vector.extract %slice3A_792[0] : i32 from vector<1xi32>
    %add3A_794 = arith.addi %add3A_785, %squeeze3A_793 : i32
    %eq3A_795 = arith.constant 11 : i32
    %eq3A_796 = vector.broadcast %eq3A_795 : i32 to vector<16xi32>
    %eq3A_797 = arith.cmpi eq, %iota3A, %eq3A_796 : vector<16xi32>
    %add3A_798 = vector.broadcast %add3A_794 : i32 to vector<16xi32>
    %add3A_799 = arith.addi %broadcast_in_dim3A_0, %add3A_798 : vector<16xi32>
    %select_n3A_800 = arith.select %eq3A_797, %add3A_799, %select_n3A_791 : vector<16xi1>, vector<16xi32>
    %slice3A_801 = vector.extract_strided_slice %get3A_690 {offsets = [11], sizes = [1], strides = [1]} : vector<16xi32> to vector<1xi32>
    %squeeze3A_802 = vector.extract %slice3A_801[0] : i32 from vector<1xi32>
    %add3A_803 = arith.addi %add3A_794, %squeeze3A_802 : i32
    %eq3A_804 = arith.constant 12 : i32
    %eq3A_805 = vector.broadcast %eq3A_804 : i32 to vector<16xi32>
    %eq3A_806 = arith.cmpi eq, %iota3A, %eq3A_805 : vector<16xi32>
    %add3A_807 = vector.broadcast %add3A_803 : i32 to vector<16xi32>
    %add3A_808 = arith.addi %broadcast_in_dim3A_0, %add3A_807 : vector<16xi32>
    %select_n3A_809 = arith.select %eq3A_806, %add3A_808, %select_n3A_800 : vector<16xi1>, vector<16xi32>
    %slice3A_810 = vector.extract_strided_slice %get3A_690 {offsets = [12], sizes = [1], strides = [1]} : vector<16xi32> to vector<1xi32>
    %squeeze3A_811 = vector.extract %slice3A_810[0] : i32 from vector<1xi32>
    %add3A_812 = arith.addi %add3A_803, %squeeze3A_811 : i32
    %eq3A_813 = arith.constant 13 : i32
    %eq3A_814 = vector.broadcast %eq3A_813 : i32 to vector<16xi32>
    %eq3A_815 = arith.cmpi eq, %iota3A, %eq3A_814 : vector<16xi32>
    %add3A_816 = vector.broadcast %add3A_812 : i32 to vector<16xi32>
    %add3A_817 = arith.addi %broadcast_in_dim3A_0, %add3A_816 : vector<16xi32>
    %select_n3A_818 = arith.select %eq3A_815, %add3A_817, %select_n3A_809 : vector<16xi1>, vector<16xi32>
    %slice3A_819 = vector.extract_strided_slice %get3A_690 {offsets = [13], sizes = [1], strides = [1]} : vector<16xi32> to vector<1xi32>
    %squeeze3A_820 = vector.extract %slice3A_819[0] : i32 from vector<1xi32>
    %add3A_821 = arith.addi %add3A_812, %squeeze3A_820 : i32
    %eq3A_822 = arith.constant 14 : i32
    %eq3A_823 = vector.broadcast %eq3A_822 : i32 to vector<16xi32>
    %eq3A_824 = arith.cmpi eq, %iota3A, %eq3A_823 : vector<16xi32>
    %add3A_825 = vector.broadcast %add3A_821 : i32 to vector<16xi32>
    %add3A_826 = arith.addi %broadcast_in_dim3A_0, %add3A_825 : vector<16xi32>
    %select_n3A_827 = arith.select %eq3A_824, %add3A_826, %select_n3A_818 : vector<16xi1>, vector<16xi32>
    %slice3A_828 = vector.extract_strided_slice %get3A_690 {offsets = [14], sizes = [1], strides = [1]} : vector<16xi32> to vector<1xi32>
    %squeeze3A_829 = vector.extract %slice3A_828[0] : i32 from vector<1xi32>
    %add3A_830 = arith.addi %add3A_821, %squeeze3A_829 : i32
    %eq3A_831 = arith.constant 15 : i32
    %eq3A_832 = vector.broadcast %eq3A_831 : i32 to vector<16xi32>
    %eq3A_833 = arith.cmpi eq, %iota3A, %eq3A_832 : vector<16xi32>
    %add3A_834 = vector.broadcast %add3A_830 : i32 to vector<16xi32>
    %add3A_835 = arith.addi %broadcast_in_dim3A_0, %add3A_834 : vector<16xi32>
    %select_n3A_836 = arith.select %eq3A_833, %add3A_835, %select_n3A_827 : vector<16xi1>, vector<16xi32>
    %slice3A_837 = vector.extract_strided_slice %get3A_690 {offsets = [15], sizes = [1], strides = [1]} : vector<16xi32> to vector<1xi32>
    %squeeze3A_838 = vector.extract %slice3A_837[0] : i32 from vector<1xi32>
    %add3A_839 = arith.addi %add3A_830, %squeeze3A_838 : i32
    %swap3A_840 = arith.constant 64 : index
    %swap3A_841 = tpu.vector_load %arg13[%swap3A_840] {strides = array<i32>} : memref<96xi32, #tpu.memory_space<vmem>>, vector<16xi32>,
    %swap3A_842 = vector.shape_cast %swap3A_841 : vector<16xi32> to vector<16xi32>
    %swap3A_843 = vector.shape_cast %select_n3A_836 : vector<16xi32> to vector<16xi32>
    tpu.vector_store %arg13[%swap3A_840], %swap3A_843 {strides = array<i32>} : memref<96xi32, #tpu.memory_space<vmem>>, vector<16xi32>,
    %sub3A_844 = arith.subi %add3A_839, %mul3A_687 : i32
    %swap3A_845 = arith.constant 4 : i32
    %swap3A_846 = arith.index_cast %swap3A_845 : i32 to index
    %swap3A_847 = memref.load %arg22[%swap3A_846] : memref<16xi32, #tpu.memory_space<smem>>
    memref.store %sub3A_844, %arg22[%swap3A_846] : memref<16xi32, #tpu.memory_space<smem>>
    %add3A_848 = arith.constant 7 : i32
    %add3A_849 = arith.addi %add3A_839, %add3A_848 : i32
    %div3A_850 = arith.constant 8 : i32
    %div3A_851 = arith.divsi %add3A_849, %div3A_850 : i32
    %mul3A_852 = arith.constant 8 : i32
    %mul3A_853 = arith.muli %div3A_851, %mul3A_852 : i32
    %get3A_854 = arith.constant 80 : index
    %get3A_855 = tpu.vector_load %arg12[%get3A_854] {strides = array<i32>} : memref<96xi32, #tpu.memory_space<vmem>>, vector<16xi32>,
    %get3A_856 = vector.shape_cast %get3A_855 : vector<16xi32> to vector<16xi32>
    %broadcast_in_dim3A_857 = arith.constant 0 : i32
    %broadcast_in_dim3A_858 = vector.broadcast %broadcast_in_dim3A_857 : i32 to vector<16xi32>
    %eq3A_859 = arith.constant 0 : i32
    %eq3A_860 = vector.broadcast %eq3A_859 : i32 to vector<16xi32>
    %eq3A_861 = arith.cmpi eq, %iota3A, %eq3A_860 : vector<16xi32>
    %add3A_862 = vector.broadcast %mul3A_853 : i32 to vector<16xi32>
    %add3A_863 = arith.addi %broadcast_in_dim3A_0, %add3A_862 : vector<16xi32>
    %select_n3A_864 = arith.select %eq3A_861, %add3A_863, %broadcast_in_dim3A_858 : vector<16xi1>, vector<16xi32>
    %slice3A_865 = vector.extract_strided_slice %get3A_856 {offsets = [0], sizes = [1], strides = [1]} : vector<16xi32> to vector<1xi32>
    %squeeze3A_866 = vector.extract %slice3A_865[0] : i32 from vector<1xi32>
    %add3A_867 = arith.addi %mul3A_853, %squeeze3A_866 : i32
    %eq3A_868 = arith.constant 1 : i32
    %eq3A_869 = vector.broadcast %eq3A_868 : i32 to vector<16xi32>
    %eq3A_870 = arith.cmpi eq, %iota3A, %eq3A_869 : vector<16xi32>
    %add3A_871 = vector.broadcast %add3A_867 : i32 to vector<16xi32>
    %add3A_872 = arith.addi %broadcast_in_dim3A_0, %add3A_871 : vector<16xi32>
    %select_n3A_873 = arith.select %eq3A_870, %add3A_872, %select_n3A_864 : vector<16xi1>, vector<16xi32>
    %slice3A_874 = vector.extract_strided_slice %get3A_856 {offsets = [1], sizes = [1], strides = [1]} : vector<16xi32> to vector<1xi32>
    %squeeze3A_875 = vector.extract %slice3A_874[0] : i32 from vector<1xi32>
    %add3A_876 = arith.addi %add3A_867, %squeeze3A_875 : i32
    %eq3A_877 = arith.constant 2 : i32
    %eq3A_878 = vector.broadcast %eq3A_877 : i32 to vector<16xi32>
    %eq3A_879 = arith.cmpi eq, %iota3A, %eq3A_878 : vector<16xi32>
    %add3A_880 = vector.broadcast %add3A_876 : i32 to vector<16xi32>
    %add3A_881 = arith.addi %broadcast_in_dim3A_0, %add3A_880 : vector<16xi32>
    %select_n3A_882 = arith.select %eq3A_879, %add3A_881, %select_n3A_873 : vector<16xi1>, vector<16xi32>
    %slice3A_883 = vector.extract_strided_slice %get3A_856 {offsets = [2], sizes = [1], strides = [1]} : vector<16xi32> to vector<1xi32>
    %squeeze3A_884 = vector.extract %slice3A_883[0] : i32 from vector<1xi32>
    %add3A_885 = arith.addi %add3A_876, %squeeze3A_884 : i32
    %eq3A_886 = arith.constant 3 : i32
    %eq3A_887 = vector.broadcast %eq3A_886 : i32 to vector<16xi32>
    %eq3A_888 = arith.cmpi eq, %iota3A, %eq3A_887 : vector<16xi32>
    %add3A_889 = vector.broadcast %add3A_885 : i32 to vector<16xi32>
    %add3A_890 = arith.addi %broadcast_in_dim3A_0, %add3A_889 : vector<16xi32>
    %select_n3A_891 = arith.select %eq3A_888, %add3A_890, %select_n3A_882 : vector<16xi1>, vector<16xi32>
    %slice3A_892 = vector.extract_strided_slice %get3A_856 {offsets = [3], sizes = [1], strides = [1]} : vector<16xi32> to vector<1xi32>
    %squeeze3A_893 = vector.extract %slice3A_892[0] : i32 from vector<1xi32>
    %add3A_894 = arith.addi %add3A_885, %squeeze3A_893 : i32
    %eq3A_895 = arith.constant 4 : i32
    %eq3A_896 = vector.broadcast %eq3A_895 : i32 to vector<16xi32>
    %eq3A_897 = arith.cmpi eq, %iota3A, %eq3A_896 : vector<16xi32>
    %add3A_898 = vector.broadcast %add3A_894 : i32 to vector<16xi32>
    %add3A_899 = arith.addi %broadcast_in_dim3A_0, %add3A_898 : vector<16xi32>
    %select_n3A_900 = arith.select %eq3A_897, %add3A_899, %select_n3A_891 : vector<16xi1>, vector<16xi32>
    %slice3A_901 = vector.extract_strided_slice %get3A_856 {offsets = [4], sizes = [1], strides = [1]} : vector<16xi32> to vector<1xi32>
    %squeeze3A_902 = vector.extract %slice3A_901[0] : i32 from vector<1xi32>
    %add3A_903 = arith.addi %add3A_894, %squeeze3A_902 : i32
    %eq3A_904 = arith.constant 5 : i32
    %eq3A_905 = vector.broadcast %eq3A_904 : i32 to vector<16xi32>
    %eq3A_906 = arith.cmpi eq, %iota3A, %eq3A_905 : vector<16xi32>
    %add3A_907 = vector.broadcast %add3A_903 : i32 to vector<16xi32>
    %add3A_908 = arith.addi %broadcast_in_dim3A_0, %add3A_907 : vector<16xi32>
    %select_n3A_909 = arith.select %eq3A_906, %add3A_908, %select_n3A_900 : vector<16xi1>, vector<16xi32>
    %slice3A_910 = vector.extract_strided_slice %get3A_856 {offsets = [5], sizes = [1], strides = [1]} : vector<16xi32> to vector<1xi32>
    %squeeze3A_911 = vector.extract %slice3A_910[0] : i32 from vector<1xi32>
    %add3A_912 = arith.addi %add3A_903, %squeeze3A_911 : i32
    %eq3A_913 = arith.constant 6 : i32
    %eq3A_914 = vector.broadcast %eq3A_913 : i32 to vector<16xi32>
    %eq3A_915 = arith.cmpi eq, %iota3A, %eq3A_914 : vector<16xi32>
    %add3A_916 = vector.broadcast %add3A_912 : i32 to vector<16xi32>
    %add3A_917 = arith.addi %broadcast_in_dim3A_0, %add3A_916 : vector<16xi32>
    %select_n3A_918 = arith.select %eq3A_915, %add3A_917, %select_n3A_909 : vector<16xi1>, vector<16xi32>
    %slice3A_919 = vector.extract_strided_slice %get3A_856 {offsets = [6], sizes = [1], strides = [1]} : vector<16xi32> to vector<1xi32>
    %squeeze3A_920 = vector.extract %slice3A_919[0] : i32 from vector<1xi32>
    %add3A_921 = arith.addi %add3A_912, %squeeze3A_920 : i32
    %eq3A_922 = arith.constant 7 : i32
    %eq3A_923 = vector.broadcast %eq3A_922 : i32 to vector<16xi32>
    %eq3A_924 = arith.cmpi eq, %iota3A, %eq3A_923 : vector<16xi32>
    %add3A_925 = vector.broadcast %add3A_921 : i32 to vector<16xi32>
    %add3A_926 = arith.addi %broadcast_in_dim3A_0, %add3A_925 : vector<16xi32>
    %select_n3A_927 = arith.select %eq3A_924, %add3A_926, %select_n3A_918 : vector<16xi1>, vector<16xi32>
    %slice3A_928 = vector.extract_strided_slice %get3A_856 {offsets = [7], sizes = [1], strides = [1]} : vector<16xi32> to vector<1xi32>
    %squeeze3A_929 = vector.extract %slice3A_928[0] : i32 from vector<1xi32>
    %add3A_930 = arith.addi %add3A_921, %squeeze3A_929 : i32
    %eq3A_931 = arith.constant 8 : i32
    %eq3A_932 = vector.broadcast %eq3A_931 : i32 to vector<16xi32>
    %eq3A_933 = arith.cmpi eq, %iota3A, %eq3A_932 : vector<16xi32>
    %add3A_934 = vector.broadcast %add3A_930 : i32 to vector<16xi32>
    %add3A_935 = arith.addi %broadcast_in_dim3A_0, %add3A_934 : vector<16xi32>
    %select_n3A_936 = arith.select %eq3A_933, %add3A_935, %select_n3A_927 : vector<16xi1>, vector<16xi32>
    %slice3A_937 = vector.extract_strided_slice %get3A_856 {offsets = [8], sizes = [1], strides = [1]} : vector<16xi32> to vector<1xi32>
    %squeeze3A_938 = vector.extract %slice3A_937[0] : i32 from vector<1xi32>
    %add3A_939 = arith.addi %add3A_930, %squeeze3A_938 : i32
    %eq3A_940 = arith.constant 9 : i32
    %eq3A_941 = vector.broadcast %eq3A_940 : i32 to vector<16xi32>
    %eq3A_942 = arith.cmpi eq, %iota3A, %eq3A_941 : vector<16xi32>
    %add3A_943 = vector.broadcast %add3A_939 : i32 to vector<16xi32>
    %add3A_944 = arith.addi %broadcast_in_dim3A_0, %add3A_943 : vector<16xi32>
    %select_n3A_945 = arith.select %eq3A_942, %add3A_944, %select_n3A_936 : vector<16xi1>, vector<16xi32>
    %slice3A_946 = vector.extract_strided_slice %get3A_856 {offsets = [9], sizes = [1], strides = [1]} : vector<16xi32> to vector<1xi32>
    %squeeze3A_947 = vector.extract %slice3A_946[0] : i32 from vector<1xi32>
    %add3A_948 = arith.addi %add3A_939, %squeeze3A_947 : i32
    %eq3A_949 = arith.constant 10 : i32
    %eq3A_950 = vector.broadcast %eq3A_949 : i32 to vector<16xi32>
    %eq3A_951 = arith.cmpi eq, %iota3A, %eq3A_950 : vector<16xi32>
    %add3A_952 = vector.broadcast %add3A_948 : i32 to vector<16xi32>
    %add3A_953 = arith.addi %broadcast_in_dim3A_0, %add3A_952 : vector<16xi32>
    %select_n3A_954 = arith.select %eq3A_951, %add3A_953, %select_n3A_945 : vector<16xi1>, vector<16xi32>
    %slice3A_955 = vector.extract_strided_slice %get3A_856 {offsets = [10], sizes = [1], strides = [1]} : vector<16xi32> to vector<1xi32>
    %squeeze3A_956 = vector.extract %slice3A_955[0] : i32 from vector<1xi32>
    %add3A_957 = arith.addi %add3A_948, %squeeze3A_956 : i32
    %eq3A_958 = arith.constant 11 : i32
    %eq3A_959 = vector.broadcast %eq3A_958 : i32 to vector<16xi32>
    %eq3A_960 = arith.cmpi eq, %iota3A, %eq3A_959 : vector<16xi32>
    %add3A_961 = vector.broadcast %add3A_957 : i32 to vector<16xi32>
    %add3A_962 = arith.addi %broadcast_in_dim3A_0, %add3A_961 : vector<16xi32>
    %select_n3A_963 = arith.select %eq3A_960, %add3A_962, %select_n3A_954 : vector<16xi1>, vector<16xi32>
    %slice3A_964 = vector.extract_strided_slice %get3A_856 {offsets = [11], sizes = [1], strides = [1]} : vector<16xi32> to vector<1xi32>
    %squeeze3A_965 = vector.extract %slice3A_964[0] : i32 from vector<1xi32>
    %add3A_966 = arith.addi %add3A_957, %squeeze3A_965 : i32
    %eq3A_967 = arith.constant 12 : i32
    %eq3A_968 = vector.broadcast %eq3A_967 : i32 to vector<16xi32>
    %eq3A_969 = arith.cmpi eq, %iota3A, %eq3A_968 : vector<16xi32>
    %add3A_970 = vector.broadcast %add3A_966 : i32 to vector<16xi32>
    %add3A_971 = arith.addi %broadcast_in_dim3A_0, %add3A_970 : vector<16xi32>
    %select_n3A_972 = arith.select %eq3A_969, %add3A_971, %select_n3A_963 : vector<16xi1>, vector<16xi32>
    %slice3A_973 = vector.extract_strided_slice %get3A_856 {offsets = [12], sizes = [1], strides = [1]} : vector<16xi32> to vector<1xi32>
    %squeeze3A_974 = vector.extract %slice3A_973[0] : i32 from vector<1xi32>
    %add3A_975 = arith.addi %add3A_966, %squeeze3A_974 : i32
    %eq3A_976 = arith.constant 13 : i32
    %eq3A_977 = vector.broadcast %eq3A_976 : i32 to vector<16xi32>
    %eq3A_978 = arith.cmpi eq, %iota3A, %eq3A_977 : vector<16xi32>
    %add3A_979 = vector.broadcast %add3A_975 : i32 to vector<16xi32>
    %add3A_980 = arith.addi %broadcast_in_dim3A_0, %add3A_979 : vector<16xi32>
    %select_n3A_981 = arith.select %eq3A_978, %add3A_980, %select_n3A_972 : vector<16xi1>, vector<16xi32>
    %slice3A_982 = vector.extract_strided_slice %get3A_856 {offsets = [13], sizes = [1], strides = [1]} : vector<16xi32> to vector<1xi32>
    %squeeze3A_983 = vector.extract %slice3A_982[0] : i32 from vector<1xi32>
    %add3A_984 = arith.addi %add3A_975, %squeeze3A_983 : i32
    %eq3A_985 = arith.constant 14 : i32
    %eq3A_986 = vector.broadcast %eq3A_985 : i32 to vector<16xi32>
    %eq3A_987 = arith.cmpi eq, %iota3A, %eq3A_986 : vector<16xi32>
    %add3A_988 = vector.broadcast %add3A_984 : i32 to vector<16xi32>
    %add3A_989 = arith.addi %broadcast_in_dim3A_0, %add3A_988 : vector<16xi32>
    %select_n3A_990 = arith.select %eq3A_987, %add3A_989, %select_n3A_981 : vector<16xi1>, vector<16xi32>
    %slice3A_991 = vector.extract_strided_slice %get3A_856 {offsets = [14], sizes = [1], strides = [1]} : vector<16xi32> to vector<1xi32>
    %squeeze3A_992 = vector.extract %slice3A_991[0] : i32 from vector<1xi32>
    %add3A_993 = arith.addi %add3A_984, %squeeze3A_992 : i32
    %eq3A_994 = arith.constant 15 : i32
    %eq3A_995 = vector.broadcast %eq3A_994 : i32 to vector<16xi32>
    %eq3A_996 = arith.cmpi eq, %iota3A, %eq3A_995 : vector<16xi32>
    %add3A_997 = vector.broadcast %add3A_993 : i32 to vector<16xi32>
    %add3A_998 = arith.addi %broadcast_in_dim3A_0, %add3A_997 : vector<16xi32>
    %select_n3A_999 = arith.select %eq3A_996, %add3A_998, %select_n3A_990 : vector<16xi1>, vector<16xi32>
    %slice3A_1000 = vector.extract_strided_slice %get3A_856 {offsets = [15], sizes = [1], strides = [1]} : vector<16xi32> to vector<1xi32>
    %squeeze3A_1001 = vector.extract %slice3A_1000[0] : i32 from vector<1xi32>
    %add3A_1002 = arith.addi %add3A_993, %squeeze3A_1001 : i32
    %swap3A_1003 = arith.constant 80 : index
    %swap3A_1004 = tpu.vector_load %arg13[%swap3A_1003] {strides = array<i32>} : memref<96xi32, #tpu.memory_space<vmem>>, vector<16xi32>,
    %swap3A_1005 = vector.shape_cast %swap3A_1004 : vector<16xi32> to vector<16xi32>
    %swap3A_1006 = vector.shape_cast %select_n3A_999 : vector<16xi32> to vector<16xi32>
    tpu.vector_store %arg13[%swap3A_1003], %swap3A_1006 {strides = array<i32>} : memref<96xi32, #tpu.memory_space<vmem>>, vector<16xi32>,
    %add3A_1007 = arith.constant 7 : i32
    %add3A_1008 = arith.addi %add3A_1002, %add3A_1007 : i32
    %div3A_1009 = arith.constant 8 : i32
    %div3A_1010 = arith.divsi %add3A_1008, %div3A_1009 : i32
    %mul3A_1011 = arith.constant 8 : i32
    %mul3A_1012 = arith.muli %div3A_1010, %mul3A_1011 : i32
    %scan3A_1013 = arith.constant 0 : i32
    %scan3A_1014 = arith.constant 0 : i32
    %scan3A_1015 = arith.constant 64 : i32
    %scan3A_1016 = arith.addi %scan3A_1014, %scan3A_1015 : i32
    %scan3A_1017 = arith.constant 1 : i32
    scf.for %scan3A_1031 = %scan3A_1014 to %scan3A_1016 step %scan3A_1017  : i32 {
      %get3A_1032 = arith.constant 0 : index
      %get3A_1033 = tpu.vector_load %arg18[%get3A_1032] {strides = array<i32>} : memref<16xf32, #tpu.memory_space<vmem>>, vector<16xf32>,
      %get3A_1034 = vector.shape_cast %get3A_1033 : vector<16xf32> to vector<16xf32>
      %swap3A_1035 = arith.index_cast %scan3A_1031 : i32 to index
      %swap3A_1036 = arith.constant 0 : index
      %swap3A_1037 = tpu.vector_load %arg17[%swap3A_1035, %swap3A_1036] {strides = array<i32>} : memref<64x128xf32, #tpu.memory_space<vmem>>, vector<1x16xf32>,
      %swap3A_1038 = vector.shape_cast %swap3A_1037 : vector<1x16xf32> to vector<16xf32>
      %swap3A_1039 = vector.shape_cast %get3A_1034 : vector<16xf32> to vector<1x16xf32>
      tpu.vector_store %arg17[%swap3A_1035, %swap3A_1036], %swap3A_1039 {strides = array<i32>} : memref<64x128xf32, #tpu.memory_space<vmem>>, vector<1x16xf32>,
      %swap3A_1040 = arith.index_cast %scan3A_1031 : i32 to index
      %swap3A_1041 = arith.constant 16 : index
      %swap3A_1042 = tpu.vector_load %arg17[%swap3A_1040, %swap3A_1041] {strides = array<i32>} : memref<64x128xf32, #tpu.memory_space<vmem>>, vector<1x16xf32>,
      %swap3A_1043 = vector.shape_cast %swap3A_1042 : vector<1x16xf32> to vector<16xf32>
      %swap3A_1044 = vector.shape_cast %get3A_1034 : vector<16xf32> to vector<1x16xf32>
      tpu.vector_store %arg17[%swap3A_1040, %swap3A_1041], %swap3A_1044 {strides = array<i32>} : memref<64x128xf32, #tpu.memory_space<vmem>>, vector<1x16xf32>,
      %swap3A_1045 = arith.index_cast %scan3A_1031 : i32 to index
      %swap3A_1046 = arith.constant 32 : index
      %swap3A_1047 = tpu.vector_load %arg17[%swap3A_1045, %swap3A_1046] {strides = array<i32>} : memref<64x128xf32, #tpu.memory_space<vmem>>, vector<1x16xf32>,
      %swap3A_1048 = vector.shape_cast %swap3A_1047 : vector<1x16xf32> to vector<16xf32>
      %swap3A_1049 = vector.shape_cast %get3A_1034 : vector<16xf32> to vector<1x16xf32>
      tpu.vector_store %arg17[%swap3A_1045, %swap3A_1046], %swap3A_1049 {strides = array<i32>} : memref<64x128xf32, #tpu.memory_space<vmem>>, vector<1x16xf32>,
      %swap3A_1050 = arith.index_cast %scan3A_1031 : i32 to index
      %swap3A_1051 = arith.constant 48 : index
      %swap3A_1052 = tpu.vector_load %arg17[%swap3A_1050, %swap3A_1051] {strides = array<i32>} : memref<64x128xf32, #tpu.memory_space<vmem>>, vector<1x16xf32>,
      %swap3A_1053 = vector.shape_cast %swap3A_1052 : vector<1x16xf32> to vector<16xf32>
      %swap3A_1054 = vector.shape_cast %get3A_1034 : vector<16xf32> to vector<1x16xf32>
      tpu.vector_store %arg17[%swap3A_1050, %swap3A_1051], %swap3A_1054 {strides = array<i32>} : memref<64x128xf32, #tpu.memory_space<vmem>>, vector<1x16xf32>,
      %swap3A_1055 = arith.index_cast %scan3A_1031 : i32 to index
      %swap3A_1056 = arith.constant 64 : index
      %swap3A_1057 = tpu.vector_load %arg17[%swap3A_1055, %swap3A_1056] {strides = array<i32>} : memref<64x128xf32, #tpu.memory_space<vmem>>, vector<1x16xf32>,
      %swap3A_1058 = vector.shape_cast %swap3A_1057 : vector<1x16xf32> to vector<16xf32>
      %swap3A_1059 = vector.shape_cast %get3A_1034 : vector<16xf32> to vector<1x16xf32>
      tpu.vector_store %arg17[%swap3A_1055, %swap3A_1056], %swap3A_1059 {strides = array<i32>} : memref<64x128xf32, #tpu.memory_space<vmem>>, vector<1x16xf32>,
      %swap3A_1060 = arith.index_cast %scan3A_1031 : i32 to index
      %swap3A_1061 = arith.constant 80 : index
      %swap3A_1062 = tpu.vector_load %arg17[%swap3A_1060, %swap3A_1061] {strides = array<i32>} : memref<64x128xf32, #tpu.memory_space<vmem>>, vector<1x16xf32>,
      %swap3A_1063 = vector.shape_cast %swap3A_1062 : vector<1x16xf32> to vector<16xf32>
      %swap3A_1064 = vector.shape_cast %get3A_1034 : vector<16xf32> to vector<1x16xf32>
      tpu.vector_store %arg17[%swap3A_1060, %swap3A_1061], %swap3A_1064 {strides = array<i32>} : memref<64x128xf32, #tpu.memory_space<vmem>>, vector<1x16xf32>,
      %swap3A_1065 = arith.index_cast %scan3A_1031 : i32 to index
      %swap3A_1066 = arith.constant 96 : index
      %swap3A_1067 = tpu.vector_load %arg17[%swap3A_1065, %swap3A_1066] {strides = array<i32>} : memref<64x128xf32, #tpu.memory_space<vmem>>, vector<1x16xf32>,
      %swap3A_1068 = vector.shape_cast %swap3A_1067 : vector<1x16xf32> to vector<16xf32>
      %swap3A_1069 = vector.shape_cast %get3A_1034 : vector<16xf32> to vector<1x16xf32>
      tpu.vector_store %arg17[%swap3A_1065, %swap3A_1066], %swap3A_1069 {strides = array<i32>} : memref<64x128xf32, #tpu.memory_space<vmem>>, vector<1x16xf32>,
      %swap3A_1070 = arith.index_cast %scan3A_1031 : i32 to index
      %swap3A_1071 = arith.constant 112 : index
      %swap3A_1072 = tpu.vector_load %arg17[%swap3A_1070, %swap3A_1071] {strides = array<i32>} : memref<64x128xf32, #tpu.memory_space<vmem>>, vector<1x16xf32>,
      %swap3A_1073 = vector.shape_cast %swap3A_1072 : vector<1x16xf32> to vector<16xf32>
      %swap3A_1074 = vector.shape_cast %get3A_1034 : vector<16xf32> to vector<1x16xf32>
      tpu.vector_store %arg17[%swap3A_1070, %swap3A_1071], %swap3A_1074 {strides = array<i32>} : memref<64x128xf32, #tpu.memory_space<vmem>>, vector<1x16xf32>,
    }
    %scan3A_1018 = arith.constant 64 : i32
    %scan3A_1019 = arith.constant 0 : i32
    %scan3A_1020 = arith.constant 0 : i32
    %scan3A_1021 = arith.constant 9 : i32
    %scan3A_1022 = arith.addi %scan3A_1020, %scan3A_1021 : i32
    %scan3A_1023 = arith.constant 1 : i32
    scf.for %scan3A_1031 = %scan3A_1020 to %scan3A_1022 step %scan3A_1023  : i32 {
      %and3A = arith.constant 1 : i32
      %and3A_1032 = arith.andi %scan3A_1031, %and3A : i32
      %eq3A_1033 = arith.constant 0 : i32
      %eq3A_1034 = arith.cmpi eq, %and3A_1032, %eq3A_1033 : i32
      %lt3A = arith.constant 8 : i32
      %lt3A_1035 = arith.cmpi slt, %scan3A_1031, %lt3A : i32
      %and3A_1036 = arith.andi %lt3A_1035, %eq3A_1034 : i1
      %convert_element_type3A = arith.extui %and3A_1036 : i1 to i32
      %cond3A = arith.constant 0 : i32
      %cond3A_1037 = arith.cmpi ne, %convert_element_type3A, %cond3A : i32
      scf.if %cond3A_1037 {
        %mul3A_1058 = arith.constant 12800 : i32
        %mul3A_1059 = arith.muli %arg1, %mul3A_1058 : i32
        %mul3A_1060 = arith.constant 1600 : i32
        %mul3A_1061 = arith.muli %scan3A_1031, %mul3A_1060 : i32
        %add3A_1062 = arith.addi %mul3A_1059, %mul3A_1061 : i32
        %multiple_of3A = tpu.assume_multiple %add3A_1062, 8 : i32
        "tpu.region"() ({
          %run_scoped3A = tpu.sem_alloc : memref<!tpu.dma_semaphore, #tpu.memory_space<semaphore_mem>>
          %dma_start3A = tpu.memref_slice %arg3[%multiple_of3A] : memref<204800xi32, #tpu.memory_space<hbm>> -> memref<1600xi32, #tpu.memory_space<hbm>>
          %dma_start3A_1069 = tpu.memref_slice %arg3[%multiple_of3A] : memref<204800xi32, #tpu.memory_space<hbm>> -> memref<1600xi32, #tpu.memory_space<hbm>>
          tpu.enqueue_dma source(%dma_start3A_1069 : memref<1600xi32, #tpu.memory_space<hbm>>) target(%arg6 : memref<1600xi32, #tpu.memory_space<vmem>>) target_semaphore(%run_scoped3A : memref<!tpu.dma_semaphore, #tpu.memory_space<semaphore_mem>>)
          %dma_wait3A = tpu.memref_slice %arg3[%multiple_of3A] : memref<204800xi32, #tpu.memory_space<hbm>> -> memref<1600xi32, #tpu.memory_space<hbm>>
          %dma_wait3A_1070 = tpu.memref_slice %arg3[%multiple_of3A] : memref<204800xi32, #tpu.memory_space<hbm>> -> memref<1600xi32, #tpu.memory_space<hbm>>
          tpu.wait_dma2 semaphore(%run_scoped3A : memref<!tpu.dma_semaphore, #tpu.memory_space<semaphore_mem>>) src(%dma_wait3A_1070 : memref<1600xi32, #tpu.memory_space<hbm>>) dst(%arg6 : memref<1600xi32, #tpu.memory_space<vmem>>)
          tpu.yield
        }) : () -> ()
        %scan3A_1063 = arith.constant 0 : i32
        %scan3A_1064 = arith.constant 0 : i32
        %scan3A_1065 = arith.constant 100 : i32
        %scan3A_1066 = arith.addi %scan3A_1064, %scan3A_1065 : i32
        %scan3A_1067 = arith.constant 1 : i32
        scf.for %scan3A_1069 = %scan3A_1064 to %scan3A_1066 step %scan3A_1067  : i32 {
          %iota3A_1070 = tpu.iota {dimensions = array<i32: 0>} : vector<16xi32>
          %mul3A_1071 = arith.constant 16 : i32
          %mul3A_1072 = arith.muli %scan3A_1069, %mul3A_1071 : i32
          %multiple_of3A_1073 = tpu.assume_multiple %mul3A_1072, 16 : i32
          %get3A_1074 = arith.index_cast %multiple_of3A_1073 : i32 to index
          %get3A_1075 = tpu.vector_load %arg6[%get3A_1074] {strides = array<i32>} : memref<1600xi32, #tpu.memory_space<vmem>>, vector<16xi32>,
          %get3A_1076 = vector.shape_cast %get3A_1075 : vector<16xi32> to vector<16xi32>
          %div3A_1077 = arith.constant 10000 : i32
          %div3A_1078 = vector.broadcast %div3A_1077 : i32 to vector<16xi32>
          %div3A_1079 = arith.divsi %get3A_1076, %div3A_1078 : vector<16xi32>
          %mul3A_1080 = arith.constant 5 : i32
          %mul3A_1081 = arith.muli %arg0, %mul3A_1080 : i32
          %sub3A_1082 = vector.broadcast %mul3A_1081 : i32 to vector<16xi32>
          %sub3A_1083 = arith.subi %div3A_1079, %sub3A_1082 : vector<16xi32>
          %lt3A_1084 = arith.constant 0 : i32
          %lt3A_1085 = vector.broadcast %lt3A_1084 : i32 to vector<16xi32>
          %lt3A_1086 = arith.cmpi slt, %sub3A_1083, %lt3A_1085 : vector<16xi32>
          %ge3A_1087 = arith.constant 5 : i32
          %ge3A_1088 = vector.broadcast %ge3A_1087 : i32 to vector<16xi32>
          %ge3A_1089 = arith.cmpi sge, %sub3A_1083, %ge3A_1088 : vector<16xi32>
          %or3A = arith.ori %lt3A_1086, %ge3A_1089 : vector<16xi1>
          %jit3A = arith.constant 5 : i32
          %broadcast_in_dim3A_1090 = vector.broadcast %jit3A : i32 to vector<16xi32>
          %select_n3A_1091 = arith.select %or3A, %broadcast_in_dim3A_1090, %sub3A_1083 : vector<16xi1>, vector<16xi32>
          %mul3A_1092 = arith.constant 10000 : i32
          %mul3A_1093 = vector.broadcast %mul3A_1092 : i32 to vector<16xi32>
          %mul3A_1094 = arith.muli %div3A_1079, %mul3A_1093 : vector<16xi32>
          %sub3A_1095 = arith.subi %get3A_1076, %mul3A_1094 : vector<16xi32>
          %mul3A_1096 = arith.constant 12800 : i32
          %mul3A_1097 = arith.muli %arg1, %mul3A_1096 : i32
          %mul3A_1098 = arith.constant 1600 : i32
          %mul3A_1099 = arith.muli %scan3A_1031, %mul3A_1098 : i32
          %add3A_1100 = arith.addi %mul3A_1097, %mul3A_1099 : i32
          %mul3A_1101 = arith.constant 16 : i32
          %mul3A_1102 = arith.muli %scan3A_1069, %mul3A_1101 : i32
          %add3A_1103 = arith.addi %add3A_1100, %mul3A_1102 : i32
          %add3A_1104 = vector.broadcast %add3A_1103 : i32 to vector<16xi32>
          %add3A_1105 = arith.addi %add3A_1104, %iota3A_1070 : vector<16xi32>
          %shift_left3A = arith.constant 18 : i32
          %shift_left3A_1106 = vector.broadcast %shift_left3A : i32 to vector<16xi32>
          %shift_left3A_1107 = arith.shli %sub3A_1095, %shift_left3A_1106 : vector<16xi32>
          %or3A_1108 = arith.ori %shift_left3A_1107, %add3A_1105 : vector<16xi32>
          %bitcast_convert_type3A = tpu.bitcast %or3A_1108 : vector<16xi32> -> vector<16xi32>
          %broadcast_in_dim3A_1109 = arith.constant 0 : i32
          %broadcast_in_dim3A_1110 = vector.broadcast %broadcast_in_dim3A_1109 : i32 to vector<16xi32>
          %get3A_1111 = arith.constant 0 : index
          %get3A_1112 = tpu.vector_load %arg13[%get3A_1111] {strides = array<i32>} : memref<96xi32, #tpu.memory_space<vmem>>, vector<16xi32>,
          %get3A_1113 = vector.shape_cast %get3A_1112 : vector<16xi32> to vector<16xi32>
          %eq3A_1114 = arith.constant 0 : i32
          %eq3A_1115 = vector.broadcast %eq3A_1114 : i32 to vector<16xi32>
          %eq3A_1116 = arith.cmpi eq, %select_n3A_1091, %eq3A_1115 : vector<16xi32>
          %select_n3A_1117 = arith.select %eq3A_1116, %get3A_1113, %broadcast_in_dim3A_1110 : vector<16xi1>, vector<16xi32>
          %jit3A_1118 = arith.constant 1 : i32
          %jit3A_1119 = arith.constant 0 : i32
          %broadcast_in_dim3A_1120 = vector.broadcast %jit3A_1118 : i32 to vector<16xi32>
          %broadcast_in_dim3A_1121 = vector.broadcast %jit3A_1119 : i32 to vector<16xi32>
          %select_n3A_1122 = arith.select %eq3A_1116, %broadcast_in_dim3A_1120, %broadcast_in_dim3A_1121 : vector<16xi1>, vector<16xi32>
          %add3A_1123 = arith.addi %get3A_1113, %select_n3A_1122 : vector<16xi32>
          %swap3A_1124 = arith.constant 0 : index
          %swap3A_1125 = tpu.vector_load %arg13[%swap3A_1124] {strides = array<i32>} : memref<96xi32, #tpu.memory_space<vmem>>, vector<16xi32>,
          %swap3A_1126 = vector.shape_cast %swap3A_1125 : vector<16xi32> to vector<16xi32>
          %swap3A_1127 = vector.shape_cast %add3A_1123 : vector<16xi32> to vector<16xi32>
          tpu.vector_store %arg13[%swap3A_1124], %swap3A_1127 {strides = array<i32>} : memref<96xi32, #tpu.memory_space<vmem>>, vector<16xi32>,
          %get3A_1128 = arith.constant 16 : index
          %get3A_1129 = tpu.vector_load %arg13[%get3A_1128] {strides = array<i32>} : memref<96xi32, #tpu.memory_space<vmem>>, vector<16xi32>,
          %get3A_1130 = vector.shape_cast %get3A_1129 : vector<16xi32> to vector<16xi32>
          %eq3A_1131 = arith.constant 1 : i32
          %eq3A_1132 = vector.broadcast %eq3A_1131 : i32 to vector<16xi32>
          %eq3A_1133 = arith.cmpi eq, %select_n3A_1091, %eq3A_1132 : vector<16xi32>
          %select_n3A_1134 = arith.select %eq3A_1133, %get3A_1130, %select_n3A_1117 : vector<16xi1>, vector<16xi32>
          %jit3A_1135 = arith.constant 1 : i32
          %jit3A_1136 = arith.constant 0 : i32
          %broadcast_in_dim3A_1137 = vector.broadcast %jit3A_1135 : i32 to vector<16xi32>
          %broadcast_in_dim3A_1138 = vector.broadcast %jit3A_1136 : i32 to vector<16xi32>
          %select_n3A_1139 = arith.select %eq3A_1133, %broadcast_in_dim3A_1137, %broadcast_in_dim3A_1138 : vector<16xi1>, vector<16xi32>
          %add3A_1140 = arith.addi %get3A_1130, %select_n3A_1139 : vector<16xi32>
          %swap3A_1141 = arith.constant 16 : index
          %swap3A_1142 = tpu.vector_load %arg13[%swap3A_1141] {strides = array<i32>} : memref<96xi32, #tpu.memory_space<vmem>>, vector<16xi32>,
          %swap3A_1143 = vector.shape_cast %swap3A_1142 : vector<16xi32> to vector<16xi32>
          %swap3A_1144 = vector.shape_cast %add3A_1140 : vector<16xi32> to vector<16xi32>
          tpu.vector_store %arg13[%swap3A_1141], %swap3A_1144 {strides = array<i32>} : memref<96xi32, #tpu.memory_space<vmem>>, vector<16xi32>,
          %get3A_1145 = arith.constant 32 : index
          %get3A_1146 = tpu.vector_load %arg13[%get3A_1145] {strides = array<i32>} : memref<96xi32, #tpu.memory_space<vmem>>, vector<16xi32>,
          %get3A_1147 = vector.shape_cast %get3A_1146 : vector<16xi32> to vector<16xi32>
          %eq3A_1148 = arith.constant 2 : i32
          %eq3A_1149 = vector.broadcast %eq3A_1148 : i32 to vector<16xi32>
          %eq3A_1150 = arith.cmpi eq, %select_n3A_1091, %eq3A_1149 : vector<16xi32>
          %select_n3A_1151 = arith.select %eq3A_1150, %get3A_1147, %select_n3A_1134 : vector<16xi1>, vector<16xi32>
          %jit3A_1152 = arith.constant 1 : i32
          %jit3A_1153 = arith.constant 0 : i32
          %broadcast_in_dim3A_1154 = vector.broadcast %jit3A_1152 : i32 to vector<16xi32>
          %broadcast_in_dim3A_1155 = vector.broadcast %jit3A_1153 : i32 to vector<16xi32>
          %select_n3A_1156 = arith.select %eq3A_1150, %broadcast_in_dim3A_1154, %broadcast_in_dim3A_1155 : vector<16xi1>, vector<16xi32>
          %add3A_1157 = arith.addi %get3A_1147, %select_n3A_1156 : vector<16xi32>
          %swap3A_1158 = arith.constant 32 : index
          %swap3A_1159 = tpu.vector_load %arg13[%swap3A_1158] {strides = array<i32>} : memref<96xi32, #tpu.memory_space<vmem>>, vector<16xi32>,
          %swap3A_1160 = vector.shape_cast %swap3A_1159 : vector<16xi32> to vector<16xi32>
          %swap3A_1161 = vector.shape_cast %add3A_1157 : vector<16xi32> to vector<16xi32>
          tpu.vector_store %arg13[%swap3A_1158], %swap3A_1161 {strides = array<i32>} : memref<96xi32, #tpu.memory_space<vmem>>, vector<16xi32>,
          %get3A_1162 = arith.constant 48 : index
          %get3A_1163 = tpu.vector_load %arg13[%get3A_1162] {strides = array<i32>} : memref<96xi32, #tpu.memory_space<vmem>>, vector<16xi32>,
          %get3A_1164 = vector.shape_cast %get3A_1163 : vector<16xi32> to vector<16xi32>
          %eq3A_1165 = arith.constant 3 : i32
          %eq3A_1166 = vector.broadcast %eq3A_1165 : i32 to vector<16xi32>
          %eq3A_1167 = arith.cmpi eq, %select_n3A_1091, %eq3A_1166 : vector<16xi32>
          %select_n3A_1168 = arith.select %eq3A_1167, %get3A_1164, %select_n3A_1151 : vector<16xi1>, vector<16xi32>
          %jit3A_1169 = arith.constant 1 : i32
          %jit3A_1170 = arith.constant 0 : i32
          %broadcast_in_dim3A_1171 = vector.broadcast %jit3A_1169 : i32 to vector<16xi32>
          %broadcast_in_dim3A_1172 = vector.broadcast %jit3A_1170 : i32 to vector<16xi32>
          %select_n3A_1173 = arith.select %eq3A_1167, %broadcast_in_dim3A_1171, %broadcast_in_dim3A_1172 : vector<16xi1>, vector<16xi32>
          %add3A_1174 = arith.addi %get3A_1164, %select_n3A_1173 : vector<16xi32>
          %swap3A_1175 = arith.constant 48 : index
          %swap3A_1176 = tpu.vector_load %arg13[%swap3A_1175] {strides = array<i32>} : memref<96xi32, #tpu.memory_space<vmem>>, vector<16xi32>,
          %swap3A_1177 = vector.shape_cast %swap3A_1176 : vector<16xi32> to vector<16xi32>
          %swap3A_1178 = vector.shape_cast %add3A_1174 : vector<16xi32> to vector<16xi32>
          tpu.vector_store %arg13[%swap3A_1175], %swap3A_1178 {strides = array<i32>} : memref<96xi32, #tpu.memory_space<vmem>>, vector<16xi32>,
          %get3A_1179 = arith.constant 64 : index
          %get3A_1180 = tpu.vector_load %arg13[%get3A_1179] {strides = array<i32>} : memref<96xi32, #tpu.memory_space<vmem>>, vector<16xi32>,
          %get3A_1181 = vector.shape_cast %get3A_1180 : vector<16xi32> to vector<16xi32>
          %eq3A_1182 = arith.constant 4 : i32
          %eq3A_1183 = vector.broadcast %eq3A_1182 : i32 to vector<16xi32>
          %eq3A_1184 = arith.cmpi eq, %select_n3A_1091, %eq3A_1183 : vector<16xi32>
          %select_n3A_1185 = arith.select %eq3A_1184, %get3A_1181, %select_n3A_1168 : vector<16xi1>, vector<16xi32>
          %jit3A_1186 = arith.constant 1 : i32
          %jit3A_1187 = arith.constant 0 : i32
          %broadcast_in_dim3A_1188 = vector.broadcast %jit3A_1186 : i32 to vector<16xi32>
          %broadcast_in_dim3A_1189 = vector.broadcast %jit3A_1187 : i32 to vector<16xi32>
          %select_n3A_1190 = arith.select %eq3A_1184, %broadcast_in_dim3A_1188, %broadcast_in_dim3A_1189 : vector<16xi1>, vector<16xi32>
          %add3A_1191 = arith.addi %get3A_1181, %select_n3A_1190 : vector<16xi32>
          %swap3A_1192 = arith.constant 64 : index
          %swap3A_1193 = tpu.vector_load %arg13[%swap3A_1192] {strides = array<i32>} : memref<96xi32, #tpu.memory_space<vmem>>, vector<16xi32>,
          %swap3A_1194 = vector.shape_cast %swap3A_1193 : vector<16xi32> to vector<16xi32>
          %swap3A_1195 = vector.shape_cast %add3A_1191 : vector<16xi32> to vector<16xi32>
          tpu.vector_store %arg13[%swap3A_1192], %swap3A_1195 {strides = array<i32>} : memref<96xi32, #tpu.memory_space<vmem>>, vector<16xi32>,
          %get3A_1196 = arith.constant 80 : index
          %get3A_1197 = tpu.vector_load %arg13[%get3A_1196] {strides = array<i32>} : memref<96xi32, #tpu.memory_space<vmem>>, vector<16xi32>,
          %get3A_1198 = vector.shape_cast %get3A_1197 : vector<16xi32> to vector<16xi32>
          %eq3A_1199 = arith.constant 5 : i32
          %eq3A_1200 = vector.broadcast %eq3A_1199 : i32 to vector<16xi32>
          %eq3A_1201 = arith.cmpi eq, %select_n3A_1091, %eq3A_1200 : vector<16xi32>
          %select_n3A_1202 = arith.select %eq3A_1201, %get3A_1198, %select_n3A_1185 : vector<16xi1>, vector<16xi32>
          %jit3A_1203 = arith.constant 1 : i32
          %jit3A_1204 = arith.constant 0 : i32
          %broadcast_in_dim3A_1205 = vector.broadcast %jit3A_1203 : i32 to vector<16xi32>
          %broadcast_in_dim3A_1206 = vector.broadcast %jit3A_1204 : i32 to vector<16xi32>
          %select_n3A_1207 = arith.select %eq3A_1201, %broadcast_in_dim3A_1205, %broadcast_in_dim3A_1206 : vector<16xi1>, vector<16xi32>
          %add3A_1208 = arith.addi %get3A_1198, %select_n3A_1207 : vector<16xi32>
          %swap3A_1209 = arith.constant 80 : index
          %swap3A_1210 = tpu.vector_load %arg13[%swap3A_1209] {strides = array<i32>} : memref<96xi32, #tpu.memory_space<vmem>>, vector<16xi32>,
          %swap3A_1211 = vector.shape_cast %swap3A_1210 : vector<16xi32> to vector<16xi32>
          %swap3A_1212 = vector.shape_cast %add3A_1208 : vector<16xi32> to vector<16xi32>
          tpu.vector_store %arg13[%swap3A_1209], %swap3A_1212 {strides = array<i32>} : memref<96xi32, #tpu.memory_space<vmem>>, vector<16xi32>,
          %mul3A_1213 = arith.constant 16 : i32
          %mul3A_1214 = arith.muli %scan3A_1069, %mul3A_1213 : i32
          %multiple_of3A_1215 = tpu.assume_multiple %mul3A_1214, 16 : i32
          %mul3A_1216 = arith.constant 12976 : i32
          %mul3A_1217 = arith.muli %arg1, %mul3A_1216 : i32
          %add3A_1218 = vector.broadcast %mul3A_1217 : i32 to vector<16xi32>
          %add3A_1219 = arith.addi %add3A_1218, %select_n3A_1202 : vector<16xi32>
          %swap3A_1220 = arith.index_cast %multiple_of3A_1215 : i32 to index
          %swap3A_1221 = tpu.vector_load %arg7[%swap3A_1220] {strides = array<i32>} : memref<1600xi32, #tpu.memory_space<vmem>>, vector<16xi32>,
          %swap3A_1222 = vector.shape_cast %swap3A_1221 : vector<16xi32> to vector<16xi32>
          %swap3A_1223 = vector.shape_cast %add3A_1219 : vector<16xi32> to vector<16xi32>
          tpu.vector_store %arg7[%swap3A_1220], %swap3A_1223 {strides = array<i32>} : memref<1600xi32, #tpu.memory_space<vmem>>, vector<16xi32>,
          %swap3A_1224 = arith.index_cast %multiple_of3A_1215 : i32 to index
          %swap3A_1225 = tpu.vector_load %arg8[%swap3A_1224] {strides = array<i32>} : memref<1600xi32, #tpu.memory_space<vmem>>, vector<16xi32>,
          %swap3A_1226 = vector.shape_cast %swap3A_1225 : vector<16xi32> to vector<16xi32>
          %swap3A_1227 = vector.shape_cast %bitcast_convert_type3A : vector<16xi32> to vector<16xi32>
          tpu.vector_store %arg8[%swap3A_1224], %swap3A_1227 {strides = array<i32>} : memref<1600xi32, #tpu.memory_space<vmem>>, vector<16xi32>,
        }
        %scan3A_1068 = arith.constant 100 : i32
      } else {
      }
      %lt3A_1038 = arith.constant 8 : i32
      %lt3A_1039 = arith.cmpi slt, %scan3A_1031, %lt3A_1038 : i32
      %not3A = arith.constant true
      %not3A_1040 = arith.xori %eq3A_1034, %not3A : i1
      %and3A_1041 = arith.andi %lt3A_1039, %not3A_1040 : i1
      %convert_element_type3A_1042 = arith.extui %and3A_1041 : i1 to i32
      %cond3A_1043 = arith.constant 0 : i32
      %cond3A_1044 = arith.cmpi ne, %convert_element_type3A_1042, %cond3A_1043 : i32
      scf.if %cond3A_1044 {
        %mul3A_1058 = arith.constant 12800 : i32
        %mul3A_1059 = arith.muli %arg1, %mul3A_1058 : i32
        %mul3A_1060 = arith.constant 1600 : i32
        %mul3A_1061 = arith.muli %scan3A_1031, %mul3A_1060 : i32
        %add3A_1062 = arith.addi %mul3A_1059, %mul3A_1061 : i32
        %multiple_of3A = tpu.assume_multiple %add3A_1062, 8 : i32
        "tpu.region"() ({
          %run_scoped3A = tpu.sem_alloc : memref<!tpu.dma_semaphore, #tpu.memory_space<semaphore_mem>>
          %dma_start3A = tpu.memref_slice %arg3[%multiple_of3A] : memref<204800xi32, #tpu.memory_space<hbm>> -> memref<1600xi32, #tpu.memory_space<hbm>>
          %dma_start3A_1069 = tpu.memref_slice %arg3[%multiple_of3A] : memref<204800xi32, #tpu.memory_space<hbm>> -> memref<1600xi32, #tpu.memory_space<hbm>>
          tpu.enqueue_dma source(%dma_start3A_1069 : memref<1600xi32, #tpu.memory_space<hbm>>) target(%arg6 : memref<1600xi32, #tpu.memory_space<vmem>>) target_semaphore(%run_scoped3A : memref<!tpu.dma_semaphore, #tpu.memory_space<semaphore_mem>>)
          %dma_wait3A = tpu.memref_slice %arg3[%multiple_of3A] : memref<204800xi32, #tpu.memory_space<hbm>> -> memref<1600xi32, #tpu.memory_space<hbm>>
          %dma_wait3A_1070 = tpu.memref_slice %arg3[%multiple_of3A] : memref<204800xi32, #tpu.memory_space<hbm>> -> memref<1600xi32, #tpu.memory_space<hbm>>
          tpu.wait_dma2 semaphore(%run_scoped3A : memref<!tpu.dma_semaphore, #tpu.memory_space<semaphore_mem>>) src(%dma_wait3A_1070 : memref<1600xi32, #tpu.memory_space<hbm>>) dst(%arg6 : memref<1600xi32, #tpu.memory_space<vmem>>)
          tpu.yield
        }) : () -> ()
        %scan3A_1063 = arith.constant 0 : i32
        %scan3A_1064 = arith.constant 0 : i32
        %scan3A_1065 = arith.constant 100 : i32
        %scan3A_1066 = arith.addi %scan3A_1064, %scan3A_1065 : i32
        %scan3A_1067 = arith.constant 1 : i32
        scf.for %scan3A_1069 = %scan3A_1064 to %scan3A_1066 step %scan3A_1067  : i32 {
          %iota3A_1070 = tpu.iota {dimensions = array<i32: 0>} : vector<16xi32>
          %mul3A_1071 = arith.constant 16 : i32
          %mul3A_1072 = arith.muli %scan3A_1069, %mul3A_1071 : i32
          %multiple_of3A_1073 = tpu.assume_multiple %mul3A_1072, 16 : i32
          %get3A_1074 = arith.index_cast %multiple_of3A_1073 : i32 to index
          %get3A_1075 = tpu.vector_load %arg6[%get3A_1074] {strides = array<i32>} : memref<1600xi32, #tpu.memory_space<vmem>>, vector<16xi32>,
          %get3A_1076 = vector.shape_cast %get3A_1075 : vector<16xi32> to vector<16xi32>
          %div3A_1077 = arith.constant 10000 : i32
          %div3A_1078 = vector.broadcast %div3A_1077 : i32 to vector<16xi32>
          %div3A_1079 = arith.divsi %get3A_1076, %div3A_1078 : vector<16xi32>
          %mul3A_1080 = arith.constant 5 : i32
          %mul3A_1081 = arith.muli %arg0, %mul3A_1080 : i32
          %sub3A_1082 = vector.broadcast %mul3A_1081 : i32 to vector<16xi32>
          %sub3A_1083 = arith.subi %div3A_1079, %sub3A_1082 : vector<16xi32>
          %lt3A_1084 = arith.constant 0 : i32
          %lt3A_1085 = vector.broadcast %lt3A_1084 : i32 to vector<16xi32>
          %lt3A_1086 = arith.cmpi slt, %sub3A_1083, %lt3A_1085 : vector<16xi32>
          %ge3A_1087 = arith.constant 5 : i32
          %ge3A_1088 = vector.broadcast %ge3A_1087 : i32 to vector<16xi32>
          %ge3A_1089 = arith.cmpi sge, %sub3A_1083, %ge3A_1088 : vector<16xi32>
          %or3A = arith.ori %lt3A_1086, %ge3A_1089 : vector<16xi1>
          %jit3A = arith.constant 5 : i32
          %broadcast_in_dim3A_1090 = vector.broadcast %jit3A : i32 to vector<16xi32>
          %select_n3A_1091 = arith.select %or3A, %broadcast_in_dim3A_1090, %sub3A_1083 : vector<16xi1>, vector<16xi32>
          %mul3A_1092 = arith.constant 10000 : i32
          %mul3A_1093 = vector.broadcast %mul3A_1092 : i32 to vector<16xi32>
          %mul3A_1094 = arith.muli %div3A_1079, %mul3A_1093 : vector<16xi32>
          %sub3A_1095 = arith.subi %get3A_1076, %mul3A_1094 : vector<16xi32>
          %mul3A_1096 = arith.constant 12800 : i32
          %mul3A_1097 = arith.muli %arg1, %mul3A_1096 : i32
          %mul3A_1098 = arith.constant 1600 : i32
          %mul3A_1099 = arith.muli %scan3A_1031, %mul3A_1098 : i32
          %add3A_1100 = arith.addi %mul3A_1097, %mul3A_1099 : i32
          %mul3A_1101 = arith.constant 16 : i32
          %mul3A_1102 = arith.muli %scan3A_1069, %mul3A_1101 : i32
          %add3A_1103 = arith.addi %add3A_1100, %mul3A_1102 : i32
          %add3A_1104 = vector.broadcast %add3A_1103 : i32 to vector<16xi32>
          %add3A_1105 = arith.addi %add3A_1104, %iota3A_1070 : vector<16xi32>
          %shift_left3A = arith.constant 18 : i32
          %shift_left3A_1106 = vector.broadcast %shift_left3A : i32 to vector<16xi32>
          %shift_left3A_1107 = arith.shli %sub3A_1095, %shift_left3A_1106 : vector<16xi32>
          %or3A_1108 = arith.ori %shift_left3A_1107, %add3A_1105 : vector<16xi32>
          %bitcast_convert_type3A = tpu.bitcast %or3A_1108 : vector<16xi32> -> vector<16xi32>
          %broadcast_in_dim3A_1109 = arith.constant 0 : i32
          %broadcast_in_dim3A_1110 = vector.broadcast %broadcast_in_dim3A_1109 : i32 to vector<16xi32>
          %get3A_1111 = arith.constant 0 : index
          %get3A_1112 = tpu.vector_load %arg13[%get3A_1111] {strides = array<i32>} : memref<96xi32, #tpu.memory_space<vmem>>, vector<16xi32>,
          %get3A_1113 = vector.shape_cast %get3A_1112 : vector<16xi32> to vector<16xi32>
          %eq3A_1114 = arith.constant 0 : i32
          %eq3A_1115 = vector.broadcast %eq3A_1114 : i32 to vector<16xi32>
          %eq3A_1116 = arith.cmpi eq, %select_n3A_1091, %eq3A_1115 : vector<16xi32>
          %select_n3A_1117 = arith.select %eq3A_1116, %get3A_1113, %broadcast_in_dim3A_1110 : vector<16xi1>, vector<16xi32>
          %jit3A_1118 = arith.constant 1 : i32
          %jit3A_1119 = arith.constant 0 : i32
          %broadcast_in_dim3A_1120 = vector.broadcast %jit3A_1118 : i32 to vector<16xi32>
          %broadcast_in_dim3A_1121 = vector.broadcast %jit3A_1119 : i32 to vector<16xi32>
          %select_n3A_1122 = arith.select %eq3A_1116, %broadcast_in_dim3A_1120, %broadcast_in_dim3A_1121 : vector<16xi1>, vector<16xi32>
          %add3A_1123 = arith.addi %get3A_1113, %select_n3A_1122 : vector<16xi32>
          %swap3A_1124 = arith.constant 0 : index
          %swap3A_1125 = tpu.vector_load %arg13[%swap3A_1124] {strides = array<i32>} : memref<96xi32, #tpu.memory_space<vmem>>, vector<16xi32>,
          %swap3A_1126 = vector.shape_cast %swap3A_1125 : vector<16xi32> to vector<16xi32>
          %swap3A_1127 = vector.shape_cast %add3A_1123 : vector<16xi32> to vector<16xi32>
          tpu.vector_store %arg13[%swap3A_1124], %swap3A_1127 {strides = array<i32>} : memref<96xi32, #tpu.memory_space<vmem>>, vector<16xi32>,
          %get3A_1128 = arith.constant 16 : index
          %get3A_1129 = tpu.vector_load %arg13[%get3A_1128] {strides = array<i32>} : memref<96xi32, #tpu.memory_space<vmem>>, vector<16xi32>,
          %get3A_1130 = vector.shape_cast %get3A_1129 : vector<16xi32> to vector<16xi32>
          %eq3A_1131 = arith.constant 1 : i32
          %eq3A_1132 = vector.broadcast %eq3A_1131 : i32 to vector<16xi32>
          %eq3A_1133 = arith.cmpi eq, %select_n3A_1091, %eq3A_1132 : vector<16xi32>
          %select_n3A_1134 = arith.select %eq3A_1133, %get3A_1130, %select_n3A_1117 : vector<16xi1>, vector<16xi32>
          %jit3A_1135 = arith.constant 1 : i32
          %jit3A_1136 = arith.constant 0 : i32
          %broadcast_in_dim3A_1137 = vector.broadcast %jit3A_1135 : i32 to vector<16xi32>
          %broadcast_in_dim3A_1138 = vector.broadcast %jit3A_1136 : i32 to vector<16xi32>
          %select_n3A_1139 = arith.select %eq3A_1133, %broadcast_in_dim3A_1137, %broadcast_in_dim3A_1138 : vector<16xi1>, vector<16xi32>
          %add3A_1140 = arith.addi %get3A_1130, %select_n3A_1139 : vector<16xi32>
          %swap3A_1141 = arith.constant 16 : index
          %swap3A_1142 = tpu.vector_load %arg13[%swap3A_1141] {strides = array<i32>} : memref<96xi32, #tpu.memory_space<vmem>>, vector<16xi32>,
          %swap3A_1143 = vector.shape_cast %swap3A_1142 : vector<16xi32> to vector<16xi32>
          %swap3A_1144 = vector.shape_cast %add3A_1140 : vector<16xi32> to vector<16xi32>
          tpu.vector_store %arg13[%swap3A_1141], %swap3A_1144 {strides = array<i32>} : memref<96xi32, #tpu.memory_space<vmem>>, vector<16xi32>,
          %get3A_1145 = arith.constant 32 : index
          %get3A_1146 = tpu.vector_load %arg13[%get3A_1145] {strides = array<i32>} : memref<96xi32, #tpu.memory_space<vmem>>, vector<16xi32>,
          %get3A_1147 = vector.shape_cast %get3A_1146 : vector<16xi32> to vector<16xi32>
          %eq3A_1148 = arith.constant 2 : i32
          %eq3A_1149 = vector.broadcast %eq3A_1148 : i32 to vector<16xi32>
          %eq3A_1150 = arith.cmpi eq, %select_n3A_1091, %eq3A_1149 : vector<16xi32>
          %select_n3A_1151 = arith.select %eq3A_1150, %get3A_1147, %select_n3A_1134 : vector<16xi1>, vector<16xi32>
          %jit3A_1152 = arith.constant 1 : i32
          %jit3A_1153 = arith.constant 0 : i32
          %broadcast_in_dim3A_1154 = vector.broadcast %jit3A_1152 : i32 to vector<16xi32>
          %broadcast_in_dim3A_1155 = vector.broadcast %jit3A_1153 : i32 to vector<16xi32>
          %select_n3A_1156 = arith.select %eq3A_1150, %broadcast_in_dim3A_1154, %broadcast_in_dim3A_1155 : vector<16xi1>, vector<16xi32>
          %add3A_1157 = arith.addi %get3A_1147, %select_n3A_1156 : vector<16xi32>
          %swap3A_1158 = arith.constant 32 : index
          %swap3A_1159 = tpu.vector_load %arg13[%swap3A_1158] {strides = array<i32>} : memref<96xi32, #tpu.memory_space<vmem>>, vector<16xi32>,
          %swap3A_1160 = vector.shape_cast %swap3A_1159 : vector<16xi32> to vector<16xi32>
          %swap3A_1161 = vector.shape_cast %add3A_1157 : vector<16xi32> to vector<16xi32>
          tpu.vector_store %arg13[%swap3A_1158], %swap3A_1161 {strides = array<i32>} : memref<96xi32, #tpu.memory_space<vmem>>, vector<16xi32>,
          %get3A_1162 = arith.constant 48 : index
          %get3A_1163 = tpu.vector_load %arg13[%get3A_1162] {strides = array<i32>} : memref<96xi32, #tpu.memory_space<vmem>>, vector<16xi32>,
          %get3A_1164 = vector.shape_cast %get3A_1163 : vector<16xi32> to vector<16xi32>
          %eq3A_1165 = arith.constant 3 : i32
          %eq3A_1166 = vector.broadcast %eq3A_1165 : i32 to vector<16xi32>
          %eq3A_1167 = arith.cmpi eq, %select_n3A_1091, %eq3A_1166 : vector<16xi32>
          %select_n3A_1168 = arith.select %eq3A_1167, %get3A_1164, %select_n3A_1151 : vector<16xi1>, vector<16xi32>
          %jit3A_1169 = arith.constant 1 : i32
          %jit3A_1170 = arith.constant 0 : i32
          %broadcast_in_dim3A_1171 = vector.broadcast %jit3A_1169 : i32 to vector<16xi32>
          %broadcast_in_dim3A_1172 = vector.broadcast %jit3A_1170 : i32 to vector<16xi32>
          %select_n3A_1173 = arith.select %eq3A_1167, %broadcast_in_dim3A_1171, %broadcast_in_dim3A_1172 : vector<16xi1>, vector<16xi32>
          %add3A_1174 = arith.addi %get3A_1164, %select_n3A_1173 : vector<16xi32>
          %swap3A_1175 = arith.constant 48 : index
          %swap3A_1176 = tpu.vector_load %arg13[%swap3A_1175] {strides = array<i32>} : memref<96xi32, #tpu.memory_space<vmem>>, vector<16xi32>,
          %swap3A_1177 = vector.shape_cast %swap3A_1176 : vector<16xi32> to vector<16xi32>
          %swap3A_1178 = vector.shape_cast %add3A_1174 : vector<16xi32> to vector<16xi32>
          tpu.vector_store %arg13[%swap3A_1175], %swap3A_1178 {strides = array<i32>} : memref<96xi32, #tpu.memory_space<vmem>>, vector<16xi32>,
          %get3A_1179 = arith.constant 64 : index
          %get3A_1180 = tpu.vector_load %arg13[%get3A_1179] {strides = array<i32>} : memref<96xi32, #tpu.memory_space<vmem>>, vector<16xi32>,
          %get3A_1181 = vector.shape_cast %get3A_1180 : vector<16xi32> to vector<16xi32>
          %eq3A_1182 = arith.constant 4 : i32
          %eq3A_1183 = vector.broadcast %eq3A_1182 : i32 to vector<16xi32>
          %eq3A_1184 = arith.cmpi eq, %select_n3A_1091, %eq3A_1183 : vector<16xi32>
          %select_n3A_1185 = arith.select %eq3A_1184, %get3A_1181, %select_n3A_1168 : vector<16xi1>, vector<16xi32>
          %jit3A_1186 = arith.constant 1 : i32
          %jit3A_1187 = arith.constant 0 : i32
          %broadcast_in_dim3A_1188 = vector.broadcast %jit3A_1186 : i32 to vector<16xi32>
          %broadcast_in_dim3A_1189 = vector.broadcast %jit3A_1187 : i32 to vector<16xi32>
          %select_n3A_1190 = arith.select %eq3A_1184, %broadcast_in_dim3A_1188, %broadcast_in_dim3A_1189 : vector<16xi1>, vector<16xi32>
          %add3A_1191 = arith.addi %get3A_1181, %select_n3A_1190 : vector<16xi32>
          %swap3A_1192 = arith.constant 64 : index
          %swap3A_1193 = tpu.vector_load %arg13[%swap3A_1192] {strides = array<i32>} : memref<96xi32, #tpu.memory_space<vmem>>, vector<16xi32>,
          %swap3A_1194 = vector.shape_cast %swap3A_1193 : vector<16xi32> to vector<16xi32>
          %swap3A_1195 = vector.shape_cast %add3A_1191 : vector<16xi32> to vector<16xi32>
          tpu.vector_store %arg13[%swap3A_1192], %swap3A_1195 {strides = array<i32>} : memref<96xi32, #tpu.memory_space<vmem>>, vector<16xi32>,
          %get3A_1196 = arith.constant 80 : index
          %get3A_1197 = tpu.vector_load %arg13[%get3A_1196] {strides = array<i32>} : memref<96xi32, #tpu.memory_space<vmem>>, vector<16xi32>,
          %get3A_1198 = vector.shape_cast %get3A_1197 : vector<16xi32> to vector<16xi32>
          %eq3A_1199 = arith.constant 5 : i32
          %eq3A_1200 = vector.broadcast %eq3A_1199 : i32 to vector<16xi32>
          %eq3A_1201 = arith.cmpi eq, %select_n3A_1091, %eq3A_1200 : vector<16xi32>
          %select_n3A_1202 = arith.select %eq3A_1201, %get3A_1198, %select_n3A_1185 : vector<16xi1>, vector<16xi32>
          %jit3A_1203 = arith.constant 1 : i32
          %jit3A_1204 = arith.constant 0 : i32
          %broadcast_in_dim3A_1205 = vector.broadcast %jit3A_1203 : i32 to vector<16xi32>
          %broadcast_in_dim3A_1206 = vector.broadcast %jit3A_1204 : i32 to vector<16xi32>
          %select_n3A_1207 = arith.select %eq3A_1201, %broadcast_in_dim3A_1205, %broadcast_in_dim3A_1206 : vector<16xi1>, vector<16xi32>
          %add3A_1208 = arith.addi %get3A_1198, %select_n3A_1207 : vector<16xi32>
          %swap3A_1209 = arith.constant 80 : index
          %swap3A_1210 = tpu.vector_load %arg13[%swap3A_1209] {strides = array<i32>} : memref<96xi32, #tpu.memory_space<vmem>>, vector<16xi32>,
          %swap3A_1211 = vector.shape_cast %swap3A_1210 : vector<16xi32> to vector<16xi32>
          %swap3A_1212 = vector.shape_cast %add3A_1208 : vector<16xi32> to vector<16xi32>
          tpu.vector_store %arg13[%swap3A_1209], %swap3A_1212 {strides = array<i32>} : memref<96xi32, #tpu.memory_space<vmem>>, vector<16xi32>,
          %mul3A_1213 = arith.constant 16 : i32
          %mul3A_1214 = arith.muli %scan3A_1069, %mul3A_1213 : i32
          %multiple_of3A_1215 = tpu.assume_multiple %mul3A_1214, 16 : i32
          %mul3A_1216 = arith.constant 12976 : i32
          %mul3A_1217 = arith.muli %arg1, %mul3A_1216 : i32
          %add3A_1218 = vector.broadcast %mul3A_1217 : i32 to vector<16xi32>
          %add3A_1219 = arith.addi %add3A_1218, %select_n3A_1202 : vector<16xi32>
          %swap3A_1220 = arith.index_cast %multiple_of3A_1215 : i32 to index
          %swap3A_1221 = tpu.vector_load %arg9[%swap3A_1220] {strides = array<i32>} : memref<1600xi32, #tpu.memory_space<vmem>>, vector<16xi32>,
          %swap3A_1222 = vector.shape_cast %swap3A_1221 : vector<16xi32> to vector<16xi32>
          %swap3A_1223 = vector.shape_cast %add3A_1219 : vector<16xi32> to vector<16xi32>
          tpu.vector_store %arg9[%swap3A_1220], %swap3A_1223 {strides = array<i32>} : memref<1600xi32, #tpu.memory_space<vmem>>, vector<16xi32>,
          %swap3A_1224 = arith.index_cast %multiple_of3A_1215 : i32 to index
          %swap3A_1225 = tpu.vector_load %arg10[%swap3A_1224] {strides = array<i32>} : memref<1600xi32, #tpu.memory_space<vmem>>, vector<16xi32>,
          %swap3A_1226 = vector.shape_cast %swap3A_1225 : vector<16xi32> to vector<16xi32>
          %swap3A_1227 = vector.shape_cast %bitcast_convert_type3A : vector<16xi32> to vector<16xi32>
          tpu.vector_store %arg10[%swap3A_1224], %swap3A_1227 {strides = array<i32>} : memref<1600xi32, #tpu.memory_space<vmem>>, vector<16xi32>,
        }
        %scan3A_1068 = arith.constant 100 : i32
      } else {
      }
      %ge3A = arith.constant 1 : i32
      %ge3A_1045 = arith.cmpi sge, %scan3A_1031, %ge3A : i32
      %not3A_1046 = arith.constant true
      %not3A_1047 = arith.xori %eq3A_1034, %not3A_1046 : i1
      %and3A_1048 = arith.andi %ge3A_1045, %not3A_1047 : i1
      %convert_element_type3A_1049 = arith.extui %and3A_1048 : i1 to i32
      %cond3A_1050 = arith.constant 0 : i32
      %cond3A_1051 = arith.cmpi ne, %convert_element_type3A_1049, %cond3A_1050 : i32
      scf.if %cond3A_1051 {
        "tpu.region"() ({
          %run_scoped3A = tpu.sem_alloc : memref<!tpu.dma_semaphore, #tpu.memory_space<semaphore_mem>>
          %dma_start3A = arith.constant 0 : i32
          %dma_start3A_1058 = tpu.memref_slice %arg20[%dma_start3A] : memref<207616xi32, #tpu.memory_space<vmem_shared>> -> memref<207616xi32, #tpu.memory_space<vmem_shared>>
          tpu.enqueue_indirect_dma source(%arg8 : memref<1600xi32, #tpu.memory_space<vmem>>) target(%dma_start3A_1058 : memref<207616xi32, #tpu.memory_space<vmem_shared>>) offsets(%arg7 : memref<1600xi32, #tpu.memory_space<vmem>>) semaphore(%run_scoped3A : memref<!tpu.dma_semaphore, #tpu.memory_space<semaphore_mem>>)
          %dma_wait3A = arith.constant 0 : i32
          %dma_wait3A_1059 = tpu.memref_slice %arg20[%dma_wait3A] : memref<207616xi32, #tpu.memory_space<vmem_shared>> -> memref<207616xi32, #tpu.memory_space<vmem_shared>>
          tpu.wait_indirect_dma semaphore(%run_scoped3A : memref<!tpu.dma_semaphore, #tpu.memory_space<semaphore_mem>>) src(%arg8 : memref<1600xi32, #tpu.memory_space<vmem>>) dst(%dma_wait3A_1059 : memref<207616xi32, #tpu.memory_space<vmem_shared>>)
          tpu.yield
        }) : () -> ()
      } else {
      }
      %ge3A_1052 = arith.constant 1 : i32
      %ge3A_1053 = arith.cmpi sge, %scan3A_1031, %ge3A_1052 : i32
      %and3A_1054 = arith.andi %ge3A_1053, %eq3A_1034 : i1
      %convert_element_type3A_1055 = arith.extui %and3A_1054 : i1 to i32
      %cond3A_1056 = arith.constant 0 : i32
      %cond3A_1057 = arith.cmpi ne, %convert_element_type3A_1055, %cond3A_1056 : i32
      scf.if %cond3A_1057 {
        "tpu.region"() ({
          %run_scoped3A = tpu.sem_alloc : memref<!tpu.dma_semaphore, #tpu.memory_space<semaphore_mem>>
          %dma_start3A = arith.constant 0 : i32
          %dma_start3A_1058 = tpu.memref_slice %arg20[%dma_start3A] : memref<207616xi32, #tpu.memory_space<vmem_shared>> -> memref<207616xi32, #tpu.memory_space<vmem_shared>>
          tpu.enqueue_indirect_dma source(%arg10 : memref<1600xi32, #tpu.memory_space<vmem>>) target(%dma_start3A_1058 : memref<207616xi32, #tpu.memory_space<vmem_shared>>) offsets(%arg9 : memref<1600xi32, #tpu.memory_space<vmem>>) semaphore(%run_scoped3A : memref<!tpu.dma_semaphore, #tpu.memory_space<semaphore_mem>>)
          %dma_wait3A = arith.constant 0 : i32
          %dma_wait3A_1059 = tpu.memref_slice %arg20[%dma_wait3A] : memref<207616xi32, #tpu.memory_space<vmem_shared>> -> memref<207616xi32, #tpu.memory_space<vmem_shared>>
          tpu.wait_indirect_dma semaphore(%run_scoped3A : memref<!tpu.dma_semaphore, #tpu.memory_space<semaphore_mem>>) src(%arg10 : memref<1600xi32, #tpu.memory_space<vmem>>) dst(%dma_wait3A_1059 : memref<207616xi32, #tpu.memory_space<vmem_shared>>)
          tpu.yield
        }) : () -> ()
      } else {
      }
    }
    %scan3A_1024 = arith.constant 9 : i32
    %barrier3A = arith.constant 0 : index
    tpu.barrier barrier_id(%barrier3A)
    %scan3A_1025 = arith.constant 0 : i32
    %scan3A_1026 = arith.constant 0 : i32
    %scan3A_1027 = arith.constant 5 : i32
    %scan3A_1028 = arith.addi %scan3A_1026, %scan3A_1027 : i32
    %scan3A_1029 = arith.constant 1 : i32
    scf.for %scan3A_1031 = %scan3A_1026 to %scan3A_1028 step %scan3A_1029  : i32 {
      %get3A_1032 = arith.index_cast %scan3A_1031 : i32 to index
      %get3A_1033 = memref.load %arg21[%get3A_1032] : memref<16xi32, #tpu.memory_space<smem>>
      %get3A_1034 = arith.index_cast %scan3A_1031 : i32 to index
      %get3A_1035 = memref.load %arg22[%get3A_1034] : memref<16xi32, #tpu.memory_space<smem>>
      %mul3A_1036 = arith.constant 5 : i32
      %mul3A_1037 = arith.muli %arg0, %mul3A_1036 : i32
      %add3A_1038 = arith.addi %mul3A_1037, %scan3A_1031 : i32
      %mul3A_1039 = arith.constant 10000 : i32
      %mul3A_1040 = arith.muli %add3A_1038, %mul3A_1039 : i32
      %add3A_1041 = arith.constant 127 : i32
      %add3A_1042 = arith.addi %get3A_1035, %add3A_1041 : i32
      %div3A_1043 = arith.constant 128 : i32
      %div3A_1044 = arith.divsi %add3A_1042, %div3A_1043 : i32
      %mul3A_1045 = arith.constant 640 : i32
      %mul3A_1046 = arith.muli %arg1, %mul3A_1045 : i32
      %add3A_1047 = arith.constant 0 : i32
      %add3A_1048 = arith.addi %mul3A_1046, %add3A_1047 : i32
      %dma_start3A = arith.constant 0 : i32
      %dma_start3A_1049 = tpu.memref_slice %arg19[%add3A_1048, %dma_start3A] : memref<10240x128xf32, #tpu.memory_space<vmem_shared>> -> memref<64x128xf32, #tpu.memory_space<vmem_shared>>
      %dma_start3A_1050 = arith.constant 0 : i32
      %dma_start3A_1051 = tpu.memref_slice %arg19[%add3A_1048, %dma_start3A_1050] : memref<10240x128xf32, #tpu.memory_space<vmem_shared>> -> memref<64x128xf32, #tpu.memory_space<vmem_shared>>
      tpu.enqueue_dma source(%arg17 : memref<64x128xf32, #tpu.memory_space<vmem>>) target(%dma_start3A_1051 : memref<64x128xf32, #tpu.memory_space<vmem_shared>>) target_semaphore(%arg23 : memref<!tpu.dma_semaphore, #tpu.memory_space<semaphore_mem>>)
      %mul3A_1052 = arith.constant 640 : i32
      %mul3A_1053 = arith.muli %arg1, %mul3A_1052 : i32
      %add3A_1054 = arith.constant 64 : i32
      %add3A_1055 = arith.addi %mul3A_1053, %add3A_1054 : i32
      %dma_start3A_1056 = arith.constant 0 : i32
      %dma_start3A_1057 = tpu.memref_slice %arg19[%add3A_1055, %dma_start3A_1056] : memref<10240x128xf32, #tpu.memory_space<vmem_shared>> -> memref<64x128xf32, #tpu.memory_space<vmem_shared>>
      %dma_start3A_1058 = arith.constant 0 : i32
      %dma_start3A_1059 = tpu.memref_slice %arg19[%add3A_1055, %dma_start3A_1058] : memref<10240x128xf32, #tpu.memory_space<vmem_shared>> -> memref<64x128xf32, #tpu.memory_space<vmem_shared>>
      tpu.enqueue_dma source(%arg17 : memref<64x128xf32, #tpu.memory_space<vmem>>) target(%dma_start3A_1059 : memref<64x128xf32, #tpu.memory_space<vmem_shared>>) target_semaphore(%arg23 : memref<!tpu.dma_semaphore, #tpu.memory_space<semaphore_mem>>)
      %mul3A_1060 = arith.constant 640 : i32
      %mul3A_1061 = arith.muli %arg1, %mul3A_1060 : i32
      %add3A_1062 = arith.constant 128 : i32
      %add3A_1063 = arith.addi %mul3A_1061, %add3A_1062 : i32
      %dma_start3A_1064 = arith.constant 0 : i32
      %dma_start3A_1065 = tpu.memref_slice %arg19[%add3A_1063, %dma_start3A_1064] : memref<10240x128xf32, #tpu.memory_space<vmem_shared>> -> memref<64x128xf32, #tpu.memory_space<vmem_shared>>
      %dma_start3A_1066 = arith.constant 0 : i32
      %dma_start3A_1067 = tpu.memref_slice %arg19[%add3A_1063, %dma_start3A_1066] : memref<10240x128xf32, #tpu.memory_space<vmem_shared>> -> memref<64x128xf32, #tpu.memory_space<vmem_shared>>
      tpu.enqueue_dma source(%arg17 : memref<64x128xf32, #tpu.memory_space<vmem>>) target(%dma_start3A_1067 : memref<64x128xf32, #tpu.memory_space<vmem_shared>>) target_semaphore(%arg23 : memref<!tpu.dma_semaphore, #tpu.memory_space<semaphore_mem>>)
      %mul3A_1068 = arith.constant 640 : i32
      %mul3A_1069 = arith.muli %arg1, %mul3A_1068 : i32
      %add3A_1070 = arith.constant 192 : i32
      %add3A_1071 = arith.addi %mul3A_1069, %add3A_1070 : i32
      %dma_start3A_1072 = arith.constant 0 : i32
      %dma_start3A_1073 = tpu.memref_slice %arg19[%add3A_1071, %dma_start3A_1072] : memref<10240x128xf32, #tpu.memory_space<vmem_shared>> -> memref<64x128xf32, #tpu.memory_space<vmem_shared>>
      %dma_start3A_1074 = arith.constant 0 : i32
      %dma_start3A_1075 = tpu.memref_slice %arg19[%add3A_1071, %dma_start3A_1074] : memref<10240x128xf32, #tpu.memory_space<vmem_shared>> -> memref<64x128xf32, #tpu.memory_space<vmem_shared>>
      tpu.enqueue_dma source(%arg17 : memref<64x128xf32, #tpu.memory_space<vmem>>) target(%dma_start3A_1075 : memref<64x128xf32, #tpu.memory_space<vmem_shared>>) target_semaphore(%arg23 : memref<!tpu.dma_semaphore, #tpu.memory_space<semaphore_mem>>)
      %mul3A_1076 = arith.constant 640 : i32
      %mul3A_1077 = arith.muli %arg1, %mul3A_1076 : i32
      %add3A_1078 = arith.constant 256 : i32
      %add3A_1079 = arith.addi %mul3A_1077, %add3A_1078 : i32
      %dma_start3A_1080 = arith.constant 0 : i32
      %dma_start3A_1081 = tpu.memref_slice %arg19[%add3A_1079, %dma_start3A_1080] : memref<10240x128xf32, #tpu.memory_space<vmem_shared>> -> memref<64x128xf32, #tpu.memory_space<vmem_shared>>
      %dma_start3A_1082 = arith.constant 0 : i32
      %dma_start3A_1083 = tpu.memref_slice %arg19[%add3A_1079, %dma_start3A_1082] : memref<10240x128xf32, #tpu.memory_space<vmem_shared>> -> memref<64x128xf32, #tpu.memory_space<vmem_shared>>
      tpu.enqueue_dma source(%arg17 : memref<64x128xf32, #tpu.memory_space<vmem>>) target(%dma_start3A_1083 : memref<64x128xf32, #tpu.memory_space<vmem_shared>>) target_semaphore(%arg23 : memref<!tpu.dma_semaphore, #tpu.memory_space<semaphore_mem>>)
      %mul3A_1084 = arith.constant 640 : i32
      %mul3A_1085 = arith.muli %arg1, %mul3A_1084 : i32
      %add3A_1086 = arith.constant 320 : i32
      %add3A_1087 = arith.addi %mul3A_1085, %add3A_1086 : i32
      %dma_start3A_1088 = arith.constant 0 : i32
      %dma_start3A_1089 = tpu.memref_slice %arg19[%add3A_1087, %dma_start3A_1088] : memref<10240x128xf32, #tpu.memory_space<vmem_shared>> -> memref<64x128xf32, #tpu.memory_space<vmem_shared>>
      %dma_start3A_1090 = arith.constant 0 : i32
      %dma_start3A_1091 = tpu.memref_slice %arg19[%add3A_1087, %dma_start3A_1090] : memref<10240x128xf32, #tpu.memory_space<vmem_shared>> -> memref<64x128xf32, #tpu.memory_space<vmem_shared>>
      tpu.enqueue_dma source(%arg17 : memref<64x128xf32, #tpu.memory_space<vmem>>) target(%dma_start3A_1091 : memref<64x128xf32, #tpu.memory_space<vmem_shared>>) target_semaphore(%arg23 : memref<!tpu.dma_semaphore, #tpu.memory_space<semaphore_mem>>)
      %mul3A_1092 = arith.constant 640 : i32
      %mul3A_1093 = arith.muli %arg1, %mul3A_1092 : i32
      %add3A_1094 = arith.constant 384 : i32
      %add3A_1095 = arith.addi %mul3A_1093, %add3A_1094 : i32
      %dma_start3A_1096 = arith.constant 0 : i32
      %dma_start3A_1097 = tpu.memref_slice %arg19[%add3A_1095, %dma_start3A_1096] : memref<10240x128xf32, #tpu.memory_space<vmem_shared>> -> memref<64x128xf32, #tpu.memory_space<vmem_shared>>
      %dma_start3A_1098 = arith.constant 0 : i32
      %dma_start3A_1099 = tpu.memref_slice %arg19[%add3A_1095, %dma_start3A_1098] : memref<10240x128xf32, #tpu.memory_space<vmem_shared>> -> memref<64x128xf32, #tpu.memory_space<vmem_shared>>
      tpu.enqueue_dma source(%arg17 : memref<64x128xf32, #tpu.memory_space<vmem>>) target(%dma_start3A_1099 : memref<64x128xf32, #tpu.memory_space<vmem_shared>>) target_semaphore(%arg23 : memref<!tpu.dma_semaphore, #tpu.memory_space<semaphore_mem>>)
      %mul3A_1100 = arith.constant 640 : i32
      %mul3A_1101 = arith.muli %arg1, %mul3A_1100 : i32
      %add3A_1102 = arith.constant 448 : i32
      %add3A_1103 = arith.addi %mul3A_1101, %add3A_1102 : i32
      %dma_start3A_1104 = arith.constant 0 : i32
      %dma_start3A_1105 = tpu.memref_slice %arg19[%add3A_1103, %dma_start3A_1104] : memref<10240x128xf32, #tpu.memory_space<vmem_shared>> -> memref<64x128xf32, #tpu.memory_space<vmem_shared>>
      %dma_start3A_1106 = arith.constant 0 : i32
      %dma_start3A_1107 = tpu.memref_slice %arg19[%add3A_1103, %dma_start3A_1106] : memref<10240x128xf32, #tpu.memory_space<vmem_shared>> -> memref<64x128xf32, #tpu.memory_space<vmem_shared>>
      tpu.enqueue_dma source(%arg17 : memref<64x128xf32, #tpu.memory_space<vmem>>) target(%dma_start3A_1107 : memref<64x128xf32, #tpu.memory_space<vmem_shared>>) target_semaphore(%arg23 : memref<!tpu.dma_semaphore, #tpu.memory_space<semaphore_mem>>)
      %mul3A_1108 = arith.constant 640 : i32
      %mul3A_1109 = arith.muli %arg1, %mul3A_1108 : i32
      %add3A_1110 = arith.constant 512 : i32
      %add3A_1111 = arith.addi %mul3A_1109, %add3A_1110 : i32
      %dma_start3A_1112 = arith.constant 0 : i32
      %dma_start3A_1113 = tpu.memref_slice %arg19[%add3A_1111, %dma_start3A_1112] : memref<10240x128xf32, #tpu.memory_space<vmem_shared>> -> memref<64x128xf32, #tpu.memory_space<vmem_shared>>
      %dma_start3A_1114 = arith.constant 0 : i32
      %dma_start3A_1115 = tpu.memref_slice %arg19[%add3A_1111, %dma_start3A_1114] : memref<10240x128xf32, #tpu.memory_space<vmem_shared>> -> memref<64x128xf32, #tpu.memory_space<vmem_shared>>
      tpu.enqueue_dma source(%arg17 : memref<64x128xf32, #tpu.memory_space<vmem>>) target(%dma_start3A_1115 : memref<64x128xf32, #tpu.memory_space<vmem_shared>>) target_semaphore(%arg23 : memref<!tpu.dma_semaphore, #tpu.memory_space<semaphore_mem>>)
      %mul3A_1116 = arith.constant 640 : i32
      %mul3A_1117 = arith.muli %arg1, %mul3A_1116 : i32
      %add3A_1118 = arith.constant 576 : i32
      %add3A_1119 = arith.addi %mul3A_1117, %add3A_1118 : i32
      %dma_start3A_1120 = arith.constant 0 : i32
      %dma_start3A_1121 = tpu.memref_slice %arg19[%add3A_1119, %dma_start3A_1120] : memref<10240x128xf32, #tpu.memory_space<vmem_shared>> -> memref<64x128xf32, #tpu.memory_space<vmem_shared>>
      %dma_start3A_1122 = arith.constant 0 : i32
      %dma_start3A_1123 = tpu.memref_slice %arg19[%add3A_1119, %dma_start3A_1122] : memref<10240x128xf32, #tpu.memory_space<vmem_shared>> -> memref<64x128xf32, #tpu.memory_space<vmem_shared>>
      tpu.enqueue_dma source(%arg17 : memref<64x128xf32, #tpu.memory_space<vmem>>) target(%dma_start3A_1123 : memref<64x128xf32, #tpu.memory_space<vmem_shared>>) target_semaphore(%arg23 : memref<!tpu.dma_semaphore, #tpu.memory_space<semaphore_mem>>)
      %mul3A_1124 = arith.constant 640 : i32
      %mul3A_1125 = arith.muli %arg1, %mul3A_1124 : i32
      %add3A_1126 = arith.constant 0 : i32
      %add3A_1127 = arith.addi %mul3A_1125, %add3A_1126 : i32
      %dma_wait3A = arith.constant 0 : i32
      %dma_wait3A_1128 = tpu.memref_slice %arg19[%add3A_1127, %dma_wait3A] : memref<10240x128xf32, #tpu.memory_space<vmem_shared>> -> memref<64x128xf32, #tpu.memory_space<vmem_shared>>
      %dma_wait3A_1129 = arith.constant 0 : i32
      %dma_wait3A_1130 = tpu.memref_slice %arg19[%add3A_1127, %dma_wait3A_1129] : memref<10240x128xf32, #tpu.memory_space<vmem_shared>> -> memref<64x128xf32, #tpu.memory_space<vmem_shared>>
      tpu.wait_dma2 semaphore(%arg23 : memref<!tpu.dma_semaphore, #tpu.memory_space<semaphore_mem>>) src(%arg17 : memref<64x128xf32, #tpu.memory_space<vmem>>) dst(%dma_wait3A_1130 : memref<64x128xf32, #tpu.memory_space<vmem_shared>>)
      %mul3A_1131 = arith.constant 640 : i32
      %mul3A_1132 = arith.muli %arg1, %mul3A_1131 : i32
      %add3A_1133 = arith.constant 64 : i32
      %add3A_1134 = arith.addi %mul3A_1132, %add3A_1133 : i32
      %dma_wait3A_1135 = arith.constant 0 : i32
      %dma_wait3A_1136 = tpu.memref_slice %arg19[%add3A_1134, %dma_wait3A_1135] : memref<10240x128xf32, #tpu.memory_space<vmem_shared>> -> memref<64x128xf32, #tpu.memory_space<vmem_shared>>
      %dma_wait3A_1137 = arith.constant 0 : i32
      %dma_wait3A_1138 = tpu.memref_slice %arg19[%add3A_1134, %dma_wait3A_1137] : memref<10240x128xf32, #tpu.memory_space<vmem_shared>> -> memref<64x128xf32, #tpu.memory_space<vmem_shared>>
      tpu.wait_dma2 semaphore(%arg23 : memref<!tpu.dma_semaphore, #tpu.memory_space<semaphore_mem>>) src(%arg17 : memref<64x128xf32, #tpu.memory_space<vmem>>) dst(%dma_wait3A_1138 : memref<64x128xf32, #tpu.memory_space<vmem_shared>>)
      %mul3A_1139 = arith.constant 640 : i32
      %mul3A_1140 = arith.muli %arg1, %mul3A_1139 : i32
      %add3A_1141 = arith.constant 128 : i32
      %add3A_1142 = arith.addi %mul3A_1140, %add3A_1141 : i32
      %dma_wait3A_1143 = arith.constant 0 : i32
      %dma_wait3A_1144 = tpu.memref_slice %arg19[%add3A_1142, %dma_wait3A_1143] : memref<10240x128xf32, #tpu.memory_space<vmem_shared>> -> memref<64x128xf32, #tpu.memory_space<vmem_shared>>
      %dma_wait3A_1145 = arith.constant 0 : i32
      %dma_wait3A_1146 = tpu.memref_slice %arg19[%add3A_1142, %dma_wait3A_1145] : memref<10240x128xf32, #tpu.memory_space<vmem_shared>> -> memref<64x128xf32, #tpu.memory_space<vmem_shared>>
      tpu.wait_dma2 semaphore(%arg23 : memref<!tpu.dma_semaphore, #tpu.memory_space<semaphore_mem>>) src(%arg17 : memref<64x128xf32, #tpu.memory_space<vmem>>) dst(%dma_wait3A_1146 : memref<64x128xf32, #tpu.memory_space<vmem_shared>>)
      %mul3A_1147 = arith.constant 640 : i32
      %mul3A_1148 = arith.muli %arg1, %mul3A_1147 : i32
      %add3A_1149 = arith.constant 192 : i32
      %add3A_1150 = arith.addi %mul3A_1148, %add3A_1149 : i32
      %dma_wait3A_1151 = arith.constant 0 : i32
      %dma_wait3A_1152 = tpu.memref_slice %arg19[%add3A_1150, %dma_wait3A_1151] : memref<10240x128xf32, #tpu.memory_space<vmem_shared>> -> memref<64x128xf32, #tpu.memory_space<vmem_shared>>
      %dma_wait3A_1153 = arith.constant 0 : i32
      %dma_wait3A_1154 = tpu.memref_slice %arg19[%add3A_1150, %dma_wait3A_1153] : memref<10240x128xf32, #tpu.memory_space<vmem_shared>> -> memref<64x128xf32, #tpu.memory_space<vmem_shared>>
      tpu.wait_dma2 semaphore(%arg23 : memref<!tpu.dma_semaphore, #tpu.memory_space<semaphore_mem>>) src(%arg17 : memref<64x128xf32, #tpu.memory_space<vmem>>) dst(%dma_wait3A_1154 : memref<64x128xf32, #tpu.memory_space<vmem_shared>>)
      %mul3A_1155 = arith.constant 640 : i32
      %mul3A_1156 = arith.muli %arg1, %mul3A_1155 : i32
      %add3A_1157 = arith.constant 256 : i32
      %add3A_1158 = arith.addi %mul3A_1156, %add3A_1157 : i32
      %dma_wait3A_1159 = arith.constant 0 : i32
      %dma_wait3A_1160 = tpu.memref_slice %arg19[%add3A_1158, %dma_wait3A_1159] : memref<10240x128xf32, #tpu.memory_space<vmem_shared>> -> memref<64x128xf32, #tpu.memory_space<vmem_shared>>
      %dma_wait3A_1161 = arith.constant 0 : i32
      %dma_wait3A_1162 = tpu.memref_slice %arg19[%add3A_1158, %dma_wait3A_1161] : memref<10240x128xf32, #tpu.memory_space<vmem_shared>> -> memref<64x128xf32, #tpu.memory_space<vmem_shared>>
      tpu.wait_dma2 semaphore(%arg23 : memref<!tpu.dma_semaphore, #tpu.memory_space<semaphore_mem>>) src(%arg17 : memref<64x128xf32, #tpu.memory_space<vmem>>) dst(%dma_wait3A_1162 : memref<64x128xf32, #tpu.memory_space<vmem_shared>>)
      %mul3A_1163 = arith.constant 640 : i32
      %mul3A_1164 = arith.muli %arg1, %mul3A_1163 : i32
      %add3A_1165 = arith.constant 320 : i32
      %add3A_1166 = arith.addi %mul3A_1164, %add3A_1165 : i32
      %dma_wait3A_1167 = arith.constant 0 : i32
      %dma_wait3A_1168 = tpu.memref_slice %arg19[%add3A_1166, %dma_wait3A_1167] : memref<10240x128xf32, #tpu.memory_space<vmem_shared>> -> memref<64x128xf32, #tpu.memory_space<vmem_shared>>
      %dma_wait3A_1169 = arith.constant 0 : i32
      %dma_wait3A_1170 = tpu.memref_slice %arg19[%add3A_1166, %dma_wait3A_1169] : memref<10240x128xf32, #tpu.memory_space<vmem_shared>> -> memref<64x128xf32, #tpu.memory_space<vmem_shared>>
      tpu.wait_dma2 semaphore(%arg23 : memref<!tpu.dma_semaphore, #tpu.memory_space<semaphore_mem>>) src(%arg17 : memref<64x128xf32, #tpu.memory_space<vmem>>) dst(%dma_wait3A_1170 : memref<64x128xf32, #tpu.memory_space<vmem_shared>>)
      %mul3A_1171 = arith.constant 640 : i32
      %mul3A_1172 = arith.muli %arg1, %mul3A_1171 : i32
      %add3A_1173 = arith.constant 384 : i32
      %add3A_1174 = arith.addi %mul3A_1172, %add3A_1173 : i32
      %dma_wait3A_1175 = arith.constant 0 : i32
      %dma_wait3A_1176 = tpu.memref_slice %arg19[%add3A_1174, %dma_wait3A_1175] : memref<10240x128xf32, #tpu.memory_space<vmem_shared>> -> memref<64x128xf32, #tpu.memory_space<vmem_shared>>
      %dma_wait3A_1177 = arith.constant 0 : i32
      %dma_wait3A_1178 = tpu.memref_slice %arg19[%add3A_1174, %dma_wait3A_1177] : memref<10240x128xf32, #tpu.memory_space<vmem_shared>> -> memref<64x128xf32, #tpu.memory_space<vmem_shared>>
      tpu.wait_dma2 semaphore(%arg23 : memref<!tpu.dma_semaphore, #tpu.memory_space<semaphore_mem>>) src(%arg17 : memref<64x128xf32, #tpu.memory_space<vmem>>) dst(%dma_wait3A_1178 : memref<64x128xf32, #tpu.memory_space<vmem_shared>>)
      %mul3A_1179 = arith.constant 640 : i32
      %mul3A_1180 = arith.muli %arg1, %mul3A_1179 : i32
      %add3A_1181 = arith.constant 448 : i32
      %add3A_1182 = arith.addi %mul3A_1180, %add3A_1181 : i32
      %dma_wait3A_1183 = arith.constant 0 : i32
      %dma_wait3A_1184 = tpu.memref_slice %arg19[%add3A_1182, %dma_wait3A_1183] : memref<10240x128xf32, #tpu.memory_space<vmem_shared>> -> memref<64x128xf32, #tpu.memory_space<vmem_shared>>
      %dma_wait3A_1185 = arith.constant 0 : i32
      %dma_wait3A_1186 = tpu.memref_slice %arg19[%add3A_1182, %dma_wait3A_1185] : memref<10240x128xf32, #tpu.memory_space<vmem_shared>> -> memref<64x128xf32, #tpu.memory_space<vmem_shared>>
      tpu.wait_dma2 semaphore(%arg23 : memref<!tpu.dma_semaphore, #tpu.memory_space<semaphore_mem>>) src(%arg17 : memref<64x128xf32, #tpu.memory_space<vmem>>) dst(%dma_wait3A_1186 : memref<64x128xf32, #tpu.memory_space<vmem_shared>>)
      %mul3A_1187 = arith.constant 640 : i32
      %mul3A_1188 = arith.muli %arg1, %mul3A_1187 : i32
      %add3A_1189 = arith.constant 512 : i32
      %add3A_1190 = arith.addi %mul3A_1188, %add3A_1189 : i32
      %dma_wait3A_1191 = arith.constant 0 : i32
      %dma_wait3A_1192 = tpu.memref_slice %arg19[%add3A_1190, %dma_wait3A_1191] : memref<10240x128xf32, #tpu.memory_space<vmem_shared>> -> memref<64x128xf32, #tpu.memory_space<vmem_shared>>
      %dma_wait3A_1193 = arith.constant 0 : i32
      %dma_wait3A_1194 = tpu.memref_slice %arg19[%add3A_1190, %dma_wait3A_1193] : memref<10240x128xf32, #tpu.memory_space<vmem_shared>> -> memref<64x128xf32, #tpu.memory_space<vmem_shared>>
      tpu.wait_dma2 semaphore(%arg23 : memref<!tpu.dma_semaphore, #tpu.memory_space<semaphore_mem>>) src(%arg17 : memref<64x128xf32, #tpu.memory_space<vmem>>) dst(%dma_wait3A_1194 : memref<64x128xf32, #tpu.memory_space<vmem_shared>>)
      %mul3A_1195 = arith.constant 640 : i32
      %mul3A_1196 = arith.muli %arg1, %mul3A_1195 : i32
      %add3A_1197 = arith.constant 576 : i32
      %add3A_1198 = arith.addi %mul3A_1196, %add3A_1197 : i32
      %dma_wait3A_1199 = arith.constant 0 : i32
      %dma_wait3A_1200 = tpu.memref_slice %arg19[%add3A_1198, %dma_wait3A_1199] : memref<10240x128xf32, #tpu.memory_space<vmem_shared>> -> memref<64x128xf32, #tpu.memory_space<vmem_shared>>
      %dma_wait3A_1201 = arith.constant 0 : i32
      %dma_wait3A_1202 = tpu.memref_slice %arg19[%add3A_1198, %dma_wait3A_1201] : memref<10240x128xf32, #tpu.memory_space<vmem_shared>> -> memref<64x128xf32, #tpu.memory_space<vmem_shared>>
      tpu.wait_dma2 semaphore(%arg23 : memref<!tpu.dma_semaphore, #tpu.memory_space<semaphore_mem>>) src(%arg17 : memref<64x128xf32, #tpu.memory_space<vmem>>) dst(%dma_wait3A_1202 : memref<64x128xf32, #tpu.memory_space<vmem_shared>>)
      %barrier3A_1203 = arith.constant 0 : index
      tpu.barrier barrier_id(%barrier3A_1203)
      %scan3A_1204 = arith.constant 0 : i32
      %scan3A_1205 = arith.constant 0 : i32
      %scan3A_1206 = arith.constant 13 : i32
      %scan3A_1207 = arith.addi %scan3A_1205, %scan3A_1206 : i32
      %scan3A_1208 = arith.constant 1 : i32
      scf.for %scan3A_1219 = %scan3A_1205 to %scan3A_1207 step %scan3A_1208  : i32 {
        %scan3A_1220 = arith.constant 0 : i32
        %scan3A_1221 = arith.constant 0 : i32
        %scan3A_1222 = arith.constant 8 : i32
        %scan3A_1223 = arith.addi %scan3A_1221, %scan3A_1222 : i32
        %scan3A_1224 = arith.constant 1 : i32
        scf.for %scan3A_1232 = %scan3A_1221 to %scan3A_1223 step %scan3A_1224  : i32 {
          %mul3A_1233 = arith.constant 8 : i32
          %mul3A_1234 = arith.muli %scan3A_1219, %mul3A_1233 : i32
          %add3A_1235 = arith.addi %mul3A_1234, %scan3A_1232 : i32
          %lt3A = arith.cmpi slt, %add3A_1235, %div3A_1044 : i32
          %convert_element_type3A_1236 = arith.extui %lt3A : i1 to i32
          %cond3A_1237 = arith.constant 0 : i32
          %cond3A_1238 = arith.cmpi ne, %convert_element_type3A_1236, %cond3A_1237 : i32
          scf.if %cond3A_1238 {
            %iota3A_1239 = tpu.iota {dimensions = array<i32: 0>} : vector<16xi32>
            %mul3A_1240 = arith.constant 12976 : i32
            %mul3A_1241 = arith.muli %arg1, %mul3A_1240 : i32
            %add3A_1242 = arith.addi %mul3A_1241, %get3A_1033 : i32
            %mul3A_1243 = arith.constant 128 : i32
            %mul3A_1244 = arith.muli %add3A_1235, %mul3A_1243 : i32
            %add3A_1245 = arith.addi %add3A_1242, %mul3A_1244 : i32
            %multiple_of3A = tpu.assume_multiple %add3A_1245, 8 : i32
            "tpu.region"() ({
              %run_scoped3A = tpu.sem_alloc : memref<!tpu.dma_semaphore, #tpu.memory_space<semaphore_mem>>
              %dma_start3A_1555 = tpu.memref_slice %arg20[%multiple_of3A] : memref<207616xi32, #tpu.memory_space<vmem_shared>> -> memref<128xi32, #tpu.memory_space<vmem_shared>>
              %dma_start3A_1556 = tpu.memref_slice %arg20[%multiple_of3A] : memref<207616xi32, #tpu.memory_space<vmem_shared>> -> memref<128xi32, #tpu.memory_space<vmem_shared>>
              tpu.enqueue_dma source(%dma_start3A_1556 : memref<128xi32, #tpu.memory_space<vmem_shared>>) target(%arg11 : memref<128xi32, #tpu.memory_space<vmem>>) target_semaphore(%run_scoped3A : memref<!tpu.dma_semaphore, #tpu.memory_space<semaphore_mem>>)
              %dma_wait3A_1557 = tpu.memref_slice %arg20[%multiple_of3A] : memref<207616xi32, #tpu.memory_space<vmem_shared>> -> memref<128xi32, #tpu.memory_space<vmem_shared>>
              %dma_wait3A_1558 = tpu.memref_slice %arg20[%multiple_of3A] : memref<207616xi32, #tpu.memory_space<vmem_shared>> -> memref<128xi32, #tpu.memory_space<vmem_shared>>
              tpu.wait_dma2 semaphore(%run_scoped3A : memref<!tpu.dma_semaphore, #tpu.memory_space<semaphore_mem>>) src(%dma_wait3A_1558 : memref<128xi32, #tpu.memory_space<vmem_shared>>) dst(%arg11 : memref<128xi32, #tpu.memory_space<vmem>>)
              tpu.yield
            }) : () -> ()
            %mul3A_1246 = arith.constant 128 : i32
            %mul3A_1247 = arith.muli %add3A_1235, %mul3A_1246 : i32
            %add3A_1248 = arith.constant 0 : i32
            %add3A_1249 = arith.addi %mul3A_1247, %add3A_1248 : i32
            %get3A_1250 = arith.constant 0 : index
            %get3A_1251 = tpu.vector_load %arg11[%get3A_1250] {strides = array<i32>} : memref<128xi32, #tpu.memory_space<vmem>>, vector<16xi32>,
            %get3A_1252 = vector.shape_cast %get3A_1251 : vector<16xi32> to vector<16xi32>
            %bitcast_convert_type3A = tpu.bitcast %get3A_1252 : vector<16xi32> -> vector<16xi32>
            %add3A_1253 = vector.broadcast %add3A_1249 : i32 to vector<16xi32>
            %add3A_1254 = arith.addi %add3A_1253, %iota3A_1239 : vector<16xi32>
            %lt3A_1255 = vector.broadcast %get3A_1035 : i32 to vector<16xi32>
            %lt3A_1256 = arith.cmpi slt, %add3A_1254, %lt3A_1255 : vector<16xi32>
            %shift_right_logical3A = arith.constant 18 : i32
            %shift_right_logical3A_1257 = vector.broadcast %shift_right_logical3A : i32 to vector<16xi32>
            %shift_right_logical3A_1258 = arith.shrui %bitcast_convert_type3A, %shift_right_logical3A_1257 : vector<16xi32>
            %add3A_1259 = arith.constant 10008 : i32
            %add3A_1260 = arith.addi %add3A_1259, %arg1 : i32
            %broadcast_in_dim3A_1261 = vector.broadcast %add3A_1260 : i32 to vector<16xi32>
            %select_n3A_1262 = arith.select %lt3A_1256, %shift_right_logical3A_1258, %broadcast_in_dim3A_1261 : vector<16xi1>, vector<16xi32>
            %and3A = arith.constant 262143 : i32
            %and3A_1263 = vector.broadcast %and3A : i32 to vector<16xi32>
            %and3A_1264 = arith.andi %bitcast_convert_type3A, %and3A_1263 : vector<16xi32>
            %mul3A_1265 = arith.constant 12800 : i32
            %mul3A_1266 = arith.muli %arg1, %mul3A_1265 : i32
            %add3A_1267 = arith.constant 0 : i32
            %add3A_1268 = arith.addi %mul3A_1266, %add3A_1267 : i32
            %add3A_1269 = vector.broadcast %add3A_1268 : i32 to vector<16xi32>
            %add3A_1270 = arith.addi %add3A_1269, %iota3A_1239 : vector<16xi32>
            %select_n3A_1271 = arith.select %lt3A_1256, %and3A_1264, %add3A_1270 : vector<16xi1>, vector<16xi32>
            %swap3A_1272 = arith.index_cast %scan3A_1232 : i32 to index
            %swap3A_1273 = arith.constant 0 : index
            %swap3A_1274 = tpu.vector_load %arg14[%swap3A_1272, %swap3A_1273] {strides = array<i32>} : memref<8x128xi32, #tpu.memory_space<vmem>>, vector<1x16xi32>,
            %swap3A_1275 = vector.shape_cast %swap3A_1274 : vector<1x16xi32> to vector<16xi32>
            %swap3A_1276 = vector.shape_cast %select_n3A_1262 : vector<16xi32> to vector<1x16xi32>
            tpu.vector_store %arg14[%swap3A_1272, %swap3A_1273], %swap3A_1276 {strides = array<i32>} : memref<8x128xi32, #tpu.memory_space<vmem>>, vector<1x16xi32>,
            %swap3A_1277 = arith.index_cast %scan3A_1232 : i32 to index
            %swap3A_1278 = arith.constant 0 : index
            %swap3A_1279 = tpu.vector_load %arg15[%swap3A_1277, %swap3A_1278] {strides = array<i32>} : memref<8x128xi32, #tpu.memory_space<vmem>>, vector<1x16xi32>,
            %swap3A_1280 = vector.shape_cast %swap3A_1279 : vector<1x16xi32> to vector<16xi32>
            %swap3A_1281 = vector.shape_cast %select_n3A_1271 : vector<16xi32> to vector<1x16xi32>
            tpu.vector_store %arg15[%swap3A_1277, %swap3A_1278], %swap3A_1281 {strides = array<i32>} : memref<8x128xi32, #tpu.memory_space<vmem>>, vector<1x16xi32>,
            %mul3A_1282 = arith.constant 128 : i32
            %mul3A_1283 = arith.muli %add3A_1235, %mul3A_1282 : i32
            %add3A_1284 = arith.constant 16 : i32
            %add3A_1285 = arith.addi %mul3A_1283, %add3A_1284 : i32
            %get3A_1286 = arith.constant 16 : index
            %get3A_1287 = tpu.vector_load %arg11[%get3A_1286] {strides = array<i32>} : memref<128xi32, #tpu.memory_space<vmem>>, vector<16xi32>,
            %get3A_1288 = vector.shape_cast %get3A_1287 : vector<16xi32> to vector<16xi32>
            %bitcast_convert_type3A_1289 = tpu.bitcast %get3A_1288 : vector<16xi32> -> vector<16xi32>
            %add3A_1290 = vector.broadcast %add3A_1285 : i32 to vector<16xi32>
            %add3A_1291 = arith.addi %add3A_1290, %iota3A_1239 : vector<16xi32>
            %lt3A_1292 = vector.broadcast %get3A_1035 : i32 to vector<16xi32>
            %lt3A_1293 = arith.cmpi slt, %add3A_1291, %lt3A_1292 : vector<16xi32>
            %shift_right_logical3A_1294 = arith.constant 18 : i32
            %shift_right_logical3A_1295 = vector.broadcast %shift_right_logical3A_1294 : i32 to vector<16xi32>
            %shift_right_logical3A_1296 = arith.shrui %bitcast_convert_type3A_1289, %shift_right_logical3A_1295 : vector<16xi32>
            %add3A_1297 = arith.constant 10008 : i32
            %add3A_1298 = arith.addi %add3A_1297, %arg1 : i32
            %broadcast_in_dim3A_1299 = vector.broadcast %add3A_1298 : i32 to vector<16xi32>
            %select_n3A_1300 = arith.select %lt3A_1293, %shift_right_logical3A_1296, %broadcast_in_dim3A_1299 : vector<16xi1>, vector<16xi32>
            %and3A_1301 = arith.constant 262143 : i32
            %and3A_1302 = vector.broadcast %and3A_1301 : i32 to vector<16xi32>
            %and3A_1303 = arith.andi %bitcast_convert_type3A_1289, %and3A_1302 : vector<16xi32>
            %mul3A_1304 = arith.constant 12800 : i32
            %mul3A_1305 = arith.muli %arg1, %mul3A_1304 : i32
            %add3A_1306 = arith.constant 16 : i32
            %add3A_1307 = arith.addi %mul3A_1305, %add3A_1306 : i32
            %add3A_1308 = vector.broadcast %add3A_1307 : i32 to vector<16xi32>
            %add3A_1309 = arith.addi %add3A_1308, %iota3A_1239 : vector<16xi32>
            %select_n3A_1310 = arith.select %lt3A_1293, %and3A_1303, %add3A_1309 : vector<16xi1>, vector<16xi32>
            %swap3A_1311 = arith.index_cast %scan3A_1232 : i32 to index
            %swap3A_1312 = arith.constant 16 : index
            %swap3A_1313 = tpu.vector_load %arg14[%swap3A_1311, %swap3A_1312] {strides = array<i32>} : memref<8x128xi32, #tpu.memory_space<vmem>>, vector<1x16xi32>,
            %swap3A_1314 = vector.shape_cast %swap3A_1313 : vector<1x16xi32> to vector<16xi32>
            %swap3A_1315 = vector.shape_cast %select_n3A_1300 : vector<16xi32> to vector<1x16xi32>
            tpu.vector_store %arg14[%swap3A_1311, %swap3A_1312], %swap3A_1315 {strides = array<i32>} : memref<8x128xi32, #tpu.memory_space<vmem>>, vector<1x16xi32>,
            %swap3A_1316 = arith.index_cast %scan3A_1232 : i32 to index
            %swap3A_1317 = arith.constant 16 : index
            %swap3A_1318 = tpu.vector_load %arg15[%swap3A_1316, %swap3A_1317] {strides = array<i32>} : memref<8x128xi32, #tpu.memory_space<vmem>>, vector<1x16xi32>,
            %swap3A_1319 = vector.shape_cast %swap3A_1318 : vector<1x16xi32> to vector<16xi32>
            %swap3A_1320 = vector.shape_cast %select_n3A_1310 : vector<16xi32> to vector<1x16xi32>
            tpu.vector_store %arg15[%swap3A_1316, %swap3A_1317], %swap3A_1320 {strides = array<i32>} : memref<8x128xi32, #tpu.memory_space<vmem>>, vector<1x16xi32>,
            %mul3A_1321 = arith.constant 128 : i32
            %mul3A_1322 = arith.muli %add3A_1235, %mul3A_1321 : i32
            %add3A_1323 = arith.constant 32 : i32
            %add3A_1324 = arith.addi %mul3A_1322, %add3A_1323 : i32
            %get3A_1325 = arith.constant 32 : index
            %get3A_1326 = tpu.vector_load %arg11[%get3A_1325] {strides = array<i32>} : memref<128xi32, #tpu.memory_space<vmem>>, vector<16xi32>,
            %get3A_1327 = vector.shape_cast %get3A_1326 : vector<16xi32> to vector<16xi32>
            %bitcast_convert_type3A_1328 = tpu.bitcast %get3A_1327 : vector<16xi32> -> vector<16xi32>
            %add3A_1329 = vector.broadcast %add3A_1324 : i32 to vector<16xi32>
            %add3A_1330 = arith.addi %add3A_1329, %iota3A_1239 : vector<16xi32>
            %lt3A_1331 = vector.broadcast %get3A_1035 : i32 to vector<16xi32>
            %lt3A_1332 = arith.cmpi slt, %add3A_1330, %lt3A_1331 : vector<16xi32>
            %shift_right_logical3A_1333 = arith.constant 18 : i32
            %shift_right_logical3A_1334 = vector.broadcast %shift_right_logical3A_1333 : i32 to vector<16xi32>
            %shift_right_logical3A_1335 = arith.shrui %bitcast_convert_type3A_1328, %shift_right_logical3A_1334 : vector<16xi32>
            %add3A_1336 = arith.constant 10008 : i32
            %add3A_1337 = arith.addi %add3A_1336, %arg1 : i32
            %broadcast_in_dim3A_1338 = vector.broadcast %add3A_1337 : i32 to vector<16xi32>
            %select_n3A_1339 = arith.select %lt3A_1332, %shift_right_logical3A_1335, %broadcast_in_dim3A_1338 : vector<16xi1>, vector<16xi32>
            %and3A_1340 = arith.constant 262143 : i32
            %and3A_1341 = vector.broadcast %and3A_1340 : i32 to vector<16xi32>
            %and3A_1342 = arith.andi %bitcast_convert_type3A_1328, %and3A_1341 : vector<16xi32>
            %mul3A_1343 = arith.constant 12800 : i32
            %mul3A_1344 = arith.muli %arg1, %mul3A_1343 : i32
            %add3A_1345 = arith.constant 32 : i32
            %add3A_1346 = arith.addi %mul3A_1344, %add3A_1345 : i32
            %add3A_1347 = vector.broadcast %add3A_1346 : i32 to vector<16xi32>
            %add3A_1348 = arith.addi %add3A_1347, %iota3A_1239 : vector<16xi32>
            %select_n3A_1349 = arith.select %lt3A_1332, %and3A_1342, %add3A_1348 : vector<16xi1>, vector<16xi32>
            %swap3A_1350 = arith.index_cast %scan3A_1232 : i32 to index
            %swap3A_1351 = arith.constant 32 : index
            %swap3A_1352 = tpu.vector_load %arg14[%swap3A_1350, %swap3A_1351] {strides = array<i32>} : memref<8x128xi32, #tpu.memory_space<vmem>>, vector<1x16xi32>,
            %swap3A_1353 = vector.shape_cast %swap3A_1352 : vector<1x16xi32> to vector<16xi32>
            %swap3A_1354 = vector.shape_cast %select_n3A_1339 : vector<16xi32> to vector<1x16xi32>
            tpu.vector_store %arg14[%swap3A_1350, %swap3A_1351], %swap3A_1354 {strides = array<i32>} : memref<8x128xi32, #tpu.memory_space<vmem>>, vector<1x16xi32>,
            %swap3A_1355 = arith.index_cast %scan3A_1232 : i32 to index
            %swap3A_1356 = arith.constant 32 : index
            %swap3A_1357 = tpu.vector_load %arg15[%swap3A_1355, %swap3A_1356] {strides = array<i32>} : memref<8x128xi32, #tpu.memory_space<vmem>>, vector<1x16xi32>,
            %swap3A_1358 = vector.shape_cast %swap3A_1357 : vector<1x16xi32> to vector<16xi32>
            %swap3A_1359 = vector.shape_cast %select_n3A_1349 : vector<16xi32> to vector<1x16xi32>
            tpu.vector_store %arg15[%swap3A_1355, %swap3A_1356], %swap3A_1359 {strides = array<i32>} : memref<8x128xi32, #tpu.memory_space<vmem>>, vector<1x16xi32>,
            %mul3A_1360 = arith.constant 128 : i32
            %mul3A_1361 = arith.muli %add3A_1235, %mul3A_1360 : i32
            %add3A_1362 = arith.constant 48 : i32
            %add3A_1363 = arith.addi %mul3A_1361, %add3A_1362 : i32
            %get3A_1364 = arith.constant 48 : index
            %get3A_1365 = tpu.vector_load %arg11[%get3A_1364] {strides = array<i32>} : memref<128xi32, #tpu.memory_space<vmem>>, vector<16xi32>,
            %get3A_1366 = vector.shape_cast %get3A_1365 : vector<16xi32> to vector<16xi32>
            %bitcast_convert_type3A_1367 = tpu.bitcast %get3A_1366 : vector<16xi32> -> vector<16xi32>
            %add3A_1368 = vector.broadcast %add3A_1363 : i32 to vector<16xi32>
            %add3A_1369 = arith.addi %add3A_1368, %iota3A_1239 : vector<16xi32>
            %lt3A_1370 = vector.broadcast %get3A_1035 : i32 to vector<16xi32>
            %lt3A_1371 = arith.cmpi slt, %add3A_1369, %lt3A_1370 : vector<16xi32>
            %shift_right_logical3A_1372 = arith.constant 18 : i32
            %shift_right_logical3A_1373 = vector.broadcast %shift_right_logical3A_1372 : i32 to vector<16xi32>
            %shift_right_logical3A_1374 = arith.shrui %bitcast_convert_type3A_1367, %shift_right_logical3A_1373 : vector<16xi32>
            %add3A_1375 = arith.constant 10008 : i32
            %add3A_1376 = arith.addi %add3A_1375, %arg1 : i32
            %broadcast_in_dim3A_1377 = vector.broadcast %add3A_1376 : i32 to vector<16xi32>
            %select_n3A_1378 = arith.select %lt3A_1371, %shift_right_logical3A_1374, %broadcast_in_dim3A_1377 : vector<16xi1>, vector<16xi32>
            %and3A_1379 = arith.constant 262143 : i32
            %and3A_1380 = vector.broadcast %and3A_1379 : i32 to vector<16xi32>
            %and3A_1381 = arith.andi %bitcast_convert_type3A_1367, %and3A_1380 : vector<16xi32>
            %mul3A_1382 = arith.constant 12800 : i32
            %mul3A_1383 = arith.muli %arg1, %mul3A_1382 : i32
            %add3A_1384 = arith.constant 48 : i32
            %add3A_1385 = arith.addi %mul3A_1383, %add3A_1384 : i32
            %add3A_1386 = vector.broadcast %add3A_1385 : i32 to vector<16xi32>
            %add3A_1387 = arith.addi %add3A_1386, %iota3A_1239 : vector<16xi32>
            %select_n3A_1388 = arith.select %lt3A_1371, %and3A_1381, %add3A_1387 : vector<16xi1>, vector<16xi32>
            %swap3A_1389 = arith.index_cast %scan3A_1232 : i32 to index
            %swap3A_1390 = arith.constant 48 : index
            %swap3A_1391 = tpu.vector_load %arg14[%swap3A_1389, %swap3A_1390] {strides = array<i32>} : memref<8x128xi32, #tpu.memory_space<vmem>>, vector<1x16xi32>,
            %swap3A_1392 = vector.shape_cast %swap3A_1391 : vector<1x16xi32> to vector<16xi32>
            %swap3A_1393 = vector.shape_cast %select_n3A_1378 : vector<16xi32> to vector<1x16xi32>
            tpu.vector_store %arg14[%swap3A_1389, %swap3A_1390], %swap3A_1393 {strides = array<i32>} : memref<8x128xi32, #tpu.memory_space<vmem>>, vector<1x16xi32>,
            %swap3A_1394 = arith.index_cast %scan3A_1232 : i32 to index
            %swap3A_1395 = arith.constant 48 : index
            %swap3A_1396 = tpu.vector_load %arg15[%swap3A_1394, %swap3A_1395] {strides = array<i32>} : memref<8x128xi32, #tpu.memory_space<vmem>>, vector<1x16xi32>,
            %swap3A_1397 = vector.shape_cast %swap3A_1396 : vector<1x16xi32> to vector<16xi32>
            %swap3A_1398 = vector.shape_cast %select_n3A_1388 : vector<16xi32> to vector<1x16xi32>
            tpu.vector_store %arg15[%swap3A_1394, %swap3A_1395], %swap3A_1398 {strides = array<i32>} : memref<8x128xi32, #tpu.memory_space<vmem>>, vector<1x16xi32>,
            %mul3A_1399 = arith.constant 128 : i32
            %mul3A_1400 = arith.muli %add3A_1235, %mul3A_1399 : i32
            %add3A_1401 = arith.constant 64 : i32
            %add3A_1402 = arith.addi %mul3A_1400, %add3A_1401 : i32
            %get3A_1403 = arith.constant 64 : index
            %get3A_1404 = tpu.vector_load %arg11[%get3A_1403] {strides = array<i32>} : memref<128xi32, #tpu.memory_space<vmem>>, vector<16xi32>,
            %get3A_1405 = vector.shape_cast %get3A_1404 : vector<16xi32> to vector<16xi32>
            %bitcast_convert_type3A_1406 = tpu.bitcast %get3A_1405 : vector<16xi32> -> vector<16xi32>
            %add3A_1407 = vector.broadcast %add3A_1402 : i32 to vector<16xi32>
            %add3A_1408 = arith.addi %add3A_1407, %iota3A_1239 : vector<16xi32>
            %lt3A_1409 = vector.broadcast %get3A_1035 : i32 to vector<16xi32>
            %lt3A_1410 = arith.cmpi slt, %add3A_1408, %lt3A_1409 : vector<16xi32>
            %shift_right_logical3A_1411 = arith.constant 18 : i32
            %shift_right_logical3A_1412 = vector.broadcast %shift_right_logical3A_1411 : i32 to vector<16xi32>
            %shift_right_logical3A_1413 = arith.shrui %bitcast_convert_type3A_1406, %shift_right_logical3A_1412 : vector<16xi32>
            %add3A_1414 = arith.constant 10008 : i32
            %add3A_1415 = arith.addi %add3A_1414, %arg1 : i32
            %broadcast_in_dim3A_1416 = vector.broadcast %add3A_1415 : i32 to vector<16xi32>
            %select_n3A_1417 = arith.select %lt3A_1410, %shift_right_logical3A_1413, %broadcast_in_dim3A_1416 : vector<16xi1>, vector<16xi32>
            %and3A_1418 = arith.constant 262143 : i32
            %and3A_1419 = vector.broadcast %and3A_1418 : i32 to vector<16xi32>
            %and3A_1420 = arith.andi %bitcast_convert_type3A_1406, %and3A_1419 : vector<16xi32>
            %mul3A_1421 = arith.constant 12800 : i32
            %mul3A_1422 = arith.muli %arg1, %mul3A_1421 : i32
            %add3A_1423 = arith.constant 64 : i32
            %add3A_1424 = arith.addi %mul3A_1422, %add3A_1423 : i32
            %add3A_1425 = vector.broadcast %add3A_1424 : i32 to vector<16xi32>
            %add3A_1426 = arith.addi %add3A_1425, %iota3A_1239 : vector<16xi32>
            %select_n3A_1427 = arith.select %lt3A_1410, %and3A_1420, %add3A_1426 : vector<16xi1>, vector<16xi32>
            %swap3A_1428 = arith.index_cast %scan3A_1232 : i32 to index
            %swap3A_1429 = arith.constant 64 : index
            %swap3A_1430 = tpu.vector_load %arg14[%swap3A_1428, %swap3A_1429] {strides = array<i32>} : memref<8x128xi32, #tpu.memory_space<vmem>>, vector<1x16xi32>,
            %swap3A_1431 = vector.shape_cast %swap3A_1430 : vector<1x16xi32> to vector<16xi32>
            %swap3A_1432 = vector.shape_cast %select_n3A_1417 : vector<16xi32> to vector<1x16xi32>
            tpu.vector_store %arg14[%swap3A_1428, %swap3A_1429], %swap3A_1432 {strides = array<i32>} : memref<8x128xi32, #tpu.memory_space<vmem>>, vector<1x16xi32>,
            %swap3A_1433 = arith.index_cast %scan3A_1232 : i32 to index
            %swap3A_1434 = arith.constant 64 : index
            %swap3A_1435 = tpu.vector_load %arg15[%swap3A_1433, %swap3A_1434] {strides = array<i32>} : memref<8x128xi32, #tpu.memory_space<vmem>>, vector<1x16xi32>,
            %swap3A_1436 = vector.shape_cast %swap3A_1435 : vector<1x16xi32> to vector<16xi32>
            %swap3A_1437 = vector.shape_cast %select_n3A_1427 : vector<16xi32> to vector<1x16xi32>
            tpu.vector_store %arg15[%swap3A_1433, %swap3A_1434], %swap3A_1437 {strides = array<i32>} : memref<8x128xi32, #tpu.memory_space<vmem>>, vector<1x16xi32>,
            %mul3A_1438 = arith.constant 128 : i32
            %mul3A_1439 = arith.muli %add3A_1235, %mul3A_1438 : i32
            %add3A_1440 = arith.constant 80 : i32
            %add3A_1441 = arith.addi %mul3A_1439, %add3A_1440 : i32
            %get3A_1442 = arith.constant 80 : index
            %get3A_1443 = tpu.vector_load %arg11[%get3A_1442] {strides = array<i32>} : memref<128xi32, #tpu.memory_space<vmem>>, vector<16xi32>,
            %get3A_1444 = vector.shape_cast %get3A_1443 : vector<16xi32> to vector<16xi32>
            %bitcast_convert_type3A_1445 = tpu.bitcast %get3A_1444 : vector<16xi32> -> vector<16xi32>
            %add3A_1446 = vector.broadcast %add3A_1441 : i32 to vector<16xi32>
            %add3A_1447 = arith.addi %add3A_1446, %iota3A_1239 : vector<16xi32>
            %lt3A_1448 = vector.broadcast %get3A_1035 : i32 to vector<16xi32>
            %lt3A_1449 = arith.cmpi slt, %add3A_1447, %lt3A_1448 : vector<16xi32>
            %shift_right_logical3A_1450 = arith.constant 18 : i32
            %shift_right_logical3A_1451 = vector.broadcast %shift_right_logical3A_1450 : i32 to vector<16xi32>
            %shift_right_logical3A_1452 = arith.shrui %bitcast_convert_type3A_1445, %shift_right_logical3A_1451 : vector<16xi32>
            %add3A_1453 = arith.constant 10008 : i32
            %add3A_1454 = arith.addi %add3A_1453, %arg1 : i32
            %broadcast_in_dim3A_1455 = vector.broadcast %add3A_1454 : i32 to vector<16xi32>
            %select_n3A_1456 = arith.select %lt3A_1449, %shift_right_logical3A_1452, %broadcast_in_dim3A_1455 : vector<16xi1>, vector<16xi32>
            %and3A_1457 = arith.constant 262143 : i32
            %and3A_1458 = vector.broadcast %and3A_1457 : i32 to vector<16xi32>
            %and3A_1459 = arith.andi %bitcast_convert_type3A_1445, %and3A_1458 : vector<16xi32>
            %mul3A_1460 = arith.constant 12800 : i32
            %mul3A_1461 = arith.muli %arg1, %mul3A_1460 : i32
            %add3A_1462 = arith.constant 80 : i32
            %add3A_1463 = arith.addi %mul3A_1461, %add3A_1462 : i32
            %add3A_1464 = vector.broadcast %add3A_1463 : i32 to vector<16xi32>
            %add3A_1465 = arith.addi %add3A_1464, %iota3A_1239 : vector<16xi32>
            %select_n3A_1466 = arith.select %lt3A_1449, %and3A_1459, %add3A_1465 : vector<16xi1>, vector<16xi32>
            %swap3A_1467 = arith.index_cast %scan3A_1232 : i32 to index
            %swap3A_1468 = arith.constant 80 : index
            %swap3A_1469 = tpu.vector_load %arg14[%swap3A_1467, %swap3A_1468] {strides = array<i32>} : memref<8x128xi32, #tpu.memory_space<vmem>>, vector<1x16xi32>,
            %swap3A_1470 = vector.shape_cast %swap3A_1469 : vector<1x16xi32> to vector<16xi32>
            %swap3A_1471 = vector.shape_cast %select_n3A_1456 : vector<16xi32> to vector<1x16xi32>
            tpu.vector_store %arg14[%swap3A_1467, %swap3A_1468], %swap3A_1471 {strides = array<i32>} : memref<8x128xi32, #tpu.memory_space<vmem>>, vector<1x16xi32>,
            %swap3A_1472 = arith.index_cast %scan3A_1232 : i32 to index
            %swap3A_1473 = arith.constant 80 : index
            %swap3A_1474 = tpu.vector_load %arg15[%swap3A_1472, %swap3A_1473] {strides = array<i32>} : memref<8x128xi32, #tpu.memory_space<vmem>>, vector<1x16xi32>,
            %swap3A_1475 = vector.shape_cast %swap3A_1474 : vector<1x16xi32> to vector<16xi32>
            %swap3A_1476 = vector.shape_cast %select_n3A_1466 : vector<16xi32> to vector<1x16xi32>
            tpu.vector_store %arg15[%swap3A_1472, %swap3A_1473], %swap3A_1476 {strides = array<i32>} : memref<8x128xi32, #tpu.memory_space<vmem>>, vector<1x16xi32>,
            %mul3A_1477 = arith.constant 128 : i32
            %mul3A_1478 = arith.muli %add3A_1235, %mul3A_1477 : i32
            %add3A_1479 = arith.constant 96 : i32
            %add3A_1480 = arith.addi %mul3A_1478, %add3A_1479 : i32
            %get3A_1481 = arith.constant 96 : index
            %get3A_1482 = tpu.vector_load %arg11[%get3A_1481] {strides = array<i32>} : memref<128xi32, #tpu.memory_space<vmem>>, vector<16xi32>,
            %get3A_1483 = vector.shape_cast %get3A_1482 : vector<16xi32> to vector<16xi32>
            %bitcast_convert_type3A_1484 = tpu.bitcast %get3A_1483 : vector<16xi32> -> vector<16xi32>
            %add3A_1485 = vector.broadcast %add3A_1480 : i32 to vector<16xi32>
            %add3A_1486 = arith.addi %add3A_1485, %iota3A_1239 : vector<16xi32>
            %lt3A_1487 = vector.broadcast %get3A_1035 : i32 to vector<16xi32>
            %lt3A_1488 = arith.cmpi slt, %add3A_1486, %lt3A_1487 : vector<16xi32>
            %shift_right_logical3A_1489 = arith.constant 18 : i32
            %shift_right_logical3A_1490 = vector.broadcast %shift_right_logical3A_1489 : i32 to vector<16xi32>
            %shift_right_logical3A_1491 = arith.shrui %bitcast_convert_type3A_1484, %shift_right_logical3A_1490 : vector<16xi32>
            %add3A_1492 = arith.constant 10008 : i32
            %add3A_1493 = arith.addi %add3A_1492, %arg1 : i32
            %broadcast_in_dim3A_1494 = vector.broadcast %add3A_1493 : i32 to vector<16xi32>
            %select_n3A_1495 = arith.select %lt3A_1488, %shift_right_logical3A_1491, %broadcast_in_dim3A_1494 : vector<16xi1>, vector<16xi32>
            %and3A_1496 = arith.constant 262143 : i32
            %and3A_1497 = vector.broadcast %and3A_1496 : i32 to vector<16xi32>
            %and3A_1498 = arith.andi %bitcast_convert_type3A_1484, %and3A_1497 : vector<16xi32>
            %mul3A_1499 = arith.constant 12800 : i32
            %mul3A_1500 = arith.muli %arg1, %mul3A_1499 : i32
            %add3A_1501 = arith.constant 96 : i32
            %add3A_1502 = arith.addi %mul3A_1500, %add3A_1501 : i32
            %add3A_1503 = vector.broadcast %add3A_1502 : i32 to vector<16xi32>
            %add3A_1504 = arith.addi %add3A_1503, %iota3A_1239 : vector<16xi32>
            %select_n3A_1505 = arith.select %lt3A_1488, %and3A_1498, %add3A_1504 : vector<16xi1>, vector<16xi32>
            %swap3A_1506 = arith.index_cast %scan3A_1232 : i32 to index
            %swap3A_1507 = arith.constant 96 : index
            %swap3A_1508 = tpu.vector_load %arg14[%swap3A_1506, %swap3A_1507] {strides = array<i32>} : memref<8x128xi32, #tpu.memory_space<vmem>>, vector<1x16xi32>,
            %swap3A_1509 = vector.shape_cast %swap3A_1508 : vector<1x16xi32> to vector<16xi32>
            %swap3A_1510 = vector.shape_cast %select_n3A_1495 : vector<16xi32> to vector<1x16xi32>
            tpu.vector_store %arg14[%swap3A_1506, %swap3A_1507], %swap3A_1510 {strides = array<i32>} : memref<8x128xi32, #tpu.memory_space<vmem>>, vector<1x16xi32>,
            %swap3A_1511 = arith.index_cast %scan3A_1232 : i32 to index
            %swap3A_1512 = arith.constant 96 : index
            %swap3A_1513 = tpu.vector_load %arg15[%swap3A_1511, %swap3A_1512] {strides = array<i32>} : memref<8x128xi32, #tpu.memory_space<vmem>>, vector<1x16xi32>,
            %swap3A_1514 = vector.shape_cast %swap3A_1513 : vector<1x16xi32> to vector<16xi32>
            %swap3A_1515 = vector.shape_cast %select_n3A_1505 : vector<16xi32> to vector<1x16xi32>
            tpu.vector_store %arg15[%swap3A_1511, %swap3A_1512], %swap3A_1515 {strides = array<i32>} : memref<8x128xi32, #tpu.memory_space<vmem>>, vector<1x16xi32>,
            %mul3A_1516 = arith.constant 128 : i32
            %mul3A_1517 = arith.muli %add3A_1235, %mul3A_1516 : i32
            %add3A_1518 = arith.constant 112 : i32
            %add3A_1519 = arith.addi %mul3A_1517, %add3A_1518 : i32
            %get3A_1520 = arith.constant 112 : index
            %get3A_1521 = tpu.vector_load %arg11[%get3A_1520] {strides = array<i32>} : memref<128xi32, #tpu.memory_space<vmem>>, vector<16xi32>,
            %get3A_1522 = vector.shape_cast %get3A_1521 : vector<16xi32> to vector<16xi32>
            %bitcast_convert_type3A_1523 = tpu.bitcast %get3A_1522 : vector<16xi32> -> vector<16xi32>
            %add3A_1524 = vector.broadcast %add3A_1519 : i32 to vector<16xi32>
            %add3A_1525 = arith.addi %add3A_1524, %iota3A_1239 : vector<16xi32>
            %lt3A_1526 = vector.broadcast %get3A_1035 : i32 to vector<16xi32>
            %lt3A_1527 = arith.cmpi slt, %add3A_1525, %lt3A_1526 : vector<16xi32>
            %shift_right_logical3A_1528 = arith.constant 18 : i32
            %shift_right_logical3A_1529 = vector.broadcast %shift_right_logical3A_1528 : i32 to vector<16xi32>
            %shift_right_logical3A_1530 = arith.shrui %bitcast_convert_type3A_1523, %shift_right_logical3A_1529 : vector<16xi32>
            %add3A_1531 = arith.constant 10008 : i32
            %add3A_1532 = arith.addi %add3A_1531, %arg1 : i32
            %broadcast_in_dim3A_1533 = vector.broadcast %add3A_1532 : i32 to vector<16xi32>
            %select_n3A_1534 = arith.select %lt3A_1527, %shift_right_logical3A_1530, %broadcast_in_dim3A_1533 : vector<16xi1>, vector<16xi32>
            %and3A_1535 = arith.constant 262143 : i32
            %and3A_1536 = vector.broadcast %and3A_1535 : i32 to vector<16xi32>
            %and3A_1537 = arith.andi %bitcast_convert_type3A_1523, %and3A_1536 : vector<16xi32>
            %mul3A_1538 = arith.constant 12800 : i32
            %mul3A_1539 = arith.muli %arg1, %mul3A_1538 : i32
            %add3A_1540 = arith.constant 112 : i32
            %add3A_1541 = arith.addi %mul3A_1539, %add3A_1540 : i32
            %add3A_1542 = vector.broadcast %add3A_1541 : i32 to vector<16xi32>
            %add3A_1543 = arith.addi %add3A_1542, %iota3A_1239 : vector<16xi32>
            %select_n3A_1544 = arith.select %lt3A_1527, %and3A_1537, %add3A_1543 : vector<16xi1>, vector<16xi32>
            %swap3A_1545 = arith.index_cast %scan3A_1232 : i32 to index
            %swap3A_1546 = arith.constant 112 : index
            %swap3A_1547 = tpu.vector_load %arg14[%swap3A_1545, %swap3A_1546] {strides = array<i32>} : memref<8x128xi32, #tpu.memory_space<vmem>>, vector<1x16xi32>,
            %swap3A_1548 = vector.shape_cast %swap3A_1547 : vector<1x16xi32> to vector<16xi32>
            %swap3A_1549 = vector.shape_cast %select_n3A_1534 : vector<16xi32> to vector<1x16xi32>
            tpu.vector_store %arg14[%swap3A_1545, %swap3A_1546], %swap3A_1549 {strides = array<i32>} : memref<8x128xi32, #tpu.memory_space<vmem>>, vector<1x16xi32>,
            %swap3A_1550 = arith.index_cast %scan3A_1232 : i32 to index
            %swap3A_1551 = arith.constant 112 : index
            %swap3A_1552 = tpu.vector_load %arg15[%swap3A_1550, %swap3A_1551] {strides = array<i32>} : memref<8x128xi32, #tpu.memory_space<vmem>>, vector<1x16xi32>,
            %swap3A_1553 = vector.shape_cast %swap3A_1552 : vector<1x16xi32> to vector<16xi32>
            %swap3A_1554 = vector.shape_cast %select_n3A_1544 : vector<16xi32> to vector<1x16xi32>
            tpu.vector_store %arg15[%swap3A_1550, %swap3A_1551], %swap3A_1554 {strides = array<i32>} : memref<8x128xi32, #tpu.memory_space<vmem>>, vector<1x16xi32>,
          } else {
          }
        }
        %scan3A_1225 = arith.constant 8 : i32
        %scan3A_1226 = arith.constant 0 : i32
        %scan3A_1227 = arith.constant 0 : i32
        %scan3A_1228 = arith.constant 8 : i32
        %scan3A_1229 = arith.addi %scan3A_1227, %scan3A_1228 : i32
        %scan3A_1230 = arith.constant 1 : i32
        scf.for %scan3A_1232 = %scan3A_1227 to %scan3A_1229 step %scan3A_1230  : i32 {
          %mul3A_1233 = arith.constant 8 : i32
          %mul3A_1234 = arith.muli %scan3A_1219, %mul3A_1233 : i32
          %add3A_1235 = arith.addi %mul3A_1234, %scan3A_1232 : i32
          %lt3A = arith.cmpi slt, %add3A_1235, %div3A_1044 : i32
          %convert_element_type3A_1236 = arith.extui %lt3A : i1 to i32
          %cond3A_1237 = arith.constant 0 : i32
          %cond3A_1238 = arith.cmpi ne, %convert_element_type3A_1236, %cond3A_1237 : i32
          scf.if %cond3A_1238 {
            %dma_start3A_1239 = arith.constant 0 : i32
            %dma_start3A_1240 = tpu.memref_slice %arg15[%scan3A_1232, %dma_start3A_1239] : memref<8x128xi32, #tpu.memory_space<vmem>> -> memref<1x128xi32, #tpu.memory_space<vmem>>
            %dma_start3A_1241 = tpu.memref_squeeze %dma_start3A_1240 : memref<1x128xi32, #tpu.memory_space<vmem>> -> memref<128xi32, #tpu.memory_space<vmem>>
            %dma_start3A_1242 = arith.constant 0 : i32
            %dma_start3A_1243 = arith.constant 0 : i32
            %dma_start3A_1244 = tpu.memref_slice %arg2[%dma_start3A_1242, %dma_start3A_1243] : memref<204800x128xf32, #tpu.memory_space<hbm>> -> memref<204800x128xf32, #tpu.memory_space<hbm>>
            tpu.enqueue_indirect_dma source(%dma_start3A_1244 : memref<204800x128xf32, #tpu.memory_space<hbm>>) target(%arg16 : memref<128x128xf32, #tpu.memory_space<vmem>>) offsets(%dma_start3A_1241 : memref<128xi32, #tpu.memory_space<vmem>>) semaphore(%arg23 : memref<!tpu.dma_semaphore, #tpu.memory_space<semaphore_mem>>)
            %dma_wait3A_1245 = arith.constant 0 : i32
            %dma_wait3A_1246 = tpu.memref_slice %arg15[%scan3A_1232, %dma_wait3A_1245] : memref<8x128xi32, #tpu.memory_space<vmem>> -> memref<1x128xi32, #tpu.memory_space<vmem>>
            %dma_wait3A_1247 = tpu.memref_squeeze %dma_wait3A_1246 : memref<1x128xi32, #tpu.memory_space<vmem>> -> memref<128xi32, #tpu.memory_space<vmem>>
            %dma_wait3A_1248 = arith.constant 0 : i32
            %dma_wait3A_1249 = arith.constant 0 : i32
            %dma_wait3A_1250 = tpu.memref_slice %arg2[%dma_wait3A_1248, %dma_wait3A_1249] : memref<204800x128xf32, #tpu.memory_space<hbm>> -> memref<204800x128xf32, #tpu.memory_space<hbm>>
            tpu.wait_indirect_dma semaphore(%arg23 : memref<!tpu.dma_semaphore, #tpu.memory_space<semaphore_mem>>) src(%dma_wait3A_1250 : memref<204800x128xf32, #tpu.memory_space<hbm>>) dst(%arg16 : memref<128x128xf32, #tpu.memory_space<vmem>>)
            "tpu.region"() ({
              %run_scoped3A = tpu.sem_alloc : memref<!tpu.dma_semaphore, #tpu.memory_space<semaphore_mem>>
              %dma_start3A_1251 = arith.constant 0 : i32
              %dma_start3A_1252 = tpu.memref_slice %arg14[%scan3A_1232, %dma_start3A_1251] : memref<8x128xi32, #tpu.memory_space<vmem>> -> memref<1x128xi32, #tpu.memory_space<vmem>>
              %dma_start3A_1253 = tpu.memref_squeeze %dma_start3A_1252 : memref<1x128xi32, #tpu.memory_space<vmem>> -> memref<128xi32, #tpu.memory_space<vmem>>
              %dma_start3A_1254 = arith.constant 0 : i32
              %dma_start3A_1255 = arith.constant 0 : i32
              %dma_start3A_1256 = tpu.memref_slice %arg19[%dma_start3A_1254, %dma_start3A_1255] : memref<10240x128xf32, #tpu.memory_space<vmem_shared>> -> memref<10240x128xf32, #tpu.memory_space<vmem_shared>>
              tpu.enqueue_indirect_dma source(%arg16 : memref<128x128xf32, #tpu.memory_space<vmem>>) target(%dma_start3A_1256 : memref<10240x128xf32, #tpu.memory_space<vmem_shared>>) offsets(%dma_start3A_1253 : memref<128xi32, #tpu.memory_space<vmem>>) semaphore(%run_scoped3A : memref<!tpu.dma_semaphore, #tpu.memory_space<semaphore_mem>>) {add = true}
              %dma_wait3A_1257 = arith.constant 0 : i32
              %dma_wait3A_1258 = tpu.memref_slice %arg14[%scan3A_1232, %dma_wait3A_1257] : memref<8x128xi32, #tpu.memory_space<vmem>> -> memref<1x128xi32, #tpu.memory_space<vmem>>
              %dma_wait3A_1259 = tpu.memref_squeeze %dma_wait3A_1258 : memref<1x128xi32, #tpu.memory_space<vmem>> -> memref<128xi32, #tpu.memory_space<vmem>>
              %dma_wait3A_1260 = arith.constant 0 : i32
              %dma_wait3A_1261 = arith.constant 0 : i32
              %dma_wait3A_1262 = tpu.memref_slice %arg19[%dma_wait3A_1260, %dma_wait3A_1261] : memref<10240x128xf32, #tpu.memory_space<vmem_shared>> -> memref<10240x128xf32, #tpu.memory_space<vmem_shared>>
              tpu.wait_indirect_dma semaphore(%run_scoped3A : memref<!tpu.dma_semaphore, #tpu.memory_space<semaphore_mem>>) src(%arg16 : memref<128x128xf32, #tpu.memory_space<vmem>>) dst(%dma_wait3A_1262 : memref<10240x128xf32, #tpu.memory_space<vmem_shared>>)
              tpu.yield
            }) : () -> ()
          } else {
          }
        }
        %scan3A_1231 = arith.constant 8 : i32
      }
      %scan3A_1209 = arith.constant 13 : i32
      %barrier3A_1210 = arith.constant 0 : index
      tpu.barrier barrier_id(%barrier3A_1210)
      %mul3A_1211 = arith.constant 624 : i32
      %mul3A_1212 = arith.muli %arg1, %mul3A_1211 : i32
      %mul3A_1213 = arith.constant 624 : i32
      %mul3A_1214 = arith.muli %arg1, %mul3A_1213 : i32
      %add3A_1215 = arith.addi %mul3A_1040, %mul3A_1214 : i32
      "tpu.region"() ({
        %run_scoped3A = tpu.sem_alloc : memref<!tpu.dma_semaphore, #tpu.memory_space<semaphore_mem>>
        %dma_start3A_1219 = arith.constant 0 : i32
        %dma_start3A_1220 = tpu.memref_slice %arg5[%add3A_1215, %dma_start3A_1219] : memref<100000x128xf32, #tpu.memory_space<hbm>> -> memref<624x128xf32, #tpu.memory_space<hbm>>
        %dma_start3A_1221 = arith.constant 0 : i32
        %dma_start3A_1222 = tpu.memref_slice %arg19[%mul3A_1212, %dma_start3A_1221] : memref<10240x128xf32, #tpu.memory_space<vmem_shared>> -> memref<624x128xf32, #tpu.memory_space<vmem_shared>>
        tpu.enqueue_dma source(%dma_start3A_1222 : memref<624x128xf32, #tpu.memory_space<vmem_shared>>) target(%dma_start3A_1220 : memref<624x128xf32, #tpu.memory_space<hbm>>) target_semaphore(%run_scoped3A : memref<!tpu.dma_semaphore, #tpu.memory_space<semaphore_mem>>)
        %dma_wait3A_1223 = arith.constant 0 : i32
        %dma_wait3A_1224 = tpu.memref_slice %arg5[%add3A_1215, %dma_wait3A_1223] : memref<100000x128xf32, #tpu.memory_space<hbm>> -> memref<624x128xf32, #tpu.memory_space<hbm>>
        %dma_wait3A_1225 = arith.constant 0 : i32
        %dma_wait3A_1226 = tpu.memref_slice %arg19[%mul3A_1212, %dma_wait3A_1225] : memref<10240x128xf32, #tpu.memory_space<vmem_shared>> -> memref<624x128xf32, #tpu.memory_space<vmem_shared>>
        tpu.wait_dma2 semaphore(%run_scoped3A : memref<!tpu.dma_semaphore, #tpu.memory_space<semaphore_mem>>) src(%dma_wait3A_1226 : memref<624x128xf32, #tpu.memory_space<vmem_shared>>) dst(%dma_wait3A_1224 : memref<624x128xf32, #tpu.memory_space<hbm>>)
        tpu.yield
      }) : () -> ()
      %eq3A_1216 = arith.constant 0 : i32
      %eq3A_1217 = arith.cmpi eq, %arg1, %eq3A_1216 : i32
      %convert_element_type3A = arith.extui %eq3A_1217 : i1 to i32
      %cond3A = arith.constant 0 : i32
      %cond3A_1218 = arith.cmpi ne, %convert_element_type3A, %cond3A : i32
      scf.if %cond3A_1218 {
        %add3A_1219 = arith.constant 9984 : i32
        %add3A_1220 = arith.addi %mul3A_1040, %add3A_1219 : i32
        "tpu.region"() ({
          %run_scoped3A = tpu.sem_alloc : memref<!tpu.dma_semaphore, #tpu.memory_space<semaphore_mem>>
          %dma_start3A_1221 = arith.constant 0 : i32
          %dma_start3A_1222 = tpu.memref_slice %arg5[%add3A_1220, %dma_start3A_1221] : memref<100000x128xf32, #tpu.memory_space<hbm>> -> memref<16x128xf32, #tpu.memory_space<hbm>>
          %dma_start3A_1223 = arith.constant 9984 : i32
          %dma_start3A_1224 = arith.constant 0 : i32
          %dma_start3A_1225 = tpu.memref_slice %arg19[%dma_start3A_1223, %dma_start3A_1224] : memref<10240x128xf32, #tpu.memory_space<vmem_shared>> -> memref<16x128xf32, #tpu.memory_space<vmem_shared>>
          tpu.enqueue_dma source(%dma_start3A_1225 : memref<16x128xf32, #tpu.memory_space<vmem_shared>>) target(%dma_start3A_1222 : memref<16x128xf32, #tpu.memory_space<hbm>>) target_semaphore(%run_scoped3A : memref<!tpu.dma_semaphore, #tpu.memory_space<semaphore_mem>>)
          %dma_wait3A_1226 = arith.constant 0 : i32
          %dma_wait3A_1227 = tpu.memref_slice %arg5[%add3A_1220, %dma_wait3A_1226] : memref<100000x128xf32, #tpu.memory_space<hbm>> -> memref<16x128xf32, #tpu.memory_space<hbm>>
          %dma_wait3A_1228 = arith.constant 9984 : i32
          %dma_wait3A_1229 = arith.constant 0 : i32
          %dma_wait3A_1230 = tpu.memref_slice %arg19[%dma_wait3A_1228, %dma_wait3A_1229] : memref<10240x128xf32, #tpu.memory_space<vmem_shared>> -> memref<16x128xf32, #tpu.memory_space<vmem_shared>>
          tpu.wait_dma2 semaphore(%run_scoped3A : memref<!tpu.dma_semaphore, #tpu.memory_space<semaphore_mem>>) src(%dma_wait3A_1230 : memref<16x128xf32, #tpu.memory_space<vmem_shared>>) dst(%dma_wait3A_1227 : memref<16x128xf32, #tpu.memory_space<hbm>>)
          tpu.yield
        }) : () -> ()
      } else {
      }
    }
    %scan3A_1030 = arith.constant 5 : i32
    return
  }
}

</mosaic_0001>

<sc_bundles>
// kernel: kernel.3.cloned.1.call-start
scs
__scs_entry_jumppad:
0x0: {  	(pc) =	sbr.rel $0x88, $3  }
0x1: {  	(tag) =	ssettag $0x0;
	lr =	simm.s32 $0x1  }
0x2: {  	[smem:$0x3F9E] =	sst lr;
	_ =	strace $0xD0000000  }
0x3: {  	_ = 	snop  }
0x4: {  	_ = 	snop  }
0x5: {  	_ = 	snop  }
0x6: {  	_ = 	snop  }
0x7: {  	_ = 	snop  }
__scs_overlays_trampoline_lowered:
0x8: {  	[smem:$0x3FAD] =	sst s0  }
0x9: {  	[smem:$0x3FAE] =	sst s1  }
0xa: {  	[smem:$0x3FAF] =	sst s2  }
0xb: {  	[smem:$0x3FB0] =	sst s3  }
0xc: {  	[smem:$0x3FB1] =	sst s4  }
0xd: {  	[smem:$0x3FB2] =	sst s5  }
0xe: {  	[smem:$0x3FB3] =	sst s6  }
0xf: {  	[smem:$0x3FB4] =	sst s7  }
0x10: {  	[smem:$0x3FB5] =	sst s8  }
0x11: {  	[smem:$0x3FB6] =	sst s9;
	s0 =	simm.s32 @!p0 $0x0  }
0x12: {  	s1 =	sld [smem:$0x3F9C];
	s0 =	simm.s32 @p0 $0x1  }
0x13: {  	[smem:$0x3FB7] =	sst s0;
	s0 =	simm.s32 @!p1 $0x0  }
0x14: {  	s2 =	sld [smem:$0x3F9B];
	s0 =	simm.s32 @p1 $0x1  }
0x15: {  	[smem:$0x3FB8] =	sst s0;
	s0 =	simm.s32 @!p2 $0x0  }
0x16: {  	s3 =	sld [smem:$0x3FDB];
	s0 =	simm.s32 @p2 $0x1  }
0x17: {  	s4 =	simm.s32 $0x1BF5;
	[smem:$0x3FBA] =	sst s0  }
0x18: {  	s0 =	sld [smem:$0x3F9D];
	_ =	swait.ge [sflag:s4], $0x0  }
0x19: {  	s7 =	sld [smem:$0x3F9E]  }
0x1a: {  	s8 =	sadd.s32 $0xFFFFE003, lr  }
0x1b: {  	s9 =	sadd.s32 $0xFFFFFEF7, lr;
	s5 =	simm.s32 $0xFFFFFFFF;
	p2 =	slt.u32 s8, $0xFFFFF086  }
0x1c: {  	p1 =	slt.u32 s9, $0xF7A;
	s5 =	simm.s32 @!p2 $0x0  }
0x1d: {  	s5 =	simm.s32 @p1 $0x1;
	p0 =	seq.s32 s7, s2  }
0x1e: {  	s7 =	smul.u32 @!p0 $0xF7A, s2;
	p2 =	seq.s32 @!p0 s5, $0x0  }
0x1f: {  	s9 =	smul.u32 $0xF7A, s1;
	s8 =	simm.s32 @!p0 $0x1BF5;
	p2 =	por !p2, p0  }
0x20: {  	[sflag:s8] =	ssyncset.s32 @!p0 $0xFFFFF086;
	s6 =	sadd.s32 @!p0 s3, s7;
	s7 =	simm.s32 @!p0 $0x108  }
0x21: {  	s3 =	sadd.s32 s3, s9;
	s6 =	sadd.s32 @!p0 $0x88, s6;
	s7 =	simm.s32 @p2 $0x1082  }
0x22: {  	[simem:s7], [sflag:s8] =	dma.local @!p0 [hbm:s6], $0xF7A  }
0x23: {  	s9 =	sor.u32 $0xD0000000, s2;
	s6 =	simm.s32 $0x108;
	_ =	swait.ge @!p0 [sflag:s8], $0x0  }
0x24: {  	s3 =	sadd.s32 $0x88, s3;
	s6 =	simm.s32 @!p1 $0x1082;
	[sflag:s4] =	ssyncset.s32 $0xFFFFF086  }
0x25: {  	[simem:s6], [sflag:s4] =	dma.local [hbm:s3], $0xF7A  }
0x26: {  	[smem:$0x3F9E] =	sst s1;
	(tag) =	ssettag s2;
	_ =	strace s9  }
0x27: {  	s1 =	sld [smem:$0x3FAE]  }
0x28: {  	s2 =	sld [smem:$0x3FAF]  }
0x29: {  	s4 =	sld [smem:$0x3FB1]  }
0x2a: {  	p0 =	seq.s32 s5, $0x0;
	s5 =	sld [smem:$0x3FB2]  }
0x2b: {  	s6 =	sld [smem:$0x3FB3]  }
0x2c: {  	s7 =	sld [smem:$0x3FB4]  }
0x2d: {  	s3 =	simm.s32 $0x108;
	s8 =	sld [smem:$0x3FB5]  }
0x2e: {  	s3 =	simm.s32 @!p0 $0x1082;
	s9 =	sld [smem:$0x3FB6]  }
0x2f: {  	lr =	sadd.s32 s0, s3;
	s0 =	sld [smem:$0x3FAD]  }
0x30: {  	s3 =	sld [smem:$0x3FB0]  }
0x31: {  	[smem:$0x3FB9] =	sst s10  }
0x32: {  	s10 =	sld [smem:$0x3FB7];
	_ =	sdelay $0x3  }
0x33: {  	p0 =	seq.s32 s10, $0x1;
	s10 =	sld [smem:$0x3FB9];
	_ =	sdelay $0x3  }
0x34: {  	[smem:$0x3FB9] =	sst s10  }
0x35: {  	s10 =	sld [smem:$0x3FB8];
	_ =	sdelay $0x3  }
0x36: {  	p1 =	seq.s32 s10, $0x1;
	s10 =	sld [smem:$0x3FB9];
	_ =	sdelay $0x3  }
0x37: {  	[smem:$0x3FB9] =	sst s10  }
0x38: {  	s10 =	sld [smem:$0x3FBA]  }
0x39: {  	_ = 	snop;
	(pc) =	sbr.ind lr, $3  }
0x3a: {  	_ = 	snop  }
0x3b: {  	_ = 	snop  }
0x3c: {  	p2 =	seq.s32 s10, $0x1;
	s10 =	sld [smem:$0x3FB9]  }
0x3d: {  	_ =	shalt  }
0x3e: {  	_ =	shalt  }
0x3f: {  	_ =	shalt  }
0x40: {  	_ =	shalt  }
0x41: {  	_ =	shalt  }
0x42: {  	_ =	shalt  }
0x43: {  	_ =	shalt  }
0x44: {  	_ =	shalt  }
0x45: {  	_ =	shalt  }
0x46: {  	_ =	shalt  }
0x47: {  	_ =	shalt  }
0x48: {  	_ =	shalt  }
0x49: {  	_ =	shalt  }
0x4a: {  	_ =	shalt  }
0x4b: {  	_ =	shalt  }
0x4c: {  	_ =	shalt  }
0x4d: {  	_ =	shalt  }
0x4e: {  	_ =	shalt  }
0x4f: {  	_ =	shalt  }
0x50: {  	_ =	shalt  }
0x51: {  	_ =	shalt  }
0x52: {  	_ =	shalt  }
0x53: {  	_ =	shalt  }
0x54: {  	_ =	shalt  }
0x55: {  	_ =	shalt  }
0x56: {  	_ =	shalt  }
0x57: {  	_ =	shalt  }
0x58: {  	_ =	shalt  }
0x59: {  	_ =	shalt  }
0x5a: {  	_ =	shalt  }
0x5b: {  	_ =	shalt  }
0x5c: {  	_ =	shalt  }
0x5d: {  	_ =	shalt  }
0x5e: {  	_ =	shalt  }
0x5f: {  	_ =	shalt  }
0x60: {  	_ =	shalt  }
0x61: {  	_ =	shalt  }
0x62: {  	_ =	shalt  }
0x63: {  	_ =	shalt  }
0x64: {  	_ =	shalt  }
0x65: {  	_ =	shalt  }
0x66: {  	_ =	shalt  }
0x67: {  	_ =	shalt  }
0x68: {  	_ =	shalt  }
0x69: {  	_ =	shalt  }
0x6a: {  	_ =	shalt  }
0x6b: {  	_ =	shalt  }
0x6c: {  	_ =	shalt  }
0x6d: {  	_ =	shalt  }
0x6e: {  	_ =	shalt  }
0x6f: {  	_ =	shalt  }
0x70: {  	_ =	shalt  }
0x71: {  	_ =	shalt  }
0x72: {  	_ =	shalt  }
0x73: {  	_ =	shalt  }
0x74: {  	_ =	shalt  }
0x75: {  	_ =	shalt  }
0x76: {  	_ =	shalt  }
0x77: {  	_ =	shalt  }
0x78: {  	_ =	shalt  }
0x79: {  	_ =	shalt  }
0x7a: {  	_ =	shalt  }
0x7b: {  	_ =	shalt  }
0x7c: {  	_ =	shalt  }
0x7d: {  	_ =	shalt  }
0x7e: {  	_ =	shalt  }
0x7f: {  	_ =	shalt  }
0x80: {  	_ =	shalt  }
0x81: {  	_ =	shalt  }
0x82: {  	_ =	shalt  }
0x83: {  	_ =	shalt  }
0x84: {  	_ =	shalt  }
0x85: {  	_ =	shalt  }
0x86: {  	_ =	shalt  }
0x87: {  	_ =	shalt  }
.Lfunc_end0:
.L_simem_size_0:
called_computation_lowered:
.L_overlay_start_0:
0x88: {  	s2 =	sld [smem:$0x3FD9]  }
0x89: {  	s3 =	sld [smem:$0x3FFE];
	_ =	sdelay $0x1  }
0x8a: {  	s1 =	srdreg.scid  }
0x8b: {  	s0 =	sand.u32 $0x1, s1  }
0x8c: {  	s17 =	sshll.u32 s0, $0xA;
	s2 =	sadd.s32 s3, s2  }
0x8d: {  	s2 =	sadd.s32 s2, s17  }
0x8e: {  	[smem:$0x3FC5] =	sst s2  }
0x8f: {  	_ = 	snop  }
0x90: {  	s2 =	sld [smem:$0x3FD0];
	(tm) =	ssettm $0x1  }
0x91: {  	s18 =	sld [smem:$0x3FFB];
	_ =	sdelay $0x3  }
0x92: {  	_ =	strace s18  }
0x93: {  	s3 =	sld [smem:$0x3FFC];
	_ =	sdelay $0x3  }
0x94: {  	_ =	strace s3  }
0x95: {  	s3 =	sld [smem:$0x3FFD];
	_ =	sdelay $0x3  }
0x96: {  	_ =	strace s3  }
0x97: {  	_ =	strace $0x8FFFFFFF  }
0x98: {  	s19 =	sld [smem:$0x3FDB];
	_ =	sdelay $0x1  }
0x99: {  	s4 =	simm.s32 $_scs_section_size  }
0x9a: {  	s5 =	simm.s32 $_size__tile_overlayer_lowered;
	s6 =	simm.s32 $_tile_overlayer_lowered  }
0x9b: {  	s22 =	simm.s32 $0x1BFF;
	s21 =	sshll.u32 s6, $0x1;
	s3 =	sadd.s32 s4, s19  }
0x9c: {  	s7 =	simm.s32 $0x0;
	s20 =	sshll.u32 s5, $0x1;
	s5 =	sadd.s32 s21, s3  }
0x9d: {  	[timem:s7], [sflag:s22] =	dma.local [hbm:s5], s20  }
0x9e: {  	_ =	swait.ge [sflag:s22], s20  }
0x9f: {  	s4 =	ssub.s32 $0x0, s20;
	[sflag:s22] =	ssyncset.done $0x0  }
0xa0: {  	[sflag:s22] =	ssyncadd.s32 s4;
	_ =	sdelay $0x1  }
0xa1: {  	s23 =	simm.s32 $0x1B8B  }
0xa2: {  	_ =	swait.ge [sflag:s23], $0x1  }
0xa3: {  	[sflag:s23] =	ssyncset.done $0x0  }
0xa4: {  	s25 =	simm.s32 $0x1B8E;
	s24 =	sld [smem:$0x3FFE];
	[sflag:s23] =	ssyncadd.s32 $0xFFFFFFFF  }
0xa5: {  	s26 =	simm.s32 $execute0_lowered;
	[smem:$0x3FD2] =	sst s25  }
0xa6: {  	s5 =	sshll.u32 s26, $0x1;
	_ =	strace $0x80000046;
	[dreg:$0x1] =	wrdreg $0xFFFFFFFF  }
0xa7: {  	s28 =	simm.s32 $_size_execute0_lowered;
	s3 =	sadd.s32 s3, s5;
	[dreg:$0x0] =	wrdreg $0x0  }
0xa8: {  	s5 =	sshll.u32 s28, $0x1;
	[dreg:$0x2] =	wrdreg s3  }
0xa9: {  	[dreg:$0x3] =	wrdreg s5  }
0xaa: {  	[dreg:$0x4] =	wrdreg $0xC0  }
0xab: {  	_ =	task [dreg:s7], $0x5FFFF  }
0xac: {  	[dreg:$0x1] =	wrdreg $0xFFFFFFFF  }
0xad: {  	[dreg:$0x0] =	wrdreg $0x60  }
0xae: {  	[dreg:$0x2] =	wrdreg s24  }
0xaf: {  	[dreg:$0x3] =	wrdreg s2  }
0xb0: {  	[dreg:$0x4] =	wrdreg $0x8A800  }
0xb1: {  	[dreg:$0x5] =	wrdreg $0x1CA800  }
0xb2: {  	[dreg:$0x6] =	wrdreg $0x9  }
0xb3: {  	_ =	task.clear_ibuf [dreg:s7], $0x7FFFF;
	_ =	strace $0x90000046  }
0xb4: {  	s29 =	simm.s32 $0x9;
	_ =	strace $0x80000048  }
0xb5: {  	_ =	swait.ge [sflag:s29], $0x1  }
0xb6: {  	[sflag:s29] =	ssyncadd.s32 $0xFFFFFFFF  }
0xb7: {  	_ =	strace $0x90000048  }
0xb8: {  	_ =	sfence  }
0xb9: {  	s30 =	sld [smem:$0x0];
	_ =	sdelay $0x2  }
0xba: {  	s31 =	sshll.u32 s1, $0xD;
	s1 =	sshrl.u32 s1, $0x2  }
0xbb: {  	s3 =	sand.u32 $0x4000, s31;
	s1 =	sadd.s32 s1, s30  }
0xbc: {  	s0 =	sor.u32 s3, s0;
	s1 =	sshll.u32 s1, $0x11  }
0xbd: {  	s0 =	sor.u32 s1, s0  }
0xbe: {  	s0 =	sadd.s32 $0x8F2B, s0  }
0xbf: {  	[sflag:s0] =	ssyncadd.remote.s32 $0x1  }
0xc0: {  	_ =	sfence.sel $0xFFFF  }
0xc1: {  	[dreg:$0x0] =	wrdreg $0xFFFFFFFF;
	(pc) =	sbr.abs _section_cstart, $3  }
0xc2: {  	[dreg:$0x1] =	wrdreg $0xFFFFFFFF  }
0xc3: {  	_ =	task.clear_ibuf [dreg:s7], $0x2FFFF;
	_ =	strace $0x9FFFFFFF  }
0xc4: {  	(tm) =	ssettm $0x7FFFFFFF  }
0xc5: {  	_ =	shalt  }
tec
execute0_lowered:
.L_overlay_start_1:
0x0: {  	(tag) =	ssettag $0x1  }
0x1: {  	s0 =	rddreg [dreg:$0x0]  }
0x2: {  	s2 =	rddreg [dreg:$0x1]  }
0x3: {  	s5 =	rddreg [dreg:$0x2]  }
0x4: {  	s7 =	rddreg [dreg:$0x3];
	s9 =	stileid.u32  }
0x5: {  	s1 =	simm.s32 $0x0;
	s21 =	srdreg.scid;
	s3 =	smul.u32 $0x50000, s9  }
0x6: {  	[smem:$0x7FF] =	sst s1;
	s29 =	smul.u32 $0x3200, s9  }
0x7: {  	s24 =	sadd.s32 $0x380600, s0;
	s20 =	sadd.s32 $0x600, s0;
	s8 =	smul.u32 $0x32B0, s9  }
0x8: {  	s0 =	sadd.s32 $0x6A00, s0;
	s22 =	sand.u32 $0x1, s21;
	s11 =	smul.u32 $0xCAC0, s9  }
0x9: {  	s19 =	smul.u32 $0x4E000, s9;
	_ =	strace $0x80000047;
	[dreg:$0x6] =	wrdreg s20  }
0xa: {  	s12 =	sadd.s32 $0x2718, s9;
	s21 =	smul.u32 $0x2700, s9;
	[dreg:$0x7] =	wrdreg s0  }
0xb: {  	p0 =	sne.s32 s9, $0x0;
	s1 =	ssub.s32 $0x2, s22;
	[dreg:$0x5] =	wrdreg s24  }
0xc: {  	s28 =	smul.u32 $0x5, s22;
	s2 =	sadd.s32 s2, s21;
	[dreg:$0x8] =	wrdreg s29  }
0xd: {  	s4 =	smul.u32 $0xFFFFFFFB, s22;
	s0 =	sshrl.u32 s11, $0x2;
	[dreg:$0x15] =	wrdreg s2  }
0xe: {  	s3 =	sshrl.u32 s3, $0x2;
	s0 =	sadd.s32 s0, s7;
	[dreg:$0xa] =	wrdreg s28  }
0xf: {  	s6 =	sshrl.u32 s1, $0x1;
	s26 =	sadd.s32 s3, s5;
	[dreg:$0x14] =	wrdreg s0  }
0x10: {  	s13 =	sor.u32 $0x10, s29;
	s23 =	sadd.s32 $0x4000, s26;
	[dreg:$0x9] =	wrdreg s26  }
0x11: {  	s14 =	sor.u32 $0x20, s29;
	s25 =	sadd.s32 $0x6000, s26;
	[dreg:$0xc] =	wrdreg s23  }
0x12: {  	s15 =	sor.u32 $0x30, s29;
	s31 =	sadd.s32 $0x8000, s26;
	[dreg:$0xd] =	wrdreg s25  }
0x13: {  	s16 =	sor.u32 $0x40, s29;
	s3 =	sadd.s32 $0xA000, s26;
	[dreg:$0xe] =	wrdreg s31  }
0x14: {  	v2 =	vlaneseq.u32;
	v13 =	vimm.s32 $0xECA86420;
	v12 =	vimm.s32 $0x0;
	s1 =	ssub.s32 s1, s6;
	s6 =	sadd.s32 $0xC000, s26;
	[dreg:$0xf] =	wrdreg s3  }
0x15: {  	vm12 =	vcmask $0xB08;
	vm1 =	vcmask $0x1310;
	vm2 =	vcmask $0x1B18;
	s17 =	sor.u32 $0x50, s29;
	s10 =	sadd.s32 $0xE000, s26;
	[dreg:$0x10] =	wrdreg s6  }
0x16: {  	vm7 =	vcmask $0x3B38;
	vm8 =	vmmov $0xff;
	vm11 =	vcmask $0x704;
	s18 =	sor.u32 $0x60, s29;
	s20 =	sadd.s32 $0x10000, s26;
	[dreg:$0x11] =	wrdreg s10  }
0x17: {  	vm13 =	vcmask $0x1714;
	vm14 =	vcmask $0x1F1C;
	vm15 =	vcmask $0x2724;
	s30 =	sadd.s32 $0x2000, s26;
	s1 =	smax.u32 s1, $0x1;
	[dreg:$0x12] =	wrdreg s20  }
.Ltmp0:
0x18: {  	vm4 =	vcmask $0x2F2C;
	v13 =	vunpack.c.l.s4.s8 v13;
	v14 =	vmul.u32 $0x2, v2;
	s25 =	sshrl.u32 s19, $0x2;
	[dreg:$0x16] =	wrdreg s1;
	(pc) =	sbr.rel .LBB2_1-.Ltmp0, $4  }
0x19: {  	v3 =	vmov s12;
	v1 =	vmov s8;
	v4 =	vor.u32 s29, v2;
	s23 =	sadd.s32 $0x12000, s26;
	[dreg:$0xb] =	wrdreg s30;
	s31 =	sadd.s32 s25, s5  }
0x1a: {  	v13 =	vunpack.c.0.s8.s32 v13;
	v0 =	vmov s4;
	v5 =	vor.u32 s13, v2;
	s3 =	sadd.s32 $0x138000, s5;
	[dreg:$0x13] =	wrdreg s23;
	s0 =	sshrl.u32 s31, $0x3  }
0x1b: {  	s22 =	sor.u32 $0x70, s29;
	v6 =	vor.u32 s14, v2;
	v7 =	vor.u32 s15, v2;
	v8 =	vor.u32 s16, v2;
	[dreg:$0x17] =	wrdreg s0;
	s0 =	sshrl.u32 @!p0 s3, $0x3  }
0x1c: {  	v9 =	vor.u32 s17, v2;
	v10 =	vor.u32 s18, v2;
	v11 =	vor.u32 s22, v2;
	s1 =	simm.s32 $0x0;
	s5 =	simm.s32 $0x2;
	[dreg:$0x18] =	wrdreg s0  }
.LBB2_24:
0x1d: {  	s1 =	rddreg [dreg:$0x19]  }
0x1e: {  	s0 =	rddreg [dreg:$0x16];
	s1 =	sadd.s32 $0x1, s1  }
0x1f: {  	p1 =	sne.s32 s1, s0  }
.Ltmp1:
0x20: {  	_ = 	snop;
	(pc) =	sbr.rel @!p1 .LBB2_25-.Ltmp1, $2  }
0x21: {  	_ =	sdelay $0x2  }
0x22: {  	s5 =	simm.s32 $0x2  }
.LBB2_1:
0x23: {  	[dreg:$0x19] =	wrdreg s1  }
0x24: {  	s0 =	simm.s32 $0x0;
	s31 =	rddreg [dreg:$0x7];
	s2 =	simm.s32 $0x8A00  }
0x25: {  	[tilespmem:s2], [sflag:$0x2] =	stream.linear.gather [hbm4b:s31+s0], $0x80, $0x38;
	[tilespmem:$0x1FD30] =	vst v63  }
0x26: {  	_ =	swait.ge [sflag:s5], $0x80  }
0x27: {  	[sflag:s5] =	ssyncset.done $0x0  }
0x28: {  	[sflag:s5] =	ssyncadd.s32 $0xFFFFFF80  }
0x29: {  	[tilespmem:$0x2100] =	vst v12  }
0x2a: {  	[tilespmem:$0x2110] =	vst v12  }
0x2b: {  	[tilespmem:$0x2120] =	vst v12  }
0x2c: {  	[tilespmem:$0x2130] =	vst v12  }
0x2d: {  	[tilespmem:$0x2140] =	vst v12  }
0x2e: {  	s2 =	simm.s32 $0x0;
	[tilespmem:$0x2150] =	vst v12  }
.LBB2_2:
0x2f: {  	s0 =	smul.u32 $0x640, s2;
	_ =	sdelay $0x1  }
0x30: {  	s0 =	sadd.s32 s29, s0  }
0x31: {  	s1 =	rddreg [dreg:$0x6];
	s0 =	sshrl.u32 s0, $0x3  }
0x32: {  	s21 =	simm.s32 $0x0;
	s0 =	sadd.s32 s1, s0  }
0x33: {  	[tilespmem:s21], [sflag:$0x2] =	stream.linear.gather [hbm4b:s0+s21], $0x640, $0x38;
	[tilespmem:$0x1FD30] =	vst v63  }
0x34: {  	_ =	swait.ge [sflag:s5], $0x640  }
0x35: {  	[sflag:s5] =	ssyncset.done $0x0  }
0x36: {  	s22 =	simm.s32 $0x0;
	[sflag:s5] =	ssyncadd.s32 $0xFFFFF9C0  }
0x37: {  	v18 =	vld [tilespmem:s22+$0x0];
	_ =	sdelay $0x4  }
0x38: {  	(v2sf) =	vpush v18, $0x7  }
0x39: {  	(v2sf) =	vpush v18, $0x9;
	_ =	sdelay $0x1  }
0x3a: {  	(v2sf) =	vpush v18, $0xC;
	_ =	sdelay $0x4  }
0x3b: {  	(v2sf) =	vpush v18, $0xD  }
0x3c: {  	(v2sf) =	vpush v18, $0x4  }
0x3d: {  	(v2sf) =	vpush v18, $0x0  }
0x3e: {  	(v2sf) =	vpush v18, $0xA  }
0x3f: {  	(v2sf) =	vpush v18, $0x8  }
0x40: {  	(v2sf) =	vpush v18, $0x5  }
0x41: {  	(v2sf) =	vpush v18, $0xE  }
0x42: {  	(v2sf) =	vpush v18, $0x1;
	s23 =	spop (v2sf)  }
0x43: {  	s24 =	spop (v2sf);
	(v2sf) =	vpush v18, $0x2;
	_ =	sdelay $0x1  }
0x44: {  	s3 =	spop (v2sf);
	(v2sf) =	vpush v18, $0x3;
	_ =	sdelay $0x3  }
0x45: {  	s6 =	smulhi.u32 $0x68DB8BAD, s23  }
0x46: {  	s0 =	sshra.s32 s23, $0x1F;
	s14 =	smulhi.u32 $0x68DB8BAD, s24;
	s9 =	spop (v2sf)  }
0x47: {  	s0 =	smul.u32 $0x68DB8BAD, s0;
	s13 =	spop (v2sf)  }
0x48: {  	s1 =	sshra.s32 s24, $0x1F;
	s19 =	smulhi.u32 $0x68DB8BAD, s3;
	s18 =	spop (v2sf)  }
0x49: {  	s1 =	smul.u32 $0x68DB8BAD, s1;
	s20 =	spop (v2sf)  }
0x4a: {  	s10 =	smulhi.u32 $0x68DB8BAD, s9;
	s9 =	sshra.s32 s9, $0x1F;
	s12 =	spop (v2sf)  }
0x4b: {  	s15 =	smul.u32 $0x68DB8BAD, s9;
	s25 =	sshra.s32 s18, $0x1F;
	s24 =	spop (v2sf)  }
0x4c: {  	s3 =	sshra.s32 s3, $0x1F;
	s28 =	smul.u32 $0x68DB8BAD, s25;
	s26 =	spop (v2sf)  }
0x4d: {  	s25 =	smul.u32 $0x68DB8BAD, s3;
	s4 =	spop (v2sf)  }
0x4e: {  	s21 =	smulhi.u32 $0x68DB8BAD, s4;
	s8 =	sshra.s32 s4, $0x1F;
	s4 =	spop (v2sf);
	(v2sf) =	vpush v18, $0x6  }
0x4f: {  	s11 =	smulhi.u32 $0x68DB8BAD, s13;
	s3 =	sadd.s32 s15, s10;
	s7 =	sshra.s32 s20, $0x1F  }
0x50: {  	s10 =	smulhi.u32 $0x68DB8BAD, s20;
	s20 =	sadd.s32 s25, s19;
	s25 =	spop (v2sf);
	(v2sf) =	vpush v18, $0xF  }
0x51: {  	s0 =	sadd.s32 s0, s6;
	s9 =	simm.s32 $0x40;
	s18 =	smulhi.u32 $0x68DB8BAD, s18  }
0x52: {  	s1 =	sadd.s32 s1, s14;
	s15 =	sshra.s32 s12, $0x1F;
	s17 =	smulhi.u32 $0x68DB8BAD, s24;
	(v2sf) =	vpush v18, $0xB  }
0x53: {  	s16 =	sshra.s32 s0, $0x1F;
	s6 =	sshrl.u32 s1, $0x1F;
	s15 =	smul.u32 $0x68DB8BAD, s15  }
0x54: {  	v16 =	vld [tilespmem:$0x2100];
	s1 =	sshra.s32 s1, $0xC;
	s30 =	smulhi.u32 $0x68DB8BAD, s26;
	s31 =	sshra.s32 s26, $0x1F  }
0x55: {  	v15 =	vld [tilespmem:$0x2110];
	s24 =	sshra.s32 s24, $0x1F;
	s19 =	sadd.s32 s28, s18;
	s23 =	smul.u32 $0x68DB8BAD, s31  }
0x56: {  	v17 =	vld [tilespmem:$0x2120];
	s18 =	smul.u32 $0x68DB8BAD, s7;
	s26 =	sshrl.u32 s20, $0x1F;
	s14 =	sshra.s32 s20, $0xC  }
0x57: {  	v20 =	vld [tilespmem:$0x2130];
	v21 =	vmov s14;
	s22 =	smul.u32 $0x68DB8BAD, s8;
	s8 =	sshra.s32 s3, $0xC;
	s30 =	sadd.s32 s23, s30  }
0x58: {  	v19 =	vld [tilespmem:$0x2140];
	v21 =	vsel vm12, s8, v21;
	s23 =	sshra.s32 s30, $0xC;
	s14 =	sshrl.u32 s30, $0x1F;
	s30 =	smulhi.u32 $0x68DB8BAD, s4  }
0x59: {  	s28 =	sshra.s32 s19, $0xC;
	v22 =	vmov s26;
	v21 =	vsel vm1, s23, v21;
	s31 =	sshra.s32 s4, $0x1F;
	s20 =	smulhi.u32 $0x68DB8BAD, s25;
	v18 =	vld [tilespmem:$0x2150]  }
.LBB2_3:
0x5a: {  	s18 =	sadd.s32 s18, s10  }
0x5b: {  	s4 =	sadd.s32 s22, s21;
	s7 =	smul.u32 $0x68DB8BAD, s24;
	s10 =	smov.u32 s9  }
0x5c: {  	s21 =	smul.u32 $0x68DB8BAD, s31;
	s22 =	sshra.s32 s25, $0x1F;
	v23 =	vmov s16;
	s16 =	sshra.s32 s19, $0x1F  }
0x5d: {  	p1 =	sne.s32 s9, $0x18C0;
	s19 =	sshrl.u32 s19, $0x1F;
	s24 =	spop (v2sf)  }
0x5e: {  	s22 =	smul.u32 $0x68DB8BAD, s22;
	s17 =	sadd.s32 s7, s17;
	s7 =	sshra.s32 s24, $0x1F  }
0x5f: {  	s25 =	sadd.s32 s21, s30;
	s21 =	smul.u32 $0x68DB8BAD, s7;
	s7 =	spop (v2sf)  }
0x60: {  	vm3 =	vcmask $0x300;
	s20 =	sadd.s32 s22, s20;
	s26 =	smulhi.u32 $0x68DB8BAD, s7;
	s7 =	sshra.s32 s7, $0x1F  }
0x61: {  	s9 =	sadd.s32 $0x40, s9;
	v23 =	vsel vm3, s28, v23;
	s7 =	smul.u32 $0x68DB8BAD, s7;
	s22 =	spop (v2sf)  }
0x62: {  	v23 =	vsel vm11, s16, v23;
	s30 =	sshra.s32 s4, $0xC;
	s28 =	smulhi.u32 $0x68DB8BAD, s22;
	s22 =	sshra.s32 s22, $0x1F  }
0x63: {  	vm0 =	vcmask $0xF0C;
	v23 =	vsel vm12, s30, v23;
	s16 =	sadd.s32 s7, s26;
	s7 =	smul.u32 $0x68DB8BAD, s22;
	s22 =	sshra.s32 s4, $0x1F  }
0x64: {  	s24 =	smulhi.u32 $0x68DB8BAD, s24;
	s26 =	sshra.s32 s13, $0x1F;
	v23 =	vsel vm0, s22, v23;
	s22 =	sshra.s32 s25, $0xC  }
0x65: {  	v24 =	vmov s19;
	s13 =	sadd.s32 s7, s28;
	s7 =	smul.u32 $0x68DB8BAD, s26;
	v23 =	vsel vm1, s22, v23;
	s22 =	sshra.s32 s25, $0x1F  }
0x66: {  	s3 =	sshrl.u32 s3, $0x1F;
	v24 =	vnsel vm3, $0x0, v24;
	s4 =	sshrl.u32 s4, $0x1F;
	v23 =	vsel vm13, s22, v23;
	s22 =	sshra.s32 s20, $0xC  }
0x67: {  	v22 =	vsel vm12, s3, v22;
	v24 =	vsel vm12, s4, v24;
	s4 =	sshrl.u32 s25, $0x1F;
	s7 =	sadd.s32 s7, s11;
	v23 =	vsel vm2, s22, v23;
	s11 =	sshra.s32 s20, $0x1F  }
0x68: {  	s12 =	smulhi.u32 $0x68DB8BAD, s12;
	vm0 =	vcmask $0x2320;
	v24 =	vsel vm1, s4, v24;
	s4 =	sshrl.u32 s20, $0x1F;
	v23 =	vsel vm14, s11, v23;
	s11 =	sshra.s32 s7, $0xC  }
0x69: {  	v22 =	vsel vm1, s14, v22;
	v24 =	vsel vm2, s4, v24;
	s4 =	sshrl.u32 s7, $0x1F;
	v23 =	vsel vm0, s11, v23;
	s11 =	sshra.s32 s7, $0x1F  }
0x6a: {  	s3 =	sshrl.u32 s17, $0x1F;
	v24 =	vsel vm0, s4, v24;
	vm0 =	vcmask $0x2B28;
	v23 =	vsel vm15, s11, v23;
	s11 =	sadd.s32 s15, s12;
	s12 =	sshrl.u32 s16, $0x1F  }
0x6b: {  	v24 =	vsel vm0, s3, v24;
	s7 =	sshrl.u32 s11, $0x1F;
	s4 =	sshra.s32 s11, $0xC;
	s11 =	sshra.s32 s17, $0xC;
	v22 =	vsel vm2, s12, v22  }
0x6c: {  	v25 =	vmov s7;
	s7 =	sadd.s32 s21, s24;
	v23 =	vsel vm0, s11, v23;
	s11 =	sshra.s32 s17, $0x1F;
	vm0 =	vcmask $0x3330  }
0x6d: {  	v26 =	vmov s4;
	v25 =	vsel vm12, s6, v25;
	s3 =	sshrl.u32 s7, $0x1F;
	v23 =	vsel vm4, s11, v23;
	s11 =	sshra.s32 s7, $0xC  }
0x6e: {  	s4 =	sshrl.u32 s0, $0x1F;
	s6 =	sshrl.u32 s18, $0x1F;
	v24 =	vsel vm0, s3, v24;
	v23 =	vsel vm0, s11, v23;
	s3 =	sshra.s32 s7, $0x1F;
	vm0 =	vcmask $0x3734  }
0x6f: {  	s0 =	sshra.s32 s0, $0xC;
	v26 =	vsel vm12, s1, v26;
	s1 =	sshra.s32 s18, $0xC;
	v25 =	vsel vm1, s6, v25;
	v23 =	vsel vm0, s3, v23;
	s3 =	sshrl.u32 s13, $0x1F  }
0x70: {  	v26 =	vsel vm1, s1, v26;
	s1 =	sshra.s32 s13, $0xC;
	v23 =	vsel vm7, s0, v23;
	v25 =	vsel vm2, s3, v25;
	s0 =	sshra.s32 s16, $0xC  }
0x71: {  	v22 =	vcombine.low v25, v22;
	v21 =	vsel vm2, s0, v21;
	v25 =	vsel vm2, s1, v26  }
0x72: {  	v24 =	vsel vm7, s4, v24;
	v21 =	vcombine.low v25, v21  }
0x73: {  	v24 =	vperm.xlane v24, v14;
	v23 =	vperm.xlane v23, v14  }
0x74: {  	v22 =	vperm.xlane v22, v13;
	v21 =	vperm.xlane v21, v13;
	_ =	sdelay $0x1  }
0x75: {  	vm5 =	vmmov vm15;
	v22 =	vsel vm8, v24, v22;
	v21 =	vsel vm8, v23, v21  }
0x76: {  	vm10 =	vmmov vm2;
	vm6 =	vmmov vm4;
	v21 =	vadd.s32 v22, v21  }
0x77: {  	vm4 =	vmmov vm14;
	vm0 =	vmmov vm13;
	v21 =	vadd.s32 v0, v21  }
0x78: {  	vm2 =	vmmov vm1;
	vm1 =	vmmov vm12;
	vm9 =	veq.s32 v21, $0x0  }
0x79: {  	vm11 =	veq.s32 v21, $0x1;
	vm15 =	veq.s32 v21, $0x2;
	vm12 =	veq.s32 v21, $0x3  }
0x7a: {  	vm13 =	veq.s32 v21, $0x4;
	vm14 =	vgt.u32 v21, $0x4;
	v21 =	vsel vm9, $0x1, v12  }
0x7b: {  	v22 =	vsel vm12, $0x1, v12;
	vm12 =	vmmov vm1;
	vm1 =	vmmov vm2  }
0x7c: {  	vm2 =	vmmov vm10;
	v23 =	vsel vm13, $0x1, v12;
	vm13 =	vmmov vm0  }
0x7d: {  	v20 =	vadd.s32 v22, v20;
	v19 =	vadd.s32 v23, v19;
	v22 =	vsel vm14, $0x1, v12  }
0x7e: {  	s0 =	sshra.s32 s10, $0x2;
	vm14 =	vmmov vm4;
	vm4 =	vmmov vm6;
	v16 =	vadd.s32 v21, v16  }
0x7f: {  	v21 =	vsel vm11, $0x1, v12;
	vm11 =	vcmask $0x704;
	v18 =	vadd.s32 v22, v18;
	[tilespmem:$0x2130] =	vst v20  }
0x80: {  	v15 =	vadd.s32 v21, v15;
	v21 =	vsel vm15, $0x1, v12;
	vm15 =	vmmov vm5;
	[tilespmem:$0x2100] =	vst v16  }
0x81: {  	v17 =	vadd.s32 v21, v17;
	[tilespmem:$0x2140] =	vst v19  }
0x82: {  	[tilespmem:$0x2120] =	vst v17  }
0x83: {  	[tilespmem:$0x2110] =	vst v15  }
0x84: {  	[tilespmem:$0x2150] =	vst v18;
	_ =	sdelay $0x1  }
0x85: {  	v21 =	vld [tilespmem:s0+$0x0];
	_ =	sdelay $0x4  }
0x86: {  	(v2sf) =	vpush v21, $0x7  }
0x87: {  	(v2sf) =	vpush v21, $0x9  }
0x88: {  	(v2sf) =	vpush v21, $0xC  }
0x89: {  	(v2sf) =	vpush v21, $0xD  }
0x8a: {  	(v2sf) =	vpush v21, $0x4  }
0x8b: {  	(v2sf) =	vpush v21, $0x0  }
0x8c: {  	(v2sf) =	vpush v21, $0xA  }
0x8d: {  	(v2sf) =	vpush v21, $0x8;
	_ =	sdelay $0x2  }
0x8e: {  	(v2sf) =	vpush v21, $0x5  }
0x8f: {  	(v2sf) =	vpush v21, $0xE;
	_ =	sdelay $0x3  }
0x90: {  	(v2sf) =	vpush v21, $0x1;
	s0 =	spop (v2sf)  }
0x91: {  	s1 =	spop (v2sf);
	s4 =	smulhi.u32 $0x68DB8BAD, s0  }
0x92: {  	s0 =	sshra.s32 s0, $0x1F;
	s6 =	spop (v2sf);
	(v2sf) =	vpush v21, $0x2;
	s10 =	smulhi.u32 $0x68DB8BAD, s1  }
0x93: {  	s0 =	smul.u32 $0x68DB8BAD, s0;
	s7 =	sshra.s32 s6, $0x1F;
	s3 =	spop (v2sf)  }
0x94: {  	s1 =	sshra.s32 s1, $0x1F;
	s14 =	smulhi.u32 $0x68DB8BAD, s3;
	(v2sf) =	vpush v21, $0x3;
	s13 =	spop (v2sf)  }
0x95: {  	s3 =	sshra.s32 s3, $0x1F;
	s11 =	smulhi.u32 $0x68DB8BAD, s13;
	s15 =	spop (v2sf)  }
0x96: {  	s3 =	smul.u32 $0x68DB8BAD, s3;
	s18 =	spop (v2sf)  }
0x97: {  	s1 =	smul.u32 $0x68DB8BAD, s1;
	s16 =	sshra.s32 s15, $0x1F;
	s12 =	spop (v2sf)  }
0x98: {  	s3 =	sadd.s32 s3, s14;
	s14 =	smulhi.u32 $0x68DB8BAD, s6;
	s19 =	sshra.s32 s12, $0x1F  }
0x99: {  	s26 =	sshra.s32 s18, $0x1F;
	s28 =	smul.u32 $0x68DB8BAD, s16;
	(v2sf) =	vpush v21, $0x6  }
0x9a: {  	s0 =	sadd.s32 s0, s4;
	s7 =	smul.u32 $0x68DB8BAD, s7;
	s4 =	spop (v2sf)  }
0x9b: {  	s30 =	smulhi.u32 $0x68DB8BAD, s15;
	s6 =	spop (v2sf);
	(v2sf) =	vpush v21, $0xF  }
0x9c: {  	s16 =	sshra.s32 s0, $0x1F;
	s17 =	smulhi.u32 $0x68DB8BAD, s4  }
0x9d: {  	s1 =	sadd.s32 s1, s10;
	s20 =	smulhi.u32 $0x68DB8BAD, s6;
	s25 =	sshra.s32 s6, $0x1F;
	(v2sf) =	vpush v21, $0xB  }
0x9e: {  	s10 =	smulhi.u32 $0x68DB8BAD, s18;
	s6 =	sshrl.u32 s1, $0x1F;
	s1 =	sshra.s32 s1, $0xC  }
0x9f: {  	s24 =	sshra.s32 s4, $0x1F;
	s18 =	smul.u32 $0x68DB8BAD, s25;
	s4 =	spop (v2sf)  }
0xa0: {  	s7 =	sadd.s32 s7, s14;
	s21 =	smulhi.u32 $0x68DB8BAD, s4;
	s4 =	sshra.s32 s4, $0x1F  }
0xa1: {  	s22 =	smul.u32 $0x68DB8BAD, s4;
	s4 =	spop (v2sf)  }
.Ltmp2:
0xa2: {  	s14 =	sshrl.u32 s7, $0x1F;
	s31 =	sshra.s32 s4, $0x1F;
	(pc) =	sbr.rel @p1 .LBB2_3-.Ltmp2, $4  }
0xa3: {  	s15 =	smul.u32 $0x68DB8BAD, s19;
	s7 =	sshra.s32 s7, $0xC;
	v22 =	vmov s14;
	s25 =	spop (v2sf)  }
0xa4: {  	s23 =	sshra.s32 s3, $0xC;
	v21 =	vmov s7;
	s14 =	sadd.s32 s18, s20;
	s20 =	smulhi.u32 $0x68DB8BAD, s25  }
0xa5: {  	s19 =	sadd.s32 s28, s30;
	v21 =	vsel vm12, s23, v21;
	s18 =	smul.u32 $0x68DB8BAD, s26;
	s7 =	sshra.s32 s14, $0xC  }
0xa6: {  	s28 =	sshra.s32 s19, $0xC;
	s14 =	sshrl.u32 s14, $0x1F;
	v21 =	vsel vm1, s7, v21;
	s30 =	smulhi.u32 $0x68DB8BAD, s4  }
0xa7: {  	s4 =	smul.u32 $0x68DB8BAD, s24  }
0xa8: {  	s7 =	smul.u32 $0x68DB8BAD, s31  }
0xa9: {  	s23 =	sshra.s32 s25, $0x1F;
	s9 =	sadd.s32 s18, s10;
	s21 =	sadd.s32 s22, s21  }
0xaa: {  	v23 =	vmov s16;
	vm3 =	vcmask $0x300;
	s13 =	sshra.s32 s13, $0x1F;
	s12 =	smulhi.u32 $0x68DB8BAD, s12;
	s3 =	sshrl.u32 s3, $0x1F  }
0xab: {  	s24 =	spop (v2sf);
	s10 =	smul.u32 $0x68DB8BAD, s23;
	v23 =	vsel vm3, s28, v23;
	s28 =	sshra.s32 s19, $0x1F  }
0xac: {  	s8 =	sshra.s32 s21, $0xC;
	s13 =	smul.u32 $0x68DB8BAD, s13;
	s25 =	sshra.s32 s24, $0x1F  }
0xad: {  	s4 =	sadd.s32 s4, s17;
	s7 =	sadd.s32 s7, s30;
	s30 =	sshrl.u32 s19, $0x1F  }
0xae: {  	s12 =	sadd.s32 s15, s12;
	s18 =	smul.u32 $0x68DB8BAD, s25;
	s26 =	spop (v2sf)  }
0xaf: {  	v23 =	vsel vm11, s28, v23;
	s28 =	sshra.s32 s7, $0xC;
	s10 =	sadd.s32 s10, s20;
	s11 =	sadd.s32 s13, s11  }
0xb0: {  	vm0 =	vcmask $0xF0C;
	s17 =	smulhi.u32 $0x68DB8BAD, s26;
	s22 =	sshra.s32 s26, $0x1F;
	s26 =	sshra.s32 s21, $0x1F  }
0xb1: {  	v22 =	vsel vm12, s3, v22;
	v23 =	vsel vm12, s8, v23;
	v24 =	vmov s30;
	s8 =	sshra.s32 s10, $0xC;
	s16 =	smul.u32 $0x68DB8BAD, s22;
	s31 =	spop (v2sf)  }
0xb2: {  	v22 =	vsel vm1, s14, v22;
	v24 =	vnsel vm3, $0x0, v24;
	s21 =	sshrl.u32 s21, $0x1F;
	s30 =	sshrl.u32 s11, $0x1F;
	v23 =	vsel vm0, s26, v23;
	s25 =	smulhi.u32 $0x68DB8BAD, s31  }
0xb3: {  	vm3 =	vcmask $0x3734;
	v24 =	vsel vm12, s21, v24;
	s23 =	sshra.s32 s31, $0x1F;
	v23 =	vsel vm1, s28, v23;
	s31 =	sshra.s32 s7, $0x1F;
	s7 =	sshrl.u32 s7, $0x1F  }
0xb4: {  	s22 =	sshra.s32 s10, $0x1F;
	s26 =	sshrl.u32 s10, $0x1F;
	vm0 =	vcmask $0x2320;
	v23 =	vsel vm13, s31, v23;
	v24 =	vsel vm1, s7, v24;
	s31 =	sshrl.u32 s12, $0x1F  }
0xb5: {  	s20 =	smul.u32 $0x68DB8BAD, s23;
	s16 =	sadd.s32 s16, s17;
	s17 =	sshra.s32 s12, $0xC;
	v23 =	vsel vm2, s8, v23;
	v24 =	vsel vm2, s26, v24;
	v25 =	vmov s31  }
0xb6: {  	s28 =	sshra.s32 s11, $0x1F;
	s23 =	smulhi.u32 $0x68DB8BAD, s24;
	s24 =	sshra.s32 s11, $0xC;
	v26 =	vmov s17;
	v23 =	vsel vm14, s22, v23;
	v24 =	vsel vm0, s30, v24  }
0xb7: {  	v25 =	vsel vm12, s6, v25;
	s19 =	sadd.s32 s20, s25;
	s20 =	sshrl.u32 s9, $0x1F;
	s22 =	sshrl.u32 s16, $0x1F;
	v26 =	vsel vm12, s1, v26;
	v23 =	vsel vm0, s24, v23  }
0xb8: {  	s11 =	sshrl.u32 s4, $0x1F;
	s8 =	sshra.s32 s4, $0xC;
	s25 =	sshra.s32 s16, $0xC;
	vm0 =	vcmask $0x2B28;
	v25 =	vsel vm1, s20, v25;
	v22 =	vsel vm2, s22, v22  }
0xb9: {  	s15 =	sadd.s32 s18, s23;
	s23 =	sshrl.u32 s19, $0x1F;
	s24 =	sshra.s32 s9, $0xC;
	v21 =	vsel vm2, s25, v21;
	v23 =	vsel vm15, s28, v23;
	v24 =	vsel vm0, s11, v24  }
0xba: {  	s4 =	sshra.s32 s4, $0x1F;
	v25 =	vsel vm2, s23, v25;
	v26 =	vsel vm1, s24, v26;
	v23 =	vsel vm0, s8, v23  }
0xbb: {  	s18 =	sshra.s32 s15, $0xC;
	s26 =	sshra.s32 s19, $0xC;
	s28 =	sshrl.u32 s15, $0x1F;
	vm0 =	vcmask $0x3330;
	v22 =	vcombine.low v25, v22;
	v23 =	vsel vm4, s4, v23  }
0xbc: {  	s31 =	sshrl.u32 s0, $0x1F;
	s21 =	sshra.s32 s15, $0x1F;
	v58 =	vsel vm2, s26, v26;
	v24 =	vsel vm0, s28, v24;
	v23 =	vsel vm0, s18, v23  }
0xbd: {  	s30 =	sshra.s32 s0, $0xC;
	v21 =	vcombine.low v58, v21;
	v24 =	vsel vm7, s31, v24;
	v23 =	vsel vm3, s21, v23  }
0xbe: {  	v22 =	vperm.xlane v22, v13;
	v24 =	vperm.xlane v24, v14;
	v23 =	vsel vm7, s30, v23  }
0xbf: {  	v21 =	vperm.xlane v21, v13;
	v23 =	vperm.xlane v23, v14;
	_ =	sdelay $0x1  }
0xc0: {  	v22 =	vsel vm8, v24, v22;
	v21 =	vsel vm8, v23, v21  }
0xc1: {  	v21 =	vadd.s32 v22, v21  }
0xc2: {  	v21 =	vadd.s32 v0, v21  }
0xc3: {  	vm9 =	veq.s32 v21, $0x3  }
0xc4: {  	v59 =	vsel vm9, $0x1, v12;
	vm9 =	veq.s32 v21, $0x0  }
0xc5: {  	s2 =	sadd.s32 $0x1, s2;
	v60 =	vsel vm9, $0x1, v12;
	vm9 =	veq.s32 v21, $0x4;
	v20 =	vadd.s32 v59, v20  }
0xc6: {  	p1 =	sne.s32 s2, $0x8;
	v61 =	vsel vm9, $0x1, v12;
	vm9 =	veq.s32 v21, $0x2;
	v16 =	vadd.s32 v60, v16;
	[tilespmem:$0x2130] =	vst v20  }
.Ltmp3:
0xc7: {  	v62 =	vsel vm9, $0x1, v12;
	vm9 =	veq.s32 v21, $0x1;
	v19 =	vadd.s32 v61, v19;
	[tilespmem:$0x2100] =	vst v16;
	(pc) =	sbr.rel @p1 .LBB2_2-.Ltmp3, $4  }
0xc8: {  	v63 =	vsel vm9, $0x1, v12;
	vm9 =	vgt.u32 v21, $0x4;
	v17 =	vadd.s32 v62, v17;
	[tilespmem:$0x2140] =	vst v19  }
0xc9: {  	v19 =	vsel vm9, $0x1, v12;
	v15 =	vadd.s32 v63, v15;
	[tilespmem:$0x2120] =	vst v17  }
0xca: {  	v17 =	vadd.s32 v19, v18;
	[tilespmem:$0x2110] =	vst v15  }
0xcb: {  	[tilespmem:$0x2150] =	vst v17  }
0xcc: {  	(v2sf) =	vpush v16, $0x0  }
0xcd: {  	(v2sf) =	vpush v16, $0x1  }
0xce: {  	(v2sf) =	vpush v16, $0x2  }
0xcf: {  	(v2sf) =	vpush v16, $0x3  }
0xd0: {  	(v2sf) =	vpush v16, $0x4  }
0xd1: {  	(v2sf) =	vpush v16, $0x5  }
0xd2: {  	(v2sf) =	vpush v16, $0x6  }
0xd3: {  	(v2sf) =	vpush v16, $0x7  }
0xd4: {  	(v2sf) =	vpush v16, $0x8  }
0xd5: {  	(v2sf) =	vpush v16, $0x9  }
0xd6: {  	(v2sf) =	vpush v16, $0xA  }
0xd7: {  	(v2sf) =	vpush v16, $0xB  }
0xd8: {  	(v2sf) =	vpush v16, $0xC  }
0xd9: {  	(v2sf) =	vpush v16, $0xD  }
0xda: {  	(v2sf) =	vpush v16, $0xE  }
0xdb: {  	s0 =	spop (v2sf);
	(v2sf) =	vpush v16, $0xF  }
0xdc: {  	v15 =	vld [tilespmem:$0x2110];
	s1 =	spop (v2sf)  }
0xdd: {  	s28 =	sadd.s32 s1, s0;
	s8 =	spop (v2sf)  }
0xde: {  	s24 =	sadd.s32 s8, s28;
	s9 =	spop (v2sf)  }
0xdf: {  	s14 =	sadd.s32 s9, s24;
	s10 =	spop (v2sf)  }
0xe0: {  	s22 =	sadd.s32 s10, s14;
	s11 =	spop (v2sf)  }
0xe1: {  	(v2sf) =	vpush v15, $0x0;
	s13 =	sadd.s32 s11, s22;
	s12 =	spop (v2sf)  }
0xe2: {  	(v2sf) =	vpush v15, $0x1;
	s12 =	sadd.s32 s12, s13;
	s15 =	spop (v2sf)  }
0xe3: {  	(v2sf) =	vpush v15, $0x2;
	s16 =	sadd.s32 s15, s12;
	s17 =	spop (v2sf)  }
0xe4: {  	(v2sf) =	vpush v15, $0x3;
	s1 =	sadd.s32 s17, s16;
	s18 =	spop (v2sf)  }
0xe5: {  	(v2sf) =	vpush v15, $0x4;
	[smem:$0x7D2] =	sst s1;
	s1 =	sadd.s32 s18, s1;
	s19 =	spop (v2sf)  }
0xe6: {  	(v2sf) =	vpush v15, $0x5;
	[smem:$0x7D5] =	sst s1;
	s1 =	sadd.s32 s19, s1;
	s20 =	spop (v2sf)  }
0xe7: {  	(v2sf) =	vpush v15, $0x6;
	[smem:$0x7D7] =	sst s1;
	s1 =	sadd.s32 s20, s1;
	s21 =	spop (v2sf)  }
0xe8: {  	(v2sf) =	vpush v15, $0x7;
	[smem:$0x7D9] =	sst s1;
	s1 =	sadd.s32 s21, s1;
	s23 =	spop (v2sf)  }
0xe9: {  	(v2sf) =	vpush v15, $0x8;
	[smem:$0x7DC] =	sst s1;
	s1 =	sadd.s32 s23, s1;
	s25 =	spop (v2sf)  }
0xea: {  	[smem:$0x7DF] =	sst s1;
	s1 =	sadd.s32 s25, s1;
	s26 =	spop (v2sf);
	(v2sf) =	vpush v15, $0x9  }
0xeb: {  	s0 =	sadd.s32 s26, s1;
	(v2sf) =	vpush v15, $0xA  }
0xec: {  	[smem:$0x7EE] =	sst s0;
	s0 =	sadd.s32 $0x7, s0;
	(v2sf) =	vpush v15, $0xB  }
0xed: {  	s30 =	sshra.s32 s0, $0x1F;
	(v2sf) =	vpush v15, $0xC  }
0xee: {  	[smem:$0x7E1] =	sst s1;
	s1 =	sshrl.u32 s30, $0x1D;
	(v2sf) =	vpush v15, $0xD  }
0xef: {  	s0 =	sadd.s32 s1, s0;
	(v2sf) =	vpush v15, $0xE  }
0xf0: {  	s31 =	spop (v2sf);
	s7 =	sand.u32 $0xFFFFFFF8, s0;
	(v2sf) =	vpush v15, $0xF  }
0xf1: {  	s2 =	spop (v2sf);
	v15 =	vld [tilespmem:$0x2120];
	s0 =	sadd.s32 s31, s7  }
0xf2: {  	s3 =	spop (v2sf);
	s1 =	sadd.s32 s2, s0  }
0xf3: {  	s4 =	spop (v2sf);
	[smem:$0x7CB] =	sst s1;
	s1 =	sadd.s32 s3, s1  }
0xf4: {  	s5 =	spop (v2sf);
	[smem:$0x7CC] =	sst s1;
	s1 =	sadd.s32 s4, s1  }
0xf5: {  	s6 =	spop (v2sf);
	[smem:$0x7CD] =	sst s1;
	s1 =	sadd.s32 s5, s1  }
0xf6: {  	s8 =	spop (v2sf);
	(v2sf) =	vpush v15, $0x0;
	[smem:$0x7CE] =	sst s1;
	s1 =	sadd.s32 s6, s1  }
0xf7: {  	s9 =	spop (v2sf);
	(v2sf) =	vpush v15, $0x1;
	[smem:$0x7D1] =	sst s1;
	s15 =	sadd.s32 s8, s1  }
0xf8: {  	s10 =	spop (v2sf);
	(v2sf) =	vpush v15, $0x2;
	[smem:$0x7D3] =	sst s15;
	s1 =	sadd.s32 s9, s15  }
0xf9: {  	[smem:$0x7D6] =	sst s1;
	s15 =	sadd.s32 s10, s1;
	s11 =	spop (v2sf);
	(v2sf) =	vpush v15, $0x3  }
0xfa: {  	[smem:$0x7D8] =	sst s15;
	s1 =	sadd.s32 s11, s15;
	(v2sf) =	vpush v15, $0x4;
	s15 =	spop (v2sf)  }
0xfb: {  	[smem:$0x7D0] =	sst s16;
	s15 =	sadd.s32 s15, s1;
	(v2sf) =	vpush v15, $0x5;
	s16 =	spop (v2sf)  }
0xfc: {  	[smem:$0x7DA] =	sst s1;
	s1 =	sadd.s32 s16, s15;
	(v2sf) =	vpush v15, $0x6;
	s17 =	spop (v2sf)  }
0xfd: {  	[smem:$0x7DD] =	sst s15;
	s15 =	sadd.s32 s17, s1;
	(v2sf) =	vpush v15, $0x7;
	s18 =	spop (v2sf)  }
0xfe: {  	[dreg:$0x1f] =	wrdreg s1;
	s1 =	sadd.s32 s18, s15;
	(v2sf) =	vpush v15, $0x8;
	s19 =	spop (v2sf)  }
0xff: {  	s23 =	sadd.s32 s19, s1;
	(v2sf) =	vpush v15, $0x9;
	s20 =	spop (v2sf)  }
0x100: {  	[smem:$0x7CA] =	sst s0;
	s0 =	sadd.s32 s20, s23;
	(v2sf) =	vpush v15, $0xA  }
0x101: {  	[smem:$0x7F1] =	sst s0;
	(v2sf) =	vpush v15, $0xB;
	s0 =	sadd.s32 $0x7, s0  }
0x102: {  	(v2sf) =	vpush v15, $0xC;
	s21 =	sshra.s32 s0, $0x1F  }
0x103: {  	[dreg:$0x1d] =	wrdreg s1;
	s1 =	sshrl.u32 s21, $0x1D;
	(v2sf) =	vpush v15, $0xD  }
0x104: {  	s0 =	sadd.s32 s1, s0;
	(v2sf) =	vpush v15, $0xE  }
0x105: {  	s25 =	spop (v2sf);
	s30 =	sand.u32 $0xFFFFFFF8, s0;
	(v2sf) =	vpush v15, $0xF  }
0x106: {  	v15 =	vld [tilespmem:$0x2130];
	s26 =	spop (v2sf);
	s11 =	sadd.s32 s25, s30  }
0x107: {  	s31 =	spop (v2sf);
	s10 =	sadd.s32 s26, s11  }
0x108: {  	s9 =	sadd.s32 s31, s10;
	s1 =	spop (v2sf)  }
0x109: {  	s2 =	sadd.s32 s1, s9;
	s3 =	spop (v2sf)  }
0x10a: {  	s6 =	sadd.s32 s3, s2;
	s4 =	spop (v2sf)  }
0x10b: {  	(v2sf) =	vpush v15, $0x0;
	s1 =	sadd.s32 s4, s6;
	s5 =	spop (v2sf)  }
0x10c: {  	(v2sf) =	vpush v15, $0x1;
	s3 =	sadd.s32 s5, s1;
	s8 =	spop (v2sf)  }
0x10d: {  	[dreg:$0x1e] =	wrdreg s15;
	(v2sf) =	vpush v15, $0x2;
	s4 =	sadd.s32 s8, s3;
	s15 =	spop (v2sf)  }
0x10e: {  	(v2sf) =	vpush v15, $0x3;
	s16 =	sadd.s32 s15, s4;
	s17 =	spop (v2sf)  }
0x10f: {  	[smem:$0x7CF] =	sst s2;
	(v2sf) =	vpush v15, $0x4;
	s2 =	sadd.s32 s17, s16;
	s18 =	spop (v2sf)  }
0x110: {  	[smem:$0x7D4] =	sst s1;
	(v2sf) =	vpush v15, $0x5;
	s1 =	sadd.s32 s18, s2;
	s19 =	spop (v2sf)  }
0x111: {  	[smem:$0x7DE] =	sst s2;
	(v2sf) =	vpush v15, $0x6;
	s2 =	sadd.s32 s19, s1;
	s20 =	spop (v2sf)  }
0x112: {  	[smem:$0x7E0] =	sst s1;
	(v2sf) =	vpush v15, $0x7;
	s1 =	sadd.s32 s20, s2;
	s21 =	spop (v2sf)  }
0x113: {  	(v2sf) =	vpush v15, $0x8;
	[smem:$0x7E3] =	sst s1;
	s1 =	sadd.s32 s21, s1;
	s25 =	spop (v2sf)  }
0x114: {  	(v2sf) =	vpush v15, $0x9;
	s25 =	sadd.s32 s25, s1;
	s26 =	spop (v2sf)  }
0x115: {  	(v2sf) =	vpush v15, $0xA;
	s0 =	sadd.s32 s26, s25  }
0x116: {  	(v2sf) =	vpush v15, $0xB;
	[smem:$0x7F6] =	sst s0;
	s0 =	sadd.s32 $0x7, s0  }
0x117: {  	(v2sf) =	vpush v15, $0xC;
	s31 =	sshra.s32 s0, $0x1F  }
0x118: {  	[smem:$0x7E4] =	sst s1;
	(v2sf) =	vpush v15, $0xD;
	s1 =	sshrl.u32 s31, $0x1D  }
0x119: {  	(v2sf) =	vpush v15, $0xE;
	s0 =	sadd.s32 s1, s0  }
0x11a: {  	[smem:$0x7DB] =	sst s16;
	(v2sf) =	vpush v15, $0xF;
	s1 =	spop (v2sf);
	v15 =	vld [tilespmem:$0x2140];
	s16 =	sand.u32 $0xFFFFFFF8, s0  }
0x11b: {  	[smem:$0x7E2] =	sst s2;
	s5 =	spop (v2sf);
	s2 =	sadd.s32 s1, s16  }
0x11c: {  	s15 =	spop (v2sf);
	s8 =	sadd.s32 s5, s2  }
0x11d: {  	s17 =	spop (v2sf);
	s1 =	sadd.s32 s15, s8  }
0x11e: {  	s18 =	spop (v2sf);
	[smem:$0x7E7] =	sst s1;
	s1 =	sadd.s32 s17, s1  }
0x11f: {  	[smem:$0x7E5] =	sst s2;
	s20 =	spop (v2sf);
	(v2sf) =	vpush v15, $0x0;
	s19 =	sadd.s32 s18, s1  }
0x120: {  	[smem:$0x7E8] =	sst s1;
	s21 =	spop (v2sf);
	(v2sf) =	vpush v15, $0x1;
	s1 =	sadd.s32 s20, s19  }
0x121: {  	s26 =	spop (v2sf);
	(v2sf) =	vpush v15, $0x2;
	[smem:$0x7EA] =	sst s1;
	s1 =	sadd.s32 s21, s1  }
0x122: {  	s31 =	spop (v2sf);
	(v2sf) =	vpush v15, $0x3;
	[smem:$0x7EB] =	sst s1;
	s1 =	sadd.s32 s26, s1  }
0x123: {  	s2 =	spop (v2sf);
	(v2sf) =	vpush v15, $0x4;
	[smem:$0x7EC] =	sst s1;
	s1 =	sadd.s32 s31, s1  }
0x124: {  	s5 =	spop (v2sf);
	(v2sf) =	vpush v15, $0x5;
	[smem:$0x7EF] =	sst s1;
	s1 =	sadd.s32 s2, s1  }
0x125: {  	[smem:$0x7E6] =	sst s8;
	s17 =	spop (v2sf);
	(v2sf) =	vpush v15, $0x6;
	s8 =	sadd.s32 s5, s1  }
0x126: {  	[smem:$0x7F2] =	sst s1;
	s18 =	spop (v2sf);
	(v2sf) =	vpush v15, $0x7;
	s1 =	sadd.s32 s17, s8  }
0x127: {  	[smem:$0x7E9] =	sst s19;
	s19 =	spop (v2sf);
	(v2sf) =	vpush v15, $0x8;
	s15 =	sadd.s32 s18, s1  }
0x128: {  	[smem:$0x7F7] =	sst s1;
	s20 =	spop (v2sf);
	(v2sf) =	vpush v15, $0x9;
	s1 =	sadd.s32 s19, s15  }
0x129: {  	s21 =	spop (v2sf);
	(v2sf) =	vpush v15, $0xA;
	s5 =	sadd.s32 s20, s1  }
0x12a: {  	(v2sf) =	vpush v15, $0xB;
	s0 =	sadd.s32 s21, s5  }
0x12b: {  	(v2sf) =	vpush v15, $0xC;
	[smem:$0x7FC] =	sst s0;
	s0 =	sadd.s32 $0x7, s0  }
0x12c: {  	(v2sf) =	vpush v15, $0xD;
	s26 =	sshra.s32 s0, $0x1F  }
0x12d: {  	[smem:$0x7FB] =	sst s1;
	(v2sf) =	vpush v15, $0xE;
	s1 =	sshrl.u32 s26, $0x1D  }
0x12e: {  	(v2sf) =	vpush v15, $0xF;
	v15 =	vld [tilespmem:$0x2150];
	s0 =	sadd.s32 s1, s0  }
0x12f: {  	s31 =	spop (v2sf);
	s17 =	sand.u32 $0xFFFFFFF8, s0  }
0x130: {  	s1 =	spop (v2sf);
	s19 =	sadd.s32 s31, s17  }
0x131: {  	s2 =	spop (v2sf);
	s18 =	sadd.s32 s1, s19  }
0x132: {  	[smem:$0x7F4] =	sst s8;
	s8 =	spop (v2sf);
	s20 =	sadd.s32 s2, s18  }
0x133: {  	[smem:$0x7F9] =	sst s15;
	s15 =	spop (v2sf);
	(v2sf) =	vpush v15, $0x0;
	s21 =	sadd.s32 s8, s20  }
0x134: {  	s26 =	spop (v2sf);
	(v2sf) =	vpush v15, $0x1;
	s31 =	sadd.s32 s15, s21  }
0x135: {  	s1 =	spop (v2sf);
	(v2sf) =	vpush v15, $0x2;
	s2 =	sadd.s32 s26, s31  }
0x136: {  	s15 =	spop (v2sf);
	(v2sf) =	vpush v15, $0x3;
	s8 =	sadd.s32 s1, s2  }
0x137: {  	s26 =	spop (v2sf);
	(v2sf) =	vpush v15, $0x4;
	[smem:$0x7ED] =	sst s8;
	s1 =	sadd.s32 s15, s8  }
0x138: {  	[smem:$0x7F0] =	sst s1;
	s8 =	sadd.s32 s26, s1;
	s1 =	spop (v2sf);
	(v2sf) =	vpush v15, $0x5  }
0x139: {  	[smem:$0x7F3] =	sst s8;
	s1 =	sadd.s32 s1, s8;
	s8 =	spop (v2sf);
	(v2sf) =	vpush v15, $0x6  }
0x13a: {  	s15 =	spop (v2sf);
	(v2sf) =	vpush v15, $0x7  }
0x13b: {  	[smem:$0x7F5] =	sst s1;
	s8 =	sadd.s32 s8, s1;
	s26 =	spop (v2sf);
	(v2sf) =	vpush v15, $0x8  }
0x13c: {  	[smem:$0x7F8] =	sst s8;
	s1 =	sadd.s32 s15, s8;
	s8 =	spop (v2sf);
	(v2sf) =	vpush v15, $0x9  }
0x13d: {  	s15 =	spop (v2sf);
	(v2sf) =	vpush v15, $0xA  }
0x13e: {  	s26 =	sadd.s32 s26, s1;
	(v2sf) =	vpush v15, $0xB  }
0x13f: {  	v16 =	vbroadcast v16, $0x0;
	[smem:$0x7FA] =	sst s1;
	s1 =	sadd.s32 s8, s26;
	(v2sf) =	vpush v15, $0xC  }
0x140: {  	vm9 =	veq.s32 v2, $0x0;
	vm0 =	vcmask $0x300;
	s15 =	sadd.s32 s15, s1;
	s8 =	spop (v2sf);
	(v2sf) =	vpush v15, $0xD  }
0x141: {  	v16 =	vsel vm9, $0x0, v16;
	vm9 =	veq.s32 v2, $0x2;
	[smem:$0x7FD] =	sst s1;
	s8 =	sadd.s32 s8, s15;
	(v2sf) =	vpush v15, $0xE  }
0x142: {  	s0 =	sadd.s32 $0x7, s8;
	v15 =	vsel vm9, s28, v16;
	v16 =	vmov s25;
	vm9 =	veq.s32 v2, $0x3;
	s25 =	sld [smem:$0x7CA]  }
0x143: {  	vm3 =	vcmask $0xF0C;
	v17 =	vmov s23;
	s1 =	sshra.s32 s0, $0x1F;
	v15 =	vsel vm9, s24, v15;
	s24 =	sld [smem:$0x7CB]  }
0x144: {  	v17 =	vsel vm0, s7, v17;
	s1 =	sshrl.u32 s1, $0x1D;
	vm9 =	veq.s32 v2, $0x4;
	v16 =	vsel vm0, s30, v16  }
0x145: {  	s0 =	sadd.s32 s1, s0;
	v15 =	vsel vm9, s14, v15;
	v16 =	vsel vm11, s11, v16;
	s11 =	sld [smem:$0x7CC];
	v17 =	vsel vm11, s25, v17  }
0x146: {  	s28 =	spop (v2sf);
	vm9 =	veq.s32 v2, $0x5;
	s23 =	sand.u32 $0xFFFFFFF8, s0;
	v16 =	vsel vm12, s10, v16;
	v17 =	vsel vm12, s24, v17;
	s24 =	sld [smem:$0x7CD]  }
0x147: {  	v15 =	vsel vm9, s22, v15;
	vm9 =	veq.s32 v2, $0x6;
	s25 =	sadd.s32 s28, s23;
	s28 =	spop (v2sf);
	v16 =	vsel vm3, s9, v16;
	s9 =	sld [smem:$0x7D0]  }
0x148: {  	v15 =	vsel vm9, s13, v15;
	vm9 =	veq.s32 v2, $0x7;
	s14 =	sadd.s32 s28, s25;
	s28 =	spop (v2sf);
	v17 =	vsel vm3, s11, v17;
	s11 =	sld [smem:$0x7CE]  }
0x149: {  	v15 =	vsel vm9, s12, v15;
	s12 =	sld [smem:$0x7CF];
	vm9 =	veq.s32 v2, $0x8;
	s28 =	sadd.s32 s28, s14;
	s22 =	spop (v2sf)  }
0x14a: {  	s22 =	sadd.s32 s22, s28;
	s10 =	spop (v2sf);
	v15 =	vsel vm9, s9, v15;
	s9 =	sld [smem:$0x7D4]  }
0x14b: {  	v17 =	vsel vm1, s24, v17;
	s24 =	sadd.s32 s10, s22;
	s10 =	sld [smem:$0x7D1]  }
0x14c: {  	v16 =	vsel vm1, s12, v16;
	s12 =	sld [smem:$0x7D2]  }
0x14d: {  	s13 =	spop (v2sf);
	v16 =	vsel vm13, s6, v16;
	s6 =	sld [smem:$0x7D3]  }
0x14e: {  	v18 =	vmov s5;
	s5 =	sld [smem:$0x7E4];
	vm9 =	veq.s32 v2, $0x9;
	v17 =	vsel vm13, s11, v17;
	s13 =	sadd.s32 s13, s24;
	s11 =	spop (v2sf)  }
0x14f: {  	v17 =	vsel vm2, s10, v17;
	v15 =	vsel vm9, s12, v15;
	s12 =	sadd.s32 s11, s13;
	s11 =	sld [smem:$0x7D5]  }
0x150: {  	v16 =	vsel vm2, s9, v16;
	v17 =	vsel vm14, s6, v17;
	s6 =	sld [smem:$0x7D6]  }
0x151: {  	vm9 =	veq.s32 v2, $0xA;
	s10 =	spop (v2sf);
	v16 =	vsel vm14, s3, v16;
	s3 =	sld [smem:$0x7D8]  }
0x152: {  	vm4 =	vcmask $0x2320;
	v15 =	vsel vm9, s11, v15;
	s11 =	sadd.s32 s10, s12;
	s10 =	sld [smem:$0x7D7]  }
0x153: {  	v16 =	vsel vm4, s4, v16;
	s4 =	sld [smem:$0x7DB];
	v17 =	vsel vm4, s6, v17  }
0x154: {  	vm9 =	veq.s32 v2, $0xB;
	v17 =	vsel vm15, s3, v17;
	s3 =	sld [smem:$0x7DA]  }
0x155: {  	v15 =	vsel vm9, s10, v15;
	s10 =	sld [smem:$0x7D9]  }
0x156: {  	vm5 =	vcmask $0x2B28;
	s9 =	spop (v2sf);
	v16 =	vsel vm15, s4, v16;
	s4 =	sld [smem:$0x7DE]  }
0x157: {  	s9 =	sadd.s32 s9, s11;
	s6 =	spop (v2sf);
	vm9 =	veq.s32 v2, $0xC;
	v17 =	vsel vm5, s3, v17;
	s3 =	sld [smem:$0x7DD]  }
0x158: {  	v15 =	vsel vm9, s10, v15;
	s10 =	sadd.s32 s6, s9;
	s6 =	sld [smem:$0x7DC]  }
0x159: {  	v19 =	vmov s15;
	s15 =	sld [smem:$0x7E5]  }
0x15a: {  	v16 =	vsel vm5, s4, v16;
	s4 =	rddreg [dreg:$0x1f];
	vm9 =	veq.s32 v2, $0xD  }
0x15b: {  	vm10 =	vcmask $0x3330;
	v17 =	vsel vm6, s3, v17;
	v15 =	vsel vm9, s6, v15;
	s6 =	sld [smem:$0x7DF]  }
0x15c: {  	v19 =	vsel vm0, s17, v19;
	v17 =	vsel vm10, s4, v17;
	s4 =	sld [smem:$0x7E1]  }
0x15d: {  	v19 =	vsel vm11, s19, v19;
	s19 =	sld [smem:$0x7E8];
	vm9 =	veq.s32 v2, $0xE  }
0x15e: {  	v15 =	vsel vm9, s6, v15;
	s6 =	sld [smem:$0x7E0];
	vm9 =	veq.s32 v2, $0xF  }
0x15f: {  	v15 =	vsel vm9, s4, v15;
	vm9 =	vcmask $0x3734;
	s4 =	rddreg [dreg:$0x1e]  }
0x160: {  	v18 =	vsel vm0, s16, v18;
	v17 =	vsel vm9, s4, v17;
	s4 =	sld [smem:$0x7E2]  }
0x161: {  	v18 =	vsel vm11, s15, v18;
	s15 =	sld [smem:$0x7E7]  }
0x162: {  	v19 =	vsel vm12, s18, v19;
	s18 =	sld [smem:$0x7F6];
	v16 =	vsel vm6, s6, v16  }
0x163: {  	s0 =	spop (v2sf);
	v16 =	vsel vm10, s4, v16;
	s4 =	rddreg [dreg:$0x1d]  }
0x164: {  	s3 =	sadd.s32 s0, s10;
	s0 =	spop (v2sf);
	v17 =	vsel vm7, s4, v17;
	s4 =	sld [smem:$0x7E3]  }
0x165: {  	v19 =	vsel vm3, s20, v19;
	s20 =	sld [smem:$0x7E9];
	s6 =	sadd.s32 s0, s3;
	s0 =	spop (v2sf)  }
0x166: {  	v19 =	vsel vm1, s21, v19;
	s21 =	sld [smem:$0x7EA];
	s1 =	sadd.s32 s0, s6;
	s0 =	spop (v2sf)  }
0x167: {  	v19 =	vsel vm13, s31, v19;
	s31 =	sld [smem:$0x7F0];
	s0 =	sadd.s32 s0, s1;
	v16 =	vsel vm9, s4, v16;
	s4 =	spop (v2sf)  }
0x168: {  	v16 =	vsel vm7, s5, v16;
	s4 =	sadd.s32 s4, s0;
	s5 =	sld [smem:$0x7E6]  }
0x169: {  	v20 =	vmov s4;
	s4 =	sld [smem:$0x7F1]  }
0x16a: {  	v20 =	vsel vm0, s23, v20;
	s23 =	sld [smem:$0x7EC]  }
0x16b: {  	v18 =	vsel vm12, s5, v18;
	v20 =	vsel vm11, s25, v20;
	s5 =	simm.s32 $0x0;
	s25 =	sld [smem:$0x7EE]  }
0x16c: {  	[smem:$0x0] =	sst s5  }
0x16d: {  	v20 =	vsel vm12, s14, v20;
	s14 =	sld [smem:$0x7F4]  }
0x16e: {  	v18 =	vsel vm3, s15, v18;
	s15 =	sld [smem:$0x7F5]  }
0x16f: {  	v20 =	vsel vm3, s28, v20;
	s28 =	sld [smem:$0x7EF]  }
0x170: {  	v20 =	vsel vm1, s22, v20;
	s22 =	sld [smem:$0x7EB]  }
0x171: {  	v18 =	vsel vm1, s19, v18;
	[smem:$0x80] =	sst s25  }
0x172: {  	v18 =	vsel vm13, s20, v18;
	s20 =	sld [smem:$0x7F7]  }
0x173: {  	s25 =	sld [smem:$0x7FC]  }
0x174: {  	v20 =	vsel vm13, s24, v20;
	s24 =	sld [smem:$0x7ED]  }
0x175: {  	[smem:$0x1] =	sst s7  }
0x176: {  	v18 =	vsel vm2, s21, v18;
	s21 =	sld [smem:$0x7F8]  }
0x177: {  	s7 =	ssub.s32 s4, s7;
	v20 =	vsel vm2, s13, v20;
	s13 =	sld [smem:$0x7F3]  }
0x178: {  	[smem:$0x81] =	sst s7  }
0x179: {  	v19 =	vsel vm2, s2, v19;
	v18 =	vsel vm14, s22, v18;
	v20 =	vsel vm14, s12, v20;
	s12 =	sld [smem:$0x7F2]  }
0x17a: {  	[smem:$0x2] =	sst s30;
	v18 =	vsel vm4, s23, v18;
	v19 =	vsel vm14, s24, v19  }
0x17b: {  	s22 =	sld [smem:$0x7F9];
	v20 =	vsel vm4, s11, v20;
	v18 =	vsel vm15, s28, v18;
	v19 =	vsel vm4, s31, v19  }
0x17c: {  	s23 =	sld [smem:$0x7FA];
	vm4 =	vmmov vm6;
	v18 =	vsel vm5, s12, v18;
	v19 =	vsel vm15, s13, v19  }
0x17d: {  	s24 =	sld [smem:$0x7FB];
	v20 =	vsel vm15, s9, v20;
	v18 =	vsel vm4, s14, v18;
	v19 =	vsel vm5, s15, v19  }
0x17e: {  	[tilespmem:$0x2180] =	vst v15;
	s19 =	ssub.s32 s18, s30;
	s30 =	sld [smem:$0x7FD];
	v62 =	vsel vm5, s10, v20;
	v18 =	vsel vm10, s20, v18;
	v15 =	vsel vm4, s21, v19  }
0x17f: {  	[tilespmem:$0x2190] =	vst v17;
	[smem:$0x82] =	sst s19;
	v63 =	vsel vm4, s3, v62;
	v17 =	vsel vm9, s22, v18;
	v15 =	vsel vm10, s23, v15  }
0x180: {  	[tilespmem:$0x21A0] =	vst v16;
	[smem:$0x3] =	sst s16;
	s28 =	ssub.s32 s25, s16;
	v16 =	vsel vm7, s24, v17;
	v15 =	vsel vm9, s26, v15;
	v17 =	vsel vm10, s6, v63  }
0x181: {  	[smem:$0x83] =	sst s28;
	[tilespmem:$0x21B0] =	vst v16;
	v15 =	vsel vm7, s30, v15;
	v16 =	vsel vm9, s1, v17  }
0x182: {  	s31 =	ssub.s32 s8, s17;
	[smem:$0x4] =	sst s17;
	[tilespmem:$0x21C0] =	vst v15;
	v15 =	vsel vm7, s0, v16  }
0x183: {  	vm6 =	vmmov vm9;
	[smem:$0x84] =	sst s31;
	s1 =	simm.s32 $0x0;
	s0 =	simm.s32 $0x200;
	[tilespmem:$0x21D0] =	vst v15;
	v15 =	vld [tilespmem:$0x8A00]  }
.LBB2_6:
0x184: {  	p1 =	sne.s32 s0, $0x7E00;
	_ =	sdelay $0x2  }
0x185: {  	s3 =	sshra.s32 s1, $0x2;
	s1 =	smov.u32 s0  }
0x186: {  	[tilespmem:s3+$0x6A00] =	vst v15  }
0x187: {  	[tilespmem:s3+$0x6A10] =	vst v15  }
0x188: {  	[tilespmem:s3+$0x6A20] =	vst v15  }
0x189: {  	[tilespmem:s3+$0x6A30] =	vst v15  }
.Ltmp4:
0x18a: {  	[tilespmem:s3+$0x6A40] =	vst v15;
	(pc) =	sbr.rel @p1 .LBB2_6-.Ltmp4, $4  }
0x18b: {  	[tilespmem:s3+$0x6A50] =	vst v15  }
0x18c: {  	[tilespmem:s3+$0x6A60] =	vst v15  }
0x18d: {  	[tilespmem:s3+$0x6A70] =	vst v15  }
0x18e: {  	s0 =	sadd.s32 $0x200, s0;
	v15 =	vld [tilespmem:$0x8A00]  }
0x18f: {  	_ =	sdelay $0x2  }
0x190: {  	s0 =	sshra.s32 s1, $0x2  }
0x191: {  	[tilespmem:s0+$0x6A00] =	vst v15  }
0x192: {  	[tilespmem:s0+$0x6A10] =	vst v15  }
0x193: {  	[tilespmem:s0+$0x6A20] =	vst v15  }
.Ltmp5:
0x194: {  	[tilespmem:s0+$0x6A30] =	vst v15;
	(pc) =	sbr.rel .LBB2_8-.Ltmp5, $4  }
0x195: {  	[tilespmem:s0+$0x6A40] =	vst v15  }
0x196: {  	[tilespmem:s0+$0x6A50] =	vst v15  }
0x197: {  	[tilespmem:s0+$0x6A60] =	vst v15  }
0x198: {  	[dreg:$0x1b] =	wrdreg s29;
	[tilespmem:s0+$0x6A70] =	vst v15  }
.LBB2_15:
0x199: {  	s0 =	rddreg [dreg:$0x1c]  }
0x19a: {  	s5 =	rddreg [dreg:$0x1a];
	p1 =	sne.s32 s0, $0x0  }
0x19b: {  	p2 =	seq.s32 @!p1 s5, $0x0;
	s5 =	sadd.s32 $0x1, s5  }
0x19c: {  	s3 =	rddreg [dreg:$0x3];
	p1 =	por p2, p1;
	p2 =	sne.s32 s5, $0x9  }
0x19d: {  	s0 =	simm.s32 @!p1 $0x640;
	s1 =	simm.s32 @!p1 $0x1380;
	s2 =	simm.s32 @!p1 $0x1A00  }
0x19e: {  	[spmem:s3] =	stream.indirect.scatter @!p1 [tilespmem:s2], [sflag:$0x2], $0x1, s1, s0, $0xb8;
	[tilespmem:$0x1FD30] =	vst v63  }
.Ltmp6:
0x19f: {  	s0 =	simm.s32 @!p1 $0x2;
	(pc) =	sbr.rel @!p2 .LBB2_16-.Ltmp6, $4  }
0x1a0: {  	_ =	swait.ge @!p1 [sflag:s0], $0x640  }
0x1a1: {  	[sflag:s0] =	ssyncset.done @!p1 $0x0;
	s31 =	rddreg [dreg:$0x1b]  }
0x1a2: {  	s29 =	rddreg [dreg:$0x8];
	[sflag:s0] =	ssyncadd.s32 @!p1 $0xFFFFF9C0;
	s0 =	sadd.s32 $0x640, s31  }
0x1a3: {  	[dreg:$0x1b] =	wrdreg s0  }
.LBB2_8:
0x1a4: {  	s0 =	sand.u32 $0x1, s5;
	p1 =	seq.s32 s5, $0x8  }
0x1a5: {  	p2 =	sne.s32 @!p1 s0, $0x0  }
0x1a6: {  	p1 =	por p1, p2  }
.Ltmp7:
0x1a7: {  	_ = 	snop;
	(pc) =	sbr.rel @p1 .LBB2_11-.Ltmp7, $4  }
0x1a8: {  	s31 =	smul.u32 $0x640, s5  }
0x1a9: {  	[dreg:$0x1a] =	wrdreg s5  }
0x1aa: {  	[dreg:$0x1c] =	wrdreg s0;
	s0 =	sadd.s32 s29, s31  }
0x1ab: {  	[smem:$0x7C9] =	sst s0  }
0x1ac: {  	s0 =	sld [smem:$0x7C9];
	_ =	sdelay $0x2  }
0x1ad: {  	s30 =	rddreg [dreg:$0x6];
	s1 =	sshrl.u32 s0, $0x3  }
0x1ae: {  	s31 =	simm.s32 $0x3;
	s3 =	sadd.s32 s30, s1;
	s1 =	simm.s32 $0x0  }
0x1af: {  	[tilespmem:s1], [sflag:$0x3] =	stream.linear.gather [hbm4b:s3+s1], $0x640, $0x38;
	[tilespmem:$0x1FD30] =	vst v63  }
0x1b0: {  	_ =	swait.ge [sflag:s31], $0x640  }
0x1b1: {  	[sflag:s31] =	ssyncset.done $0x0  }
0x1b2: {  	s3 =	rddreg [dreg:$0x1b];
	[sflag:s31] =	ssyncadd.s32 $0xFFFFF9C0  }
.LBB2_10:
0x1b3: {  	s6 =	sshra.s32 s1, $0x2  }
0x1b4: {  	v15 =	vld [tilespmem:s6+$0x0];
	_ =	sdelay $0x4  }
0x1b5: {  	(v2sf) =	vpush v15, $0xD;
	_ =	sdelay $0x1  }
0x1b6: {  	(v2sf) =	vpush v15, $0xC;
	_ =	sdelay $0x1  }
0x1b7: {  	(v2sf) =	vpush v15, $0xE;
	_ =	sdelay $0x1  }
0x1b8: {  	(v2sf) =	vpush v15, $0xF;
	_ =	sdelay $0x1  }
0x1b9: {  	(v2sf) =	vpush v15, $0x9;
	_ =	sdelay $0x1  }
0x1ba: {  	(v2sf) =	vpush v15, $0x8;
	_ =	sdelay $0x1  }
0x1bb: {  	(v2sf) =	vpush v15, $0xA;
	_ =	sdelay $0x1  }
0x1bc: {  	(v2sf) =	vpush v15, $0xB  }
0x1bd: {  	s4 =	spop (v2sf)  }
0x1be: {  	(v2sf) =	vpush v15, $0x0;
	s7 =	smulhi.u32 $0x68DB8BAD, s4;
	s4 =	sshra.s32 s4, $0x1F  }
0x1bf: {  	s10 =	spop (v2sf);
	s4 =	smul.u32 $0x68DB8BAD, s4  }
0x1c0: {  	(v2sf) =	vpush v15, $0x1;
	s12 =	smulhi.u32 $0x68DB8BAD, s10;
	s10 =	sshra.s32 s10, $0x1F  }
0x1c1: {  	s11 =	spop (v2sf);
	s10 =	smul.u32 $0x68DB8BAD, s10  }
0x1c2: {  	(v2sf) =	vpush v15, $0x2;
	s14 =	smulhi.u32 $0x68DB8BAD, s11;
	s11 =	sshra.s32 s11, $0x1F  }
0x1c3: {  	(v2sf) =	vpush v15, $0x3;
	s13 =	spop (v2sf);
	s16 =	smul.u32 $0x68DB8BAD, s11  }
0x1c4: {  	(v2sf) =	vpush v15, $0x4;
	s17 =	smulhi.u32 $0x68DB8BAD, s13;
	s13 =	sshra.s32 s13, $0x1F  }
0x1c5: {  	(v2sf) =	vpush v15, $0x5;
	s15 =	spop (v2sf);
	s20 =	smul.u32 $0x68DB8BAD, s13  }
0x1c6: {  	(v2sf) =	vpush v15, $0x6;
	s21 =	smulhi.u32 $0x68DB8BAD, s15;
	s28 =	sshra.s32 s15, $0x1F  }
0x1c7: {  	(v2sf) =	vpush v15, $0x7;
	s23 =	spop (v2sf);
	s24 =	smul.u32 $0x68DB8BAD, s28  }
0x1c8: {  	s26 =	smulhi.u32 $0x68DB8BAD, s23;
	s11 =	sshra.s32 s23, $0x1F  }
0x1c9: {  	s18 =	spop (v2sf);
	s30 =	smul.u32 $0x68DB8BAD, s11  }
0x1ca: {  	s13 =	sadd.s32 s10, s12;
	s0 =	smulhi.u32 $0x68DB8BAD, s18;
	s5 =	sshra.s32 s18, $0x1F  }
0x1cb: {  	s12 =	sadd.s32 s16, s14;
	s29 =	spop (v2sf);
	s23 =	smul.u32 $0x68DB8BAD, s5  }
0x1cc: {  	s11 =	sadd.s32 s4, s7;
	s5 =	smulhi.u32 $0x68DB8BAD, s29;
	s8 =	sshra.s32 s29, $0x1F  }
0x1cd: {  	s10 =	sadd.s32 s20, s17;
	s22 =	spop (v2sf);
	s4 =	smul.u32 $0x68DB8BAD, s8  }
0x1ce: {  	s17 =	sadd.s32 s24, s21;
	s7 =	smulhi.u32 $0x68DB8BAD, s22;
	s15 =	sshra.s32 s22, $0x1F  }
0x1cf: {  	s24 =	sshrl.u32 s10, $0x1F;
	s25 =	spop (v2sf);
	s29 =	smul.u32 $0x68DB8BAD, s15  }
0x1d0: {  	s22 =	sshrl.u32 s11, $0x1F;
	s16 =	smulhi.u32 $0x68DB8BAD, s25;
	s18 =	sshra.s32 s25, $0x1F  }
0x1d1: {  	s8 =	sshrl.u32 s13, $0x1F;
	s28 =	spop (v2sf);
	s20 =	smul.u32 $0x68DB8BAD, s18  }
0x1d2: {  	s25 =	sshrl.u32 s12, $0x1F;
	s31 =	spop (v2sf);
	s21 =	smulhi.u32 $0x68DB8BAD, s28  }
0x1d3: {  	s15 =	sshra.s32 s28, $0x1F;
	s18 =	sadd.s32 s30, s26;
	s9 =	spop (v2sf)  }
0x1d4: {  	s26 =	smul.u32 $0x68DB8BAD, s15;
	s15 =	sadd.s32 s23, s0;
	s2 =	spop (v2sf)  }
0x1d5: {  	s0 =	smulhi.u32 $0x68DB8BAD, s31;
	s28 =	sshra.s32 s31, $0x1F;
	s19 =	spop (v2sf)  }
0x1d6: {  	s14 =	sadd.s32 s4, s5;
	s4 =	smul.u32 $0x68DB8BAD, s28;
	s30 =	spop (v2sf)  }
0x1d7: {  	s7 =	sadd.s32 s29, s7;
	s31 =	smulhi.u32 $0x68DB8BAD, s30;
	s5 =	sshra.s32 s30, $0x1F  }
0x1d8: {  	s29 =	sshrl.u32 s18, $0x1F;
	s23 =	sshrl.u32 s14, $0x1F;
	s5 =	smul.u32 $0x68DB8BAD, s5  }
0x1d9: {  	s28 =	sshrl.u32 s17, $0x1F;
	s30 =	smulhi.u32 $0x68DB8BAD, s9;
	s9 =	sshra.s32 s9, $0x1F  }
0x1da: {  	s20 =	sadd.s32 s20, s16;
	s9 =	smul.u32 $0x68DB8BAD, s9;
	s16 =	sadd.s32 s5, s31  }
0x1db: {  	vm0 =	vcmask $0x300;
	v17 =	vmov s8;
	s21 =	sadd.s32 s26, s21;
	s26 =	sshrl.u32 s20, $0x1F;
	s31 =	sshra.s32 s16, $0x1F  }
0x1dc: {  	vm3 =	vcmask $0x2B28;
	v17 =	vsel vm12, s22, v17;
	s8 =	smulhi.u32 $0x68DB8BAD, s2;
	s9 =	sadd.s32 s9, s30;
	s30 =	sshra.s32 s7, $0xC;
	v16 =	vmov s31  }
0x1dd: {  	vm5 =	vcmask $0x3330;
	v17 =	vsel vm1, s25, v17;
	s2 =	sshra.s32 s2, $0x1F;
	s31 =	sshrl.u32 s7, $0x1F;
	s7 =	sshra.s32 s7, $0x1F;
	v16 =	vsel vm0, s30, v16  }
0x1de: {  	v19 =	vmov s29;
	s0 =	sadd.s32 s4, s0;
	s2 =	smul.u32 $0x68DB8BAD, s2;
	v18 =	vmov s31;
	s30 =	sshra.s32 s20, $0xC;
	v16 =	vsel vm11, s7, v16  }
0x1df: {  	s22 =	smulhi.u32 $0x68DB8BAD, s19;
	s19 =	sshra.s32 s19, $0x1F;
	s20 =	sshra.s32 s20, $0x1F;
	v18 =	vnsel vm0, $0x0, v18;
	vm0 =	vcmask $0xF0C;
	v16 =	vsel vm12, s30, v16  }
0x1e0: {  	v17 =	vsel vm2, s24, v17;
	v19 =	vsel vm12, s28, v19;
	s24 =	sshra.s32 s21, $0xC;
	s19 =	smul.u32 $0x68DB8BAD, s19;
	s5 =	sshrl.u32 s15, $0x1F;
	v16 =	vsel vm0, s20, v16  }
0x1e1: {  	s2 =	sadd.s32 s2, s8;
	s8 =	sshra.s32 s13, $0xC;
	v19 =	vsel vm1, s5, v19;
	v18 =	vsel vm12, s26, v18;
	s26 =	sshra.s32 s21, $0x1F;
	v16 =	vsel vm1, s24, v16  }
0x1e2: {  	s25 =	sshrl.u32 s0, $0x1F;
	s29 =	sshra.s32 s0, $0xC;
	s13 =	sshra.s32 s18, $0xC;
	v46 =	vmov s8;
	v19 =	vsel vm2, s23, v19;
	v16 =	vsel vm13, s26, v16  }
0x1e3: {  	s0 =	sshra.s32 s0, $0x1F;
	s4 =	sadd.s32 s19, s22;
	s19 =	sshra.s32 s11, $0xC;
	v20 =	vmov s13;
	v17 =	vcombine.low v19, v17;
	v16 =	vsel vm2, s29, v16  }
0x1e4: {  	s22 =	sshra.s32 s12, $0xC;
	s31 =	sshrl.u32 s21, $0x1F;
	v19 =	vsel vm12, s19, v46;
	s7 =	sshra.s32 s9, $0xC;
	vm0 =	vcmask $0x2320;
	v16 =	vsel vm14, s0, v16  }
0x1e5: {  	s18 =	sshra.s32 s9, $0x1F;
	v19 =	vsel vm1, s22, v19;
	v18 =	vsel vm1, s31, v18;
	s20 =	sshra.s32 s17, $0xC;
	v16 =	vsel vm0, s7, v16  }
0x1e6: {  	s28 =	sshrl.u32 s9, $0x1F;
	s23 =	sshra.s32 s15, $0xC;
	s21 =	sshra.s32 s2, $0xC;
	v18 =	vsel vm2, s25, v18;
	v20 =	vsel vm12, s20, v20;
	v16 =	vsel vm15, s18, v16  }
0x1e7: {  	s30 =	sshrl.u32 s2, $0x1F;
	s24 =	sshra.s32 s2, $0x1F;
	s25 =	sshra.s32 s10, $0xC;
	v18 =	vsel vm0, s28, v18;
	v20 =	vsel vm1, s23, v20;
	v16 =	vsel vm3, s21, v16  }
0x1e8: {  	s31 =	sshrl.u32 s4, $0x1F;
	s26 =	sshra.s32 s14, $0xC;
	s28 =	sshra.s32 s4, $0xC;
	v19 =	vsel vm2, s25, v19;
	v18 =	vsel vm3, s30, v18;
	v16 =	vsel vm4, s24, v16  }
0x1e9: {  	s29 =	sshrl.u32 s16, $0x1F;
	v20 =	vsel vm2, s26, v20;
	s30 =	sshra.s32 s4, $0x1F;
	v18 =	vsel vm5, s31, v18;
	v16 =	vsel vm5, s28, v16  }
0x1ea: {  	v19 =	vcombine.low v20, v19;
	s31 =	sshra.s32 s16, $0xC;
	v18 =	vsel vm7, s29, v18;
	v16 =	vsel vm6, s30, v16  }
0x1eb: {  	v17 =	vperm.xlane v17, v13;
	v18 =	vperm.xlane v18, v14;
	v16 =	vsel vm7, s31, v16  }
0x1ec: {  	v19 =	vperm.xlane v19, v13;
	v16 =	vperm.xlane v16, v14  }
0x1ed: {  	v47 =	vld [tilespmem:$0x2180]  }
0x1ee: {  	v48 =	vld [tilespmem:$0x2190];
	v17 =	vsel vm8, v18, v17;
	v16 =	vsel vm8, v16, v19  }
0x1ef: {  	v50 =	vld [tilespmem:$0x21A0];
	v16 =	vadd.s32 v17, v16  }
0x1f0: {  	v49 =	vadd.s32 v0, v16  }
0x1f1: {  	v21 =	vld [tilespmem:$0x21B0];
	v16 =	vmul.u32 $0x18F0, v16;
	vm9 =	veq.s32 v49, $0x0;
	vm10 =	veq.s32 v49, $0x1  }
0x1f2: {  	v24 =	vld [tilespmem:$0x21C0];
	v22 =	vsel vm9, $0x1, v12;
	v23 =	vnsel vm9, $0x0, v47;
	v51 =	vsel vm10, $0x1, v12  }
0x1f3: {  	vm9 =	veq.s32 v49, $0x2;
	v18 =	vadd.s32 v22, v47;
	v23 =	vsel vm10, v48, v23  }
0x1f4: {  	v25 =	vld [tilespmem:$0x21D0];
	v53 =	vsel vm9, $0x1, v12;
	v52 =	vsel vm9, v50, v23;
	vm9 =	veq.s32 v49, $0x3  }
0x1f5: {  	v17 =	vadd.s32 v51, v48;
	[tilespmem:$0x2180] =	vst v18;
	v54 =	vadd.s32 v53, v50;
	v56 =	vsel vm9, $0x1, v12  }
0x1f6: {  	[tilespmem:$0x2190] =	vst v17;
	v55 =	vsel vm9, v21, v52;
	vm9 =	veq.s32 v49, $0x4;
	v57 =	vadd.s32 v56, v21  }
0x1f7: {  	p1 =	sne.s32 s1, $0x18C0;
	[tilespmem:$0x21A0] =	vst v54;
	v58 =	vsel vm9, v24, v55;
	v59 =	vsel vm9, $0x1, v12;
	vm9 =	vgt.u32 v49, $0x4  }
.Ltmp8:
0x1f8: {  	v15 =	vadd.s32 v15, v16;
	[tilespmem:$0x21B0] =	vst v57;
	v60 =	vadd.s32 v59, v24;
	v61 =	vsel vm9, $0x1, v12;
	(pc) =	sbr.rel @p1 .LBB2_10-.Ltmp8, $4  }
0x1f9: {  	v15 =	vshll.u32 v15, $0x12;
	v18 =	vsel vm9, v25, v58;
	[tilespmem:$0x21C0] =	vst v60;
	v62 =	vadd.s32 v61, v25  }
0x1fa: {  	v15 =	vor.u32 s3, v15;
	v63 =	vadd.s32 v1, v18;
	[tilespmem:$0x21D0] =	vst v62  }
0x1fb: {  	v15 =	vor.u32 v2, v15;
	[tilespmem:s6+$0x680] =	vst v63  }
0x1fc: {  	s1 =	sadd.s32 $0x40, s1;
	s3 =	sadd.s32 $0x10, s3;
	[tilespmem:s6+$0xD00] =	vst v15  }
.LBB2_11:
0x1fd: {  	s0 =	rddreg [dreg:$0x1c]  }
0x1fe: {  	p1 =	seq.s32 s0, $0x0  }
.Ltmp9:
0x1ff: {  	_ = 	snop;
	(pc) =	sbr.rel @p1 .LBB2_15-.Ltmp9, $2  }
0x200: {  	_ =	sdelay $0x2  }
0x201: {  	s4 =	simm.s32 $0x3  }
0x202: {  	s0 =	sld [smem:$0x7C9];
	_ =	sdelay $0x2  }
0x203: {  	s1 =	rddreg [dreg:$0x6];
	s0 =	sshrl.u32 s0, $0x3  }
0x204: {  	s1 =	sadd.s32 s1, s0;
	s0 =	simm.s32 $0x0  }
0x205: {  	[tilespmem:s0], [sflag:$0x3] =	stream.linear.gather [hbm4b:s1+s0], $0x640, $0x38;
	[tilespmem:$0x1FD30] =	vst v63  }
0x206: {  	_ =	swait.ge [sflag:s4], $0x640  }
0x207: {  	[sflag:s4] =	ssyncset.done $0x0  }
0x208: {  	s1 =	rddreg [dreg:$0x1b];
	[sflag:s4] =	ssyncadd.s32 $0xFFFFF9C0  }
.LBB2_13:
0x209: {  	s3 =	sshra.s32 s0, $0x2  }
0x20a: {  	v15 =	vld [tilespmem:s3+$0x0];
	_ =	sdelay $0x4  }
0x20b: {  	(v2sf) =	vpush v15, $0xD;
	_ =	sdelay $0x1  }
0x20c: {  	(v2sf) =	vpush v15, $0xC;
	_ =	sdelay $0x1  }
0x20d: {  	(v2sf) =	vpush v15, $0xE;
	_ =	sdelay $0x1  }
0x20e: {  	(v2sf) =	vpush v15, $0xF;
	_ =	sdelay $0x1  }
0x20f: {  	(v2sf) =	vpush v15, $0x9;
	_ =	sdelay $0x1  }
0x210: {  	(v2sf) =	vpush v15, $0x8;
	_ =	sdelay $0x1  }
0x211: {  	(v2sf) =	vpush v15, $0xA;
	_ =	sdelay $0x1  }
0x212: {  	(v2sf) =	vpush v15, $0xB  }
0x213: {  	s2 =	spop (v2sf)  }
0x214: {  	(v2sf) =	vpush v15, $0x0;
	s4 =	smulhi.u32 $0x68DB8BAD, s2;
	s2 =	sshra.s32 s2, $0x1F  }
0x215: {  	(v2sf) =	vpush v15, $0x1;
	s5 =	spop (v2sf);
	s2 =	smul.u32 $0x68DB8BAD, s2  }
0x216: {  	s6 =	smulhi.u32 $0x68DB8BAD, s5;
	s5 =	sshra.s32 s5, $0x1F  }
0x217: {  	(v2sf) =	vpush v15, $0x2;
	s7 =	spop (v2sf);
	s5 =	smul.u32 $0x68DB8BAD, s5  }
0x218: {  	s9 =	smulhi.u32 $0x68DB8BAD, s7;
	s7 =	sshra.s32 s7, $0x1F  }
0x219: {  	(v2sf) =	vpush v15, $0x3;
	s8 =	spop (v2sf);
	s7 =	smul.u32 $0x68DB8BAD, s7  }
0x21a: {  	(v2sf) =	vpush v15, $0x4;
	s13 =	smulhi.u32 $0x68DB8BAD, s8;
	s8 =	sshra.s32 s8, $0x1F  }
0x21b: {  	(v2sf) =	vpush v15, $0x5;
	s10 =	spop (v2sf);
	s8 =	smul.u32 $0x68DB8BAD, s8  }
0x21c: {  	(v2sf) =	vpush v15, $0x6;
	s14 =	smulhi.u32 $0x68DB8BAD, s10;
	s10 =	sshra.s32 s10, $0x1F  }
0x21d: {  	(v2sf) =	vpush v15, $0x7;
	s11 =	spop (v2sf);
	s17 =	smul.u32 $0x68DB8BAD, s10  }
0x21e: {  	s20 =	smulhi.u32 $0x68DB8BAD, s11;
	s31 =	sshra.s32 s11, $0x1F  }
0x21f: {  	s12 =	spop (v2sf);
	s22 =	smul.u32 $0x68DB8BAD, s31  }
0x220: {  	s24 =	smulhi.u32 $0x68DB8BAD, s12;
	s11 =	sshra.s32 s12, $0x1F  }
0x221: {  	s10 =	sadd.s32 s2, s4;
	s15 =	spop (v2sf);
	s26 =	smul.u32 $0x68DB8BAD, s11  }
0x222: {  	s30 =	sshrl.u32 s10, $0x1F;
	s29 =	smulhi.u32 $0x68DB8BAD, s15;
	s12 =	sshra.s32 s15, $0x1F  }
0x223: {  	s16 =	spop (v2sf);
	s11 =	sadd.s32 s7, s9;
	s2 =	smul.u32 $0x68DB8BAD, s12  }
0x224: {  	s19 =	spop (v2sf);
	s4 =	smulhi.u32 $0x68DB8BAD, s16;
	s15 =	sshra.s32 s16, $0x1F  }
0x225: {  	s12 =	sadd.s32 s5, s6;
	s6 =	sadd.s32 s8, s13;
	s5 =	smul.u32 $0x68DB8BAD, s15  }
0x226: {  	s21 =	spop (v2sf);
	s7 =	smulhi.u32 $0x68DB8BAD, s19;
	s16 =	sshra.s32 s19, $0x1F  }
0x227: {  	s31 =	sshrl.u32 s12, $0x1F;
	s19 =	sshrl.u32 s11, $0x1F;
	s8 =	smul.u32 $0x68DB8BAD, s16  }
0x228: {  	s23 =	spop (v2sf);
	s16 =	sadd.s32 s17, s14;
	s9 =	smulhi.u32 $0x68DB8BAD, s21  }
0x229: {  	s15 =	sshra.s32 s21, $0x1F;
	s17 =	sadd.s32 s22, s20;
	s25 =	spop (v2sf)  }
0x22a: {  	s14 =	sadd.s32 s26, s24;
	s15 =	smul.u32 $0x68DB8BAD, s15;
	s28 =	spop (v2sf)  }
0x22b: {  	s20 =	smulhi.u32 $0x68DB8BAD, s23;
	s26 =	sshra.s32 s23, $0x1F;
	s18 =	spop (v2sf)  }
0x22c: {  	s13 =	sadd.s32 s2, s29;
	s2 =	smul.u32 $0x68DB8BAD, s26;
	s29 =	spop (v2sf)  }
0x22d: {  	s4 =	sadd.s32 s5, s4;
	s5 =	smulhi.u32 $0x68DB8BAD, s29;
	s22 =	sshra.s32 s29, $0x1F  }
0x22e: {  	s12 =	sshra.s32 s12, $0xC;
	s21 =	sshrl.u32 s6, $0x1F;
	s22 =	smul.u32 $0x68DB8BAD, s22  }
0x22f: {  	s23 =	sshrl.u32 s16, $0x1F;
	s26 =	smulhi.u32 $0x68DB8BAD, s25;
	s29 =	sshra.s32 s25, $0x1F  }
0x230: {  	s9 =	sadd.s32 s15, s9;
	s25 =	smul.u32 $0x68DB8BAD, s29;
	s15 =	sadd.s32 s22, s5  }
0x231: {  	vm0 =	vcmask $0x300;
	v17 =	vmov s31;
	s24 =	sshrl.u32 s17, $0x1F;
	s7 =	sadd.s32 s8, s7;
	s8 =	sshra.s32 s15, $0x1F  }
0x232: {  	vm3 =	vcmask $0x2B28;
	v17 =	vsel vm12, s30, v17;
	s2 =	sadd.s32 s2, s20;
	s20 =	sadd.s32 s25, s26;
	s25 =	sshra.s32 s4, $0xC;
	v16 =	vmov s8  }
0x233: {  	s17 =	sshra.s32 s17, $0xC;
	v17 =	vsel vm1, s19, v17;
	v19 =	vmov s24;
	s26 =	sshrl.u32 s4, $0x1F;
	s4 =	sshra.s32 s4, $0x1F;
	v16 =	vsel vm0, s25, v16  }
0x234: {  	s19 =	sshra.s32 s10, $0xC;
	v19 =	vsel vm12, s23, v19;
	s23 =	sshra.s32 s14, $0xC;
	s29 =	sshra.s32 s7, $0xC;
	v18 =	vmov s26;
	v16 =	vsel vm11, s4, v16  }
0x235: {  	s30 =	sshrl.u32 s9, $0x1F;
	s8 =	sshrl.u32 s7, $0x1F;
	v18 =	vnsel vm0, $0x0, v18;
	s7 =	sshra.s32 s7, $0x1F;
	vm0 =	vcmask $0xF0C;
	v16 =	vsel vm12, s29, v16  }
0x236: {  	vm5 =	vcmask $0x3330;
	v17 =	vsel vm2, s21, v17;
	s21 =	sshra.s32 s9, $0xC;
	s9 =	sshra.s32 s9, $0x1F;
	s24 =	sshrl.u32 s2, $0x1F;
	v16 =	vsel vm0, s7, v16  }
0x237: {  	v46 =	vmov s12;
	s5 =	sshrl.u32 s14, $0x1F;
	s22 =	sshrl.u32 s13, $0x1F;
	s25 =	smulhi.u32 $0x68DB8BAD, s28;
	v18 =	vsel vm12, s8, v18;
	v16 =	vsel vm1, s21, v16  }
0x238: {  	v19 =	vsel vm1, s5, v19;
	s28 =	sshra.s32 s28, $0x1F;
	s8 =	smulhi.u32 $0x68DB8BAD, s18;
	v18 =	vsel vm1, s30, v18;
	s30 =	sshra.s32 s2, $0xC;
	v16 =	vsel vm13, s9, v16  }
0x239: {  	v20 =	vmov s17;
	v19 =	vsel vm2, s22, v19;
	s18 =	sshra.s32 s18, $0x1F;
	s31 =	smul.u32 $0x68DB8BAD, s28;
	s2 =	sshra.s32 s2, $0x1F;
	v16 =	vsel vm2, s30, v16  }
0x23a: {  	s22 =	sshra.s32 s11, $0xC;
	v17 =	vcombine.low v19, v17;
	s26 =	smul.u32 $0x68DB8BAD, s18;
	vm0 =	vcmask $0x2320;
	s9 =	sshra.s32 s20, $0xC;
	v16 =	vsel vm14, s2, v16  }
0x23b: {  	v19 =	vsel vm12, s19, v46;
	s18 =	sshra.s32 s20, $0x1F;
	v18 =	vsel vm2, s24, v18;
	s29 =	sshrl.u32 s20, $0x1F;
	s28 =	sadd.s32 s31, s25;
	v16 =	vsel vm0, s9, v16  }
0x23c: {  	v19 =	vsel vm1, s22, v19;
	s25 =	sshra.s32 s6, $0xC;
	v18 =	vsel vm0, s29, v18;
	s21 =	sshra.s32 s28, $0xC;
	s20 =	sshra.s32 s16, $0xC;
	v16 =	vsel vm15, s18, v16  }
0x23d: {  	s7 =	sadd.s32 s26, s8;
	s31 =	sshrl.u32 s28, $0x1F;
	s24 =	sshra.s32 s28, $0x1F;
	v19 =	vsel vm2, s25, v19;
	v20 =	vsel vm12, s20, v20;
	v16 =	vsel vm3, s21, v16  }
0x23e: {  	s26 =	sshra.s32 s13, $0xC;
	s8 =	sshrl.u32 s7, $0x1F;
	s28 =	sshra.s32 s7, $0xC;
	v18 =	vsel vm3, s31, v18;
	v20 =	vsel vm1, s23, v20;
	v16 =	vsel vm4, s24, v16  }
0x23f: {  	s29 =	sshrl.u32 s15, $0x1F;
	v18 =	vsel vm5, s8, v18;
	s30 =	sshra.s32 s7, $0x1F;
	v20 =	vsel vm2, s26, v20;
	v16 =	vsel vm5, s28, v16  }
0x240: {  	s31 =	sshra.s32 s15, $0xC;
	v18 =	vsel vm7, s29, v18;
	v19 =	vcombine.low v20, v19;
	v16 =	vsel vm6, s30, v16  }
0x241: {  	v17 =	vperm.xlane v17, v13;
	v18 =	vperm.xlane v18, v14;
	v16 =	vsel vm7, s31, v16  }
0x242: {  	v19 =	vperm.xlane v19, v13;
	v16 =	vperm.xlane v16, v14  }
0x243: {  	v47 =	vld [tilespmem:$0x2180]  }
0x244: {  	v48 =	vld [tilespmem:$0x2190];
	v17 =	vsel vm8, v18, v17;
	v16 =	vsel vm8, v16, v19  }
0x245: {  	v50 =	vld [tilespmem:$0x21A0];
	v16 =	vadd.s32 v17, v16  }
0x246: {  	v49 =	vadd.s32 v0, v16  }
0x247: {  	v21 =	vld [tilespmem:$0x21B0];
	v16 =	vmul.u32 $0x18F0, v16;
	vm9 =	veq.s32 v49, $0x0;
	vm10 =	veq.s32 v49, $0x1  }
0x248: {  	v24 =	vld [tilespmem:$0x21C0];
	v22 =	vsel vm9, $0x1, v12;
	v23 =	vnsel vm9, $0x0, v47;
	v51 =	vsel vm10, $0x1, v12  }
0x249: {  	vm9 =	veq.s32 v49, $0x2;
	v18 =	vadd.s32 v22, v47;
	v23 =	vsel vm10, v48, v23  }
0x24a: {  	v25 =	vld [tilespmem:$0x21D0];
	v53 =	vsel vm9, $0x1, v12;
	v52 =	vsel vm9, v50, v23;
	vm9 =	veq.s32 v49, $0x3  }
0x24b: {  	v17 =	vadd.s32 v51, v48;
	[tilespmem:$0x2180] =	vst v18;
	v54 =	vadd.s32 v53, v50;
	v56 =	vsel vm9, $0x1, v12  }
0x24c: {  	[tilespmem:$0x2190] =	vst v17;
	v55 =	vsel vm9, v21, v52;
	vm9 =	veq.s32 v49, $0x4;
	v57 =	vadd.s32 v56, v21  }
0x24d: {  	p1 =	sne.s32 s0, $0x18C0;
	[tilespmem:$0x21A0] =	vst v54;
	v58 =	vsel vm9, v24, v55;
	v59 =	vsel vm9, $0x1, v12;
	vm9 =	vgt.u32 v49, $0x4  }
.Ltmp10:
0x24e: {  	v15 =	vadd.s32 v15, v16;
	[tilespmem:$0x21B0] =	vst v57;
	v60 =	vadd.s32 v59, v24;
	v61 =	vsel vm9, $0x1, v12;
	(pc) =	sbr.rel @p1 .LBB2_13-.Ltmp10, $4  }
0x24f: {  	v15 =	vshll.u32 v15, $0x12;
	v18 =	vsel vm9, v25, v58;
	[tilespmem:$0x21C0] =	vst v60;
	v62 =	vadd.s32 v61, v25  }
0x250: {  	v15 =	vor.u32 s1, v15;
	v63 =	vadd.s32 v1, v18;
	[tilespmem:$0x21D0] =	vst v62  }
0x251: {  	v15 =	vor.u32 v2, v15;
	[tilespmem:s3+$0x1380] =	vst v63  }
0x252: {  	s0 =	sadd.s32 $0x40, s0;
	s1 =	sadd.s32 $0x10, s1;
	[tilespmem:s3+$0x1A00] =	vst v15  }
0x253: {  	s0 =	rddreg [dreg:$0x3];
	s1 =	simm.s32 $0x640;
	s2 =	simm.s32 $0x680  }
.Ltmp11:
0x254: {  	s3 =	simm.s32 $0xD00;
	s4 =	simm.s32 $0x3;
	(pc) =	sbr.rel .LBB2_15-.Ltmp11, $4  }
0x255: {  	[spmem:s0] =	stream.indirect.scatter [tilespmem:s3], [sflag:$0x3], $0x1, s2, s1, $0xb8;
	[tilespmem:$0x1FD30] =	vst v63  }
0x256: {  	_ =	swait.ge [sflag:s4], $0x640  }
0x257: {  	[sflag:s4] =	ssyncset.done $0x0  }
0x258: {  	[sflag:s4] =	ssyncadd.s32 $0xFFFFF9C0  }
.LBB2_16:
0x259: {  	[bflag:$0x0] =	sbarrier.arrive $0xFFFF  }
0x25a: {  	s7 =	rddreg [dreg:$0x1]  }
.Ltmp12:
0x25b: {  	s8 =	rddreg [dreg:$0x2];
	(pc) =	sbr.rel .LBB2_17-.Ltmp12, $4  }
0x25c: {  	s24 =	rddreg [dreg:$0x5]  }
0x25d: {  	s26 =	rddreg [dreg:$0x9]  }
0x25e: {  	s28 =	rddreg [dreg:$0xa]  }
0x25f: {  	s9 =	simm.s32 $0x0;
	s25 =	stileid.u32;
	s30 =	rddreg [dreg:$0xb]  }
.LBB2_23:
0x260: {  	s0 =	sadd.s32 s28, s9  }
0x261: {  	[bflag:$0x0] =	sbarrier.arrive $0xFFFF;
	s2 =	sshll.u32 s25, $0x6;
	s1 =	smul.u32 $0x27100, s0  }
0x262: {  	s9 =	sadd.s32 $0x1, s9;
	s3 =	rddreg [dreg:$0x15];
	s2 =	sor.u32 $0x1C03, s2  }
0x263: {  	s0 =	smul.u32 @!p0 $0x138800, s0;
	s31 =	rddreg [dreg:$0x17];
	s1 =	sadd.s32 s3, s1  }
0x264: {  	[hbm:s1], [sflag:s2] =	dma.local [spmem:s31], $0x2700  }
0x265: {  	p1 =	sne.s32 s9, $0x5;
	s0 =	sshrl.u32 @!p0 s0, $0x3;
	_ =	swait.ge [sflag:s4], $0x2700  }
0x266: {  	s0 =	sadd.s32 @!p0 s7, s0;
	s1 =	simm.s32 @!p0 $0x1C02;
	[sflag:s4] =	ssyncset.done $0x0  }
0x267: {  	s0 =	sadd.s32 @!p0 $0x27000, s0;
	s2 =	rddreg [dreg:$0x18];
	[sflag:s4] =	ssyncadd.s32 $0xFFFFD900  }
0x268: {  	[hbm:s0], [sflag:s1] =	dma.local @!p0 [spmem:s2], $0x100  }
.Ltmp13:
0x269: {  	_ = 	snop;
	(pc) =	sbr.rel @!p1 .LBB2_24-.Ltmp13, $4  }
0x26a: {  	s0 =	simm.s32 @!p0 $0x2  }
0x26b: {  	_ =	swait.ge @!p0 [sflag:s0], $0x100  }
0x26c: {  	[sflag:s0] =	ssyncset.done @!p0 $0x0  }
0x26d: {  	[sflag:s0] =	ssyncadd.s32 @!p0 $0xFFFFFF00  }
.LBB2_17:
0x26e: {  	s3 =	simm.s32 $0x6A00  }
0x26f: {  	[spmem:s26] =	stream.linear.scatter [tilespmem:s3], [sflag:$0x1], $0x2000, $0x38;
	[tilespmem:$0x1FD30] =	vst v63  }
0x270: {  	s0 =	rddreg [dreg:$0xc]  }
0x271: {  	[spmem:s30] =	stream.linear.scatter [tilespmem:s3], [sflag:$0x1], $0x2000, $0x38;
	[tilespmem:$0x1FD30] =	vst v63  }
0x272: {  	s14 =	rddreg [dreg:$0xd]  }
0x273: {  	[spmem:s0] =	stream.linear.scatter [tilespmem:s3], [sflag:$0x1], $0x2000, $0x38;
	[tilespmem:$0x1FD30] =	vst v63  }
0x274: {  	s15 =	rddreg [dreg:$0xe]  }
0x275: {  	[spmem:s14] =	stream.linear.scatter [tilespmem:s3], [sflag:$0x1], $0x2000, $0x38;
	[tilespmem:$0x1FD30] =	vst v63  }
0x276: {  	s16 =	rddreg [dreg:$0xf]  }
0x277: {  	[spmem:s15] =	stream.linear.scatter [tilespmem:s3], [sflag:$0x1], $0x2000, $0x38;
	[tilespmem:$0x1FD30] =	vst v63  }
0x278: {  	s17 =	rddreg [dreg:$0x10]  }
0x279: {  	[spmem:s16] =	stream.linear.scatter [tilespmem:s3], [sflag:$0x1], $0x2000, $0x38;
	[tilespmem:$0x1FD30] =	vst v63  }
0x27a: {  	s18 =	rddreg [dreg:$0x11]  }
0x27b: {  	[spmem:s17] =	stream.linear.scatter [tilespmem:s3], [sflag:$0x1], $0x2000, $0x38;
	[tilespmem:$0x1FD30] =	vst v63  }
0x27c: {  	s1 =	sld [smem:s9+$0x0]  }
0x27d: {  	[spmem:s18] =	stream.linear.scatter [tilespmem:s3], [sflag:$0x1], $0x2000, $0x38;
	[tilespmem:$0x1FD30] =	vst v63  }
0x27e: {  	s19 =	rddreg [dreg:$0x12]  }
0x27f: {  	[spmem:s19] =	stream.linear.scatter [tilespmem:s3], [sflag:$0x1], $0x2000, $0x38;
	[tilespmem:$0x1FD30] =	vst v63  }
0x280: {  	s20 =	rddreg [dreg:$0x13];
	s5 =	simm.s32 $0x1  }
0x281: {  	[spmem:s20] =	stream.linear.scatter [tilespmem:s3], [sflag:$0x1], $0x2000, $0x38;
	[tilespmem:$0x1FD30] =	vst v63  }
0x282: {  	s2 =	sld [smem:s9+$0x80];
	_ =	swait.ge [sflag:s5], $0x2000  }
0x283: {  	[sflag:s5] =	ssyncset.done $0x0  }
0x284: {  	[sflag:s5] =	ssyncadd.s32 $0xFFFFE000  }
0x285: {  	_ =	swait.ge [sflag:s5], $0x2000  }
0x286: {  	[sflag:s5] =	ssyncset.done $0x0  }
0x287: {  	[sflag:s5] =	ssyncadd.s32 $0xFFFFE000  }
0x288: {  	_ =	swait.ge [sflag:s5], $0x2000  }
0x289: {  	[sflag:s5] =	ssyncset.done $0x0  }
0x28a: {  	[sflag:s5] =	ssyncadd.s32 $0xFFFFE000  }
0x28b: {  	_ =	swait.ge [sflag:s5], $0x2000  }
0x28c: {  	[sflag:s5] =	ssyncset.done $0x0  }
0x28d: {  	[sflag:s5] =	ssyncadd.s32 $0xFFFFE000  }
0x28e: {  	_ =	swait.ge [sflag:s5], $0x2000  }
0x28f: {  	[sflag:s5] =	ssyncset.done $0x0  }
0x290: {  	[sflag:s5] =	ssyncadd.s32 $0xFFFFE000  }
0x291: {  	_ =	swait.ge [sflag:s5], $0x2000  }
0x292: {  	[sflag:s5] =	ssyncset.done $0x0  }
0x293: {  	[sflag:s5] =	ssyncadd.s32 $0xFFFFE000  }
0x294: {  	_ =	swait.ge [sflag:s5], $0x2000  }
0x295: {  	[sflag:s5] =	ssyncset.done $0x0  }
0x296: {  	[sflag:s5] =	ssyncadd.s32 $0xFFFFE000  }
0x297: {  	_ =	swait.ge [sflag:s5], $0x2000  }
0x298: {  	[sflag:s5] =	ssyncset.done $0x0  }
0x299: {  	[sflag:s5] =	ssyncadd.s32 $0xFFFFE000  }
0x29a: {  	s21 =	sadd.s32 $0x7F, s2;
	_ =	swait.ge [sflag:s5], $0x2000  }
0x29b: {  	s22 =	sshra.s32 s21, $0x1F;
	[sflag:s5] =	ssyncset.done $0x0  }
0x29c: {  	s14 =	simm.s32 $0x0;
	s3 =	sshrl.u32 s22, $0x19;
	[sflag:s5] =	ssyncadd.s32 $0xFFFFE000  }
0x29d: {  	s15 =	simm.s32 $0x0;
	s0 =	sadd.s32 s3, s21;
	_ =	swait.ge [sflag:s5], $0x2000  }
.Ltmp14:
0x29e: {  	s0 =	sshra.s32 s0, $0x7;
	[sflag:s5] =	ssyncset.done $0x0;
	(pc) =	sbr.rel .LBB2_18-.Ltmp14, $4  }
0x29f: {  	s16 =	simm.s32 $0x0;
	s3 =	sadd.s32 $0xFFFFFFFF, s0;
	[sflag:s5] =	ssyncadd.s32 $0xFFFFE000  }
0x2a0: {  	s31 =	sadd.s32 $0xFFFFFFFD, s0;
	s6 =	sadd.s32 $0xFFFFFFFC, s0;
	[bflag:$0x0] =	sbarrier.arrive $0xFFFF  }
0x2a1: {  	s11 =	sadd.s32 $0xFFFFFFFB, s0;
	s12 =	sadd.s32 $0xFFFFFFFA, s0;
	s23 =	rddreg [dreg:$0x14]  }
0x2a2: {  	v15 =	vmov s2;
	s13 =	sadd.s32 $0xFFFFFFF9, s0;
	s1 =	sadd.s32 s1, s23;
	s23 =	sadd.s32 $0xFFFFFFFE, s0  }
.LBB2_22:
0x2a3: {  	p1 =	slt.s32 s17, s0  }
0x2a4: {  	s2 =	simm.s32 @p1 $0x80;
	s4 =	simm.s32 @p1 $0x2600;
	s5 =	simm.s32 @p1 $0x2A00  }
0x2a5: {  	[tilespmem:s5], [sflag:$0x1] =	stream.indirect.gather @p1 [hbm4b:s24+s2], $0x80, s4, s2, $0xb8;
	[tilespmem:$0x1FD30] =	vst v63  }
0x2a6: {  	s4 =	simm.s32 @p1 $0x1  }
0x2a7: {  	_ =	swait.ge @p1 [sflag:s4], $0x4000  }
0x2a8: {  	[sflag:s4] =	ssyncset.done @p1 $0x0  }
0x2a9: {  	[sflag:s4] =	ssyncadd.s32 @p1 $0xFFFFC000;
	s4 =	simm.s32 @p1 $0x2200  }
0x2aa: {  	[spmem:s8] =	stream.indirect.scatter.add.f32 @p1 [tilespmem:s5], [sflag:$0x3], $0x80, s4, s2, $0xb8;
	[tilespmem:$0x1FD30] =	vst v63  }
0x2ab: {  	s2 =	simm.s32 @p1 $0x3  }
0x2ac: {  	_ =	swait.ge @p1 [sflag:s2], $0x4000  }
0x2ad: {  	[sflag:s2] =	ssyncset.done @p1 $0x0  }
0x2ae: {  	[sflag:s2] =	ssyncadd.s32 @p1 $0xFFFFC000;
	p1 =	sge.s32 s17, s3  }
0x2af: {  	s2 =	simm.s32 @!p1 $0x80;
	s4 =	simm.s32 @!p1 $0x2680;
	s5 =	simm.s32 @!p1 $0x2A00  }
0x2b0: {  	[tilespmem:s5], [sflag:$0x1] =	stream.indirect.gather @!p1 [hbm4b:s24+s2], $0x80, s4, s2, $0xb8;
	[tilespmem:$0x1FD30] =	vst v63  }
0x2b1: {  	s4 =	simm.s32 @!p1 $0x1  }
0x2b2: {  	_ =	swait.ge @!p1 [sflag:s4], $0x4000  }
0x2b3: {  	[sflag:s4] =	ssyncset.done @!p1 $0x0  }
0x2b4: {  	[sflag:s4] =	ssyncadd.s32 @!p1 $0xFFFFC000;
	s4 =	simm.s32 @!p1 $0x2280  }
0x2b5: {  	[spmem:s8] =	stream.indirect.scatter.add.f32 @!p1 [tilespmem:s5], [sflag:$0x3], $0x80, s4, s2, $0xb8;
	[tilespmem:$0x1FD30] =	vst v63  }
0x2b6: {  	s2 =	simm.s32 @!p1 $0x3  }
0x2b7: {  	_ =	swait.ge @!p1 [sflag:s2], $0x4000  }
0x2b8: {  	[sflag:s2] =	ssyncset.done @!p1 $0x0  }
0x2b9: {  	[sflag:s2] =	ssyncadd.s32 @!p1 $0xFFFFC000;
	p1 =	sge.s32 s17, s23  }
0x2ba: {  	s2 =	simm.s32 @!p1 $0x80;
	s4 =	simm.s32 @!p1 $0x2700;
	s5 =	simm.s32 @!p1 $0x2A00  }
0x2bb: {  	[tilespmem:s5], [sflag:$0x1] =	stream.indirect.gather @!p1 [hbm4b:s24+s2], $0x80, s4, s2, $0xb8;
	[tilespmem:$0x1FD30] =	vst v63  }
0x2bc: {  	s4 =	simm.s32 @!p1 $0x1  }
0x2bd: {  	_ =	swait.ge @!p1 [sflag:s4], $0x4000  }
0x2be: {  	[sflag:s4] =	ssyncset.done @!p1 $0x0  }
0x2bf: {  	[sflag:s4] =	ssyncadd.s32 @!p1 $0xFFFFC000;
	s4 =	simm.s32 @!p1 $0x2300  }
0x2c0: {  	[spmem:s8] =	stream.indirect.scatter.add.f32 @!p1 [tilespmem:s5], [sflag:$0x3], $0x80, s4, s2, $0xb8;
	[tilespmem:$0x1FD30] =	vst v63  }
0x2c1: {  	s2 =	simm.s32 @!p1 $0x3  }
0x2c2: {  	_ =	swait.ge @!p1 [sflag:s2], $0x4000  }
0x2c3: {  	[sflag:s2] =	ssyncset.done @!p1 $0x0  }
0x2c4: {  	[sflag:s2] =	ssyncadd.s32 @!p1 $0xFFFFC000;
	p1 =	sge.s32 s17, s31  }
0x2c5: {  	s2 =	simm.s32 @!p1 $0x80;
	s4 =	simm.s32 @!p1 $0x2780;
	s5 =	simm.s32 @!p1 $0x2A00  }
0x2c6: {  	[tilespmem:s5], [sflag:$0x1] =	stream.indirect.gather @!p1 [hbm4b:s24+s2], $0x80, s4, s2, $0xb8;
	[tilespmem:$0x1FD30] =	vst v63  }
0x2c7: {  	s4 =	simm.s32 @!p1 $0x1  }
0x2c8: {  	_ =	swait.ge @!p1 [sflag:s4], $0x4000  }
0x2c9: {  	[sflag:s4] =	ssyncset.done @!p1 $0x0  }
0x2ca: {  	[sflag:s4] =	ssyncadd.s32 @!p1 $0xFFFFC000;
	s4 =	simm.s32 @!p1 $0x2380  }
0x2cb: {  	[spmem:s8] =	stream.indirect.scatter.add.f32 @!p1 [tilespmem:s5], [sflag:$0x3], $0x80, s4, s2, $0xb8;
	[tilespmem:$0x1FD30] =	vst v63  }
0x2cc: {  	s2 =	simm.s32 @!p1 $0x3  }
0x2cd: {  	_ =	swait.ge @!p1 [sflag:s2], $0x4000  }
0x2ce: {  	[sflag:s2] =	ssyncset.done @!p1 $0x0  }
0x2cf: {  	[sflag:s2] =	ssyncadd.s32 @!p1 $0xFFFFC000;
	p1 =	sge.s32 s17, s6  }
0x2d0: {  	s2 =	simm.s32 @!p1 $0x80;
	s4 =	simm.s32 @!p1 $0x2800;
	s5 =	simm.s32 @!p1 $0x2A00  }
0x2d1: {  	[tilespmem:s5], [sflag:$0x1] =	stream.indirect.gather @!p1 [hbm4b:s24+s2], $0x80, s4, s2, $0xb8;
	[tilespmem:$0x1FD30] =	vst v63  }
0x2d2: {  	s4 =	simm.s32 @!p1 $0x1  }
0x2d3: {  	_ =	swait.ge @!p1 [sflag:s4], $0x4000  }
0x2d4: {  	[sflag:s4] =	ssyncset.done @!p1 $0x0  }
0x2d5: {  	[sflag:s4] =	ssyncadd.s32 @!p1 $0xFFFFC000;
	s4 =	simm.s32 @!p1 $0x2400  }
0x2d6: {  	[spmem:s8] =	stream.indirect.scatter.add.f32 @!p1 [tilespmem:s5], [sflag:$0x3], $0x80, s4, s2, $0xb8;
	[tilespmem:$0x1FD30] =	vst v63  }
0x2d7: {  	s2 =	simm.s32 @!p1 $0x3  }
0x2d8: {  	_ =	swait.ge @!p1 [sflag:s2], $0x4000  }
0x2d9: {  	[sflag:s2] =	ssyncset.done @!p1 $0x0  }
0x2da: {  	[sflag:s2] =	ssyncadd.s32 @!p1 $0xFFFFC000;
	p1 =	sge.s32 s17, s11  }
0x2db: {  	s2 =	simm.s32 @!p1 $0x80;
	s4 =	simm.s32 @!p1 $0x2880;
	s5 =	simm.s32 @!p1 $0x2A00  }
0x2dc: {  	[tilespmem:s5], [sflag:$0x1] =	stream.indirect.gather @!p1 [hbm4b:s24+s2], $0x80, s4, s2, $0xb8;
	[tilespmem:$0x1FD30] =	vst v63  }
0x2dd: {  	s4 =	simm.s32 @!p1 $0x1  }
0x2de: {  	_ =	swait.ge @!p1 [sflag:s4], $0x4000  }
0x2df: {  	[sflag:s4] =	ssyncset.done @!p1 $0x0  }
0x2e0: {  	[sflag:s4] =	ssyncadd.s32 @!p1 $0xFFFFC000;
	s4 =	simm.s32 @!p1 $0x2480  }
0x2e1: {  	[spmem:s8] =	stream.indirect.scatter.add.f32 @!p1 [tilespmem:s5], [sflag:$0x3], $0x80, s4, s2, $0xb8;
	[tilespmem:$0x1FD30] =	vst v63  }
0x2e2: {  	s2 =	simm.s32 @!p1 $0x3  }
0x2e3: {  	_ =	swait.ge @!p1 [sflag:s2], $0x4000  }
0x2e4: {  	[sflag:s2] =	ssyncset.done @!p1 $0x0  }
0x2e5: {  	[sflag:s2] =	ssyncadd.s32 @!p1 $0xFFFFC000;
	p1 =	sge.s32 s17, s12  }
0x2e6: {  	s2 =	simm.s32 @!p1 $0x80;
	s4 =	simm.s32 @!p1 $0x2900;
	s5 =	simm.s32 @!p1 $0x2A00  }
0x2e7: {  	[tilespmem:s5], [sflag:$0x1] =	stream.indirect.gather @!p1 [hbm4b:s24+s2], $0x80, s4, s2, $0xb8;
	[tilespmem:$0x1FD30] =	vst v63  }
0x2e8: {  	s4 =	simm.s32 @!p1 $0x1  }
0x2e9: {  	_ =	swait.ge @!p1 [sflag:s4], $0x4000  }
0x2ea: {  	[sflag:s4] =	ssyncset.done @!p1 $0x0  }
0x2eb: {  	[sflag:s4] =	ssyncadd.s32 @!p1 $0xFFFFC000;
	s4 =	simm.s32 @!p1 $0x2500  }
0x2ec: {  	[spmem:s8] =	stream.indirect.scatter.add.f32 @!p1 [tilespmem:s5], [sflag:$0x3], $0x80, s4, s2, $0xb8;
	[tilespmem:$0x1FD30] =	vst v63  }
0x2ed: {  	s2 =	simm.s32 @!p1 $0x3  }
0x2ee: {  	_ =	swait.ge @!p1 [sflag:s2], $0x4000  }
0x2ef: {  	[sflag:s2] =	ssyncset.done @!p1 $0x0  }
0x2f0: {  	[sflag:s2] =	ssyncadd.s32 @!p1 $0xFFFFC000;
	p1 =	sge.s32 s17, s13  }
0x2f1: {  	s2 =	simm.s32 @!p1 $0x80;
	s4 =	simm.s32 @!p1 $0x2980;
	s5 =	simm.s32 @!p1 $0x2A00  }
0x2f2: {  	[tilespmem:s5], [sflag:$0x1] =	stream.indirect.gather @!p1 [hbm4b:s24+s2], $0x80, s4, s2, $0xb8;
	[tilespmem:$0x1FD30] =	vst v63  }
0x2f3: {  	s4 =	simm.s32 @!p1 $0x1  }
0x2f4: {  	_ =	swait.ge @!p1 [sflag:s4], $0x4000  }
0x2f5: {  	[sflag:s4] =	ssyncset.done @!p1 $0x0  }
0x2f6: {  	[sflag:s4] =	ssyncadd.s32 @!p1 $0xFFFFC000;
	s4 =	simm.s32 @!p1 $0x2580  }
0x2f7: {  	[spmem:s8] =	stream.indirect.scatter.add.f32 @!p1 [tilespmem:s5], [sflag:$0x3], $0x80, s4, s2, $0xb8;
	[tilespmem:$0x1FD30] =	vst v63  }
0x2f8: {  	s2 =	simm.s32 @!p1 $0x3  }
0x2f9: {  	_ =	swait.ge @!p1 [sflag:s2], $0x4000  }
0x2fa: {  	s16 =	sadd.s32 $0x1, s16;
	[sflag:s2] =	ssyncset.done @!p1 $0x0  }
0x2fb: {  	[sflag:s2] =	ssyncadd.s32 @!p1 $0xFFFFC000;
	p1 =	sne.s32 s16, $0xD  }
.Ltmp15:
0x2fc: {  	_ = 	snop;
	(pc) =	sbr.rel @!p1 .LBB2_23-.Ltmp15, $3  }
0x2fd: {  	_ =	sdelay $0x1  }
0x2fe: {  	s15 =	sadd.s32 $0x8, s15  }
0x2ff: {  	s14 =	sadd.s32 $0x400, s14;
	s1 =	sadd.s32 $0x400, s1;
	s4 =	simm.s32 $0x3  }
.LBB2_18:
.Ltmp16:
0x300: {  	(pc) =	sbr.rel .LBB2_19-.Ltmp16, $4  }
0x301: {  	_ = 	snop  }
0x302: {  	s17 =	sshll.u32 s16, $0x3  }
0x303: {  	s10 =	simm.s32 $0x0;
	s18 =	simm.s32 $0x2640;
	s19 =	simm.s32 $0x2240  }
0x304: {  	s20 =	smov.u32 s1;
	s21 =	smov.u32 s15;
	s5 =	simm.s32 $0x2080  }
.LBB2_21:
0x305: {  	s10 =	sadd.s32 $0x80, s10  }
0x306: {  	p1 =	seq.s32 s10, $0x400  }
.Ltmp17:
0x307: {  	_ = 	snop;
	(pc) =	sbr.rel @p1 .LBB2_22-.Ltmp17, $3  }
0x308: {  	_ =	sdelay $0x1  }
0x309: {  	s21 =	sadd.s32 $0x1, s21  }
0x30a: {  	s20 =	sadd.s32 $0x80, s20;
	s18 =	sadd.s32 $0x80, s18;
	s19 =	sadd.s32 $0x80, s19  }
.LBB2_19:
0x30b: {  	p1 =	sge.s32 s21, s0  }
.Ltmp18:
0x30c: {  	_ = 	snop;
	(pc) =	sbr.rel @p1 .LBB2_21-.Ltmp18, $1  }
0x30d: {  	_ =	sdelay $0x3  }
0x30e: {  	[tilespmem:s5], [sflag:$0x3] =	stream.linear.gather [spmem:s20], $0x80, $0x38;
	[tilespmem:$0x1FD30] =	vst v63  }
0x30f: {  	_ =	swait.ge [sflag:s4], $0x80  }
0x310: {  	[sflag:s4] =	ssyncset.done $0x0  }
0x311: {  	[sflag:s4] =	ssyncadd.s32 $0xFFFFFF80  }
0x312: {  	v16 =	vld [tilespmem:$0x2080];
	_ =	sdelay $0x2  }
0x313: {  	s22 =	sadd.s32 s10, s14  }
0x314: {  	v17 =	vor.u32 s22, v2  }
0x315: {  	vm9 =	vlt.s32 v17, v15;
	v17 =	vshrl.u32 v16, $0x12  }
0x316: {  	v16 =	vand.u32 $0x3FFFF, v16;
	v17 =	vsel vm9, v17, v3  }
0x317: {  	v16 =	vsel vm9, v16, v4;
	[tilespmem:s19+$0xFFFFFFC0] =	vst v17  }
0x318: {  	[tilespmem:s18+$0xFFFFFFC0] =	vst v16  }
0x319: {  	v16 =	vld [tilespmem:$0x2090];
	_ =	sdelay $0x2  }
0x31a: {  	s2 =	sadd.s32 $0x10, s22  }
0x31b: {  	v17 =	vor.u32 s2, v2  }
0x31c: {  	vm9 =	vlt.s32 v17, v15;
	v17 =	vshrl.u32 v16, $0x12  }
0x31d: {  	v16 =	vand.u32 $0x3FFFF, v16;
	v17 =	vsel vm9, v17, v3  }
0x31e: {  	v16 =	vsel vm9, v16, v5;
	[tilespmem:s19+$0xFFFFFFD0] =	vst v17  }
0x31f: {  	[tilespmem:s18+$0xFFFFFFD0] =	vst v16  }
0x320: {  	v16 =	vld [tilespmem:$0x20A0];
	_ =	sdelay $0x2  }
0x321: {  	s2 =	sadd.s32 $0x20, s22  }
0x322: {  	v17 =	vor.u32 s2, v2  }
0x323: {  	vm9 =	vlt.s32 v17, v15;
	v17 =	vshrl.u32 v16, $0x12  }
0x324: {  	v16 =	vand.u32 $0x3FFFF, v16;
	v17 =	vsel vm9, v17, v3  }
0x325: {  	v16 =	vsel vm9, v16, v6;
	[tilespmem:s19+$0xFFFFFFE0] =	vst v17  }
0x326: {  	[tilespmem:s18+$0xFFFFFFE0] =	vst v16  }
0x327: {  	v16 =	vld [tilespmem:$0x20B0];
	_ =	sdelay $0x2  }
0x328: {  	s2 =	sadd.s32 $0x30, s22  }
0x329: {  	v17 =	vor.u32 s2, v2  }
0x32a: {  	vm9 =	vlt.s32 v17, v15;
	v17 =	vshrl.u32 v16, $0x12  }
0x32b: {  	v16 =	vand.u32 $0x3FFFF, v16;
	v17 =	vsel vm9, v17, v3  }
0x32c: {  	v16 =	vsel vm9, v16, v7;
	[tilespmem:s19+$0xFFFFFFF0] =	vst v17  }
0x32d: {  	[tilespmem:s18+$0xFFFFFFF0] =	vst v16  }
0x32e: {  	v16 =	vld [tilespmem:$0x20C0];
	_ =	sdelay $0x2  }
0x32f: {  	s2 =	sadd.s32 $0x40, s22  }
0x330: {  	v17 =	vor.u32 s2, v2  }
0x331: {  	vm9 =	vlt.s32 v17, v15;
	v17 =	vshrl.u32 v16, $0x12  }
0x332: {  	v16 =	vand.u32 $0x3FFFF, v16;
	v17 =	vsel vm9, v17, v3  }
0x333: {  	v16 =	vsel vm9, v16, v8;
	[tilespmem:s19+$0x0] =	vst v17  }
0x334: {  	[tilespmem:s18+$0x0] =	vst v16  }
0x335: {  	v16 =	vld [tilespmem:$0x20D0];
	_ =	sdelay $0x2  }
0x336: {  	s2 =	sadd.s32 $0x50, s22  }
0x337: {  	v17 =	vor.u32 s2, v2  }
0x338: {  	vm9 =	vlt.s32 v17, v15;
	v17 =	vshrl.u32 v16, $0x12  }
0x339: {  	v16 =	vand.u32 $0x3FFFF, v16;
	v17 =	vsel vm9, v17, v3  }
0x33a: {  	v16 =	vsel vm9, v16, v9;
	[tilespmem:s19+$0x10] =	vst v17  }
0x33b: {  	[tilespmem:s18+$0x10] =	vst v16  }
0x33c: {  	v16 =	vld [tilespmem:$0x20E0];
	_ =	sdelay $0x2  }
0x33d: {  	s2 =	sadd.s32 $0x60, s22  }
0x33e: {  	v17 =	vor.u32 s2, v2  }
0x33f: {  	vm9 =	vlt.s32 v17, v15;
	v17 =	vshrl.u32 v16, $0x12  }
0x340: {  	v16 =	vand.u32 $0x3FFFF, v16;
	v17 =	vsel vm9, v17, v3  }
0x341: {  	v16 =	vsel vm9, v16, v10;
	[tilespmem:s19+$0x20] =	vst v17  }
0x342: {  	[tilespmem:s18+$0x20] =	vst v16  }
0x343: {  	v16 =	vld [tilespmem:$0x20F0];
	_ =	sdelay $0x2  }
0x344: {  	s22 =	sadd.s32 $0x70, s22  }
.Ltmp19:
0x345: {  	v17 =	vor.u32 s22, v2;
	(pc) =	sbr.rel .LBB2_21-.Ltmp19, $4  }
0x346: {  	vm9 =	vlt.s32 v17, v15;
	v17 =	vshrl.u32 v16, $0x12  }
0x347: {  	v16 =	vand.u32 $0x3FFFF, v16;
	v17 =	vsel vm9, v17, v3  }
0x348: {  	v16 =	vsel vm9, v16, v11;
	[tilespmem:s19+$0x30] =	vst v17  }
0x349: {  	[tilespmem:s18+$0x30] =	vst v16  }
.LBB2_25:
0x34a: {  	_ =	sfence.sel $0x180000  }
0x34b: {  	[bflag:$0x0] =	sbarrier.arrive $0xFFFF  }
0x34c: {  	_ =	strace $0x90000047  }
0x34d: {  	[bflag:$0x2] =	sbarrier.arrive $0xFFFF  }
0x34e: {  	s0 =	rddreg [dreg:$0x4]  }
0x34f: {  	s0 =	sadd.s32 @!p0 $0x100000, s0  }
0x350: {  	[sflag:s0] =	ssyncadd.tile.s32 @!p0 $0x1;
	_ =	shalt  }
.Lfunc_end2:
_tile_overlayer_lowered:
.L_overlay_start_2:
0x351: {  	(tag) =	ssettag $0x2  }
0x352: {  	s0 =	rddreg [dreg:$0x0];
	s2 =	stileid.u32  }
0x353: {  	s1 =	rddreg [dreg:$0x1];
	p0 =	sne.s32 s2, $0x0  }
0x354: {  	s3 =	rddreg [dreg:$0x2];
	[bflag:$0x3] =	sbarrier.arrive $0xFFFF;
	s2 =	simm.s32 @!p0 $0x1C02  }
0x355: {  	[timem:s3], [sflag:s2] =	dma.local @!p0 [hbm:s0], s1  }
0x356: {  	s0 =	simm.s32 @!p0 $0x2  }
0x357: {  	_ =	swait.ge @!p0 [sflag:s0], s1  }
0x358: {  	s1 =	ssub.s32 @!p0 $0x0, s1;
	[sflag:s0] =	ssyncset.done @!p0 $0x0  }
0x359: {  	[sflag:s0] =	ssyncadd.s32 @!p0 s1  }
0x35a: {  	[bflag:$0x3] =	sbarrier.arrive $0xFFFF  }
0x35b: {  	_ =	shalt  }

</sc_bundles>
